<compile_context>
chip_gen: v7x
topology: tpu7x:2x2x1
jax: 0.10.2.dev20260603
libtpu: 0.0.44.dev20260713+nightly
codegen_flags: <defaults>
</compile_context>

<pallas_src>
import functools

import jax
import jax.numpy as jnp
from jax import lax
from jax.experimental import pallas as pl
from jax.experimental.pallas import tpu as pltpu
from jax.experimental.pallas import tpu_sc as plsc

_GRP = 8


@functools.lru_cache(maxsize=None)
def _make_gather(V, D, B):
  info = plsc.get_sparse_core_info()
  NC, NS, L = info.num_cores, info.num_subcores, info.num_lanes
  NW = NC * NS
  assert B % NW == 0 and D % 8 == 0 and D % L == 0
  b_per_w = B // NW
  n_groups = b_per_w // _GRP
  assert n_groups % 2 == 0
  mesh = plsc.VectorSubcoreMesh(core_axis_name="c", subcore_axis_name="s")

  @functools.partial(
      pl.kernel,
      mesh=mesh,
      compiler_params=pltpu.CompilerParams(needs_layout_passes=False),
      out_type=jax.ShapeDtypeStruct((D, B), jnp.float32),
      scratch_types=[
          pltpu.VMEM((b_per_w + _GRP,), jnp.int32),
          pltpu.VMEM((2, _GRP, D, 128), jnp.float32),
          pltpu.VMEM((D, b_per_w), jnp.float32),
          pltpu.SemaphoreType.DMA,
      ],
  )
  def k(tblT_hbm, idx_hbm, outT_hbm, idx_v, bufs, slab, sem):
    wid = lax.axis_index("s") * NC + lax.axis_index("c")
    base = wid * b_per_w
    pltpu.sync_copy(
        idx_hbm.at[pl.ds(base, b_per_w)], idx_v.at[pl.ds(0, b_per_w)]
    )

    def group_vec(g):
      return idx_v[pl.ds(g * _GRP, L)]

    def issue(bank, g):
      cv = (group_vec(g) >> 7) << 7
      for b in range(_GRP):
        c0 = pl.multiple_of(cv[b], 128)
        for r in range(D // 8):
          pltpu.async_copy(
              tblT_hbm.at[pl.ds(r * 8, 8), pl.ds(c0, 128)],
              bufs.at[bank, b, pl.ds(r * 8, 8)],
              sem,
          )

    def drain_and_extract(bank, g):
      rows0 = lax.iota(jnp.int32, L)
      lv = group_vec(g) & 127
      for b in range(_GRP):
        pltpu.make_async_copy(
            tblT_hbm.at[:, pl.ds(0, 128)], bufs.at[bank, b], sem
        ).wait()
      for b in range(_GRP):
        lane = jnp.full((L,), lv[b], jnp.int32)
        col = jnp.full((L,), g * _GRP + b, jnp.int32)
        win = bufs.at[bank, b]
        for h in range(D // L):
          rows = rows0 + h * L
          v = plsc.load_gather(win, [rows, lane])
          plsc.store_scatter(slab, [rows, col], v)

    issue(0, 0)

    def body(k2, _):
      g0 = k2 * 2
      issue(1, g0 + 1)
      drain_and_extract(0, g0)

      @pl.when(g0 + 2 < n_groups)
      def _():
        issue(0, g0 + 2)

      drain_and_extract(1, g0 + 1)
      return 0

    lax.fori_loop(0, n_groups // 2, body, 0)
    pltpu.sync_copy(slab, outT_hbm.at[:, pl.ds(base, b_per_w)])

  return k


def kernel(nodes, table):
  B = nodes.shape[0]
  V, D = table.shape
  f = _make_gather(V, D, B)
  outT = f(table.T, nodes.astype(jnp.int32))
  return outT.T

# --- scband reference (transcript-rebuilt; emitter-appended) ---
"""Pipeline reference for scband-node2-vec-23570780520970 (READ-ONLY COPY).

The authoritative reference and input builder live on the scoring server;
editing this copy changes nothing except your own understanding.
"""

import jax, jax.numpy as jnp
import numpy as np

NUM_NODES = 1000000
EMBED_DIM = 32
BATCH = 16384

def setup_inputs(seed: int = 0) -> dict:
    key = jax.random.key(seed)
    k_idx, k_tab = jax.random.split(key)
    nodes = jax.random.randint(k_idx, (BATCH,), 0, NUM_NODES, dtype=jnp.int64 if jax.config.jax_enable_x64 else jnp.int32)
    table = jax.random.normal(k_tab, (NUM_NODES, EMBED_DIM), dtype=jnp.float32)
    return {"nodes": nodes, "table": table}

def reference(nodes, table):
    # nn.Embedding forward: row gather from the embedding table
    return jnp.take(table, nodes, axis=0)

if __name__ == "__main__":
    import jax
    _d = setup_inputs()
    print(jax.jit(kernel)(*tuple(_d.values())))

</pallas_src>

<mosaic_0001>
#map = affine_map<(d0, d1) -> (0, 0)>
#map1 = affine_map<(d0, d1) -> (0)>
module attributes {stable_mosaic.version = 14 : i64} {
  func.func @k(%arg0: i32, %arg1: i32, %arg2: memref<32x1000000xf32, #tpu.memory_space<hbm>>, %arg3: memref<16384xi32, #tpu.memory_space<hbm>>, %arg4: memref<32x16384xf32, #tpu.memory_space<hbm>>, %arg5: memref<520xi32, #tpu.memory_space<vmem>>, %arg6: memref<2x8x32x128xf32, #tpu.memory_space<vmem>>, %arg7: memref<32x512xf32, #tpu.memory_space<vmem>>, %arg8: memref<!tpu.dma_semaphore, #tpu.memory_space<semaphore_mem>>) attributes {dimension_semantics = [#tpu.dimension_semantics<core_parallel>, #tpu.dimension_semantics<subcore_parallel>], iteration_bounds = array<i64: 2, 16>, scalar_prefetch = 0 : i64, scratch_operands = 4 : i64, tpu.core_type = #tpu.core_type<sc_vector_subcore>, window_params = [{transform_indices = #map}, {transform_indices = #map1}, {transform_indices = #map}]} {
    %mul3A = arith.constant 2 : i32
    %mul3A_0 = arith.muli %arg1, %mul3A : i32
    %add3A = arith.addi %mul3A_0, %arg0 : i32
    %mul3A_1 = arith.constant 512 : i32
    %mul3A_2 = arith.muli %add3A, %mul3A_1 : i32
    "tpu.region"() ({
      %run_scoped3A = tpu.sem_alloc : memref<!tpu.dma_semaphore, #tpu.memory_space<semaphore_mem>>
      %dma_start3A_482 = arith.constant 0 : i32
      %dma_start3A_483 = tpu.memref_slice %arg5[%dma_start3A_482] : memref<520xi32, #tpu.memory_space<vmem>> -> memref<512xi32, #tpu.memory_space<vmem>>
      %dma_start3A_484 = tpu.memref_slice %arg3[%mul3A_2] : memref<16384xi32, #tpu.memory_space<hbm>> -> memref<512xi32, #tpu.memory_space<hbm>>
      %dma_start3A_485 = arith.constant 0 : i32
      %dma_start3A_486 = tpu.memref_slice %arg5[%dma_start3A_485] : memref<520xi32, #tpu.memory_space<vmem>> -> memref<512xi32, #tpu.memory_space<vmem>>
      %dma_start3A_487 = tpu.memref_slice %arg3[%mul3A_2] : memref<16384xi32, #tpu.memory_space<hbm>> -> memref<512xi32, #tpu.memory_space<hbm>>
      tpu.enqueue_dma source(%dma_start3A_487 : memref<512xi32, #tpu.memory_space<hbm>>) target(%dma_start3A_486 : memref<512xi32, #tpu.memory_space<vmem>>) target_semaphore(%run_scoped3A : memref<!tpu.dma_semaphore, #tpu.memory_space<semaphore_mem>>)
      %dma_wait3A = arith.constant 0 : i32
      %dma_wait3A_488 = tpu.memref_slice %arg5[%dma_wait3A] : memref<520xi32, #tpu.memory_space<vmem>> -> memref<512xi32, #tpu.memory_space<vmem>>
      %dma_wait3A_489 = tpu.memref_slice %arg3[%mul3A_2] : memref<16384xi32, #tpu.memory_space<hbm>> -> memref<512xi32, #tpu.memory_space<hbm>>
      %dma_wait3A_490 = arith.constant 0 : i32
      %dma_wait3A_491 = tpu.memref_slice %arg5[%dma_wait3A_490] : memref<520xi32, #tpu.memory_space<vmem>> -> memref<512xi32, #tpu.memory_space<vmem>>
      %dma_wait3A_492 = tpu.memref_slice %arg3[%mul3A_2] : memref<16384xi32, #tpu.memory_space<hbm>> -> memref<512xi32, #tpu.memory_space<hbm>>
      tpu.wait_dma2 semaphore(%run_scoped3A : memref<!tpu.dma_semaphore, #tpu.memory_space<semaphore_mem>>) src(%dma_wait3A_492 : memref<512xi32, #tpu.memory_space<hbm>>) dst(%dma_wait3A_491 : memref<512xi32, #tpu.memory_space<vmem>>)
      tpu.yield
    }) : () -> ()
    %get3A = arith.constant 0 : index
    %get3A_3 = tpu.vector_load %arg5[%get3A] {strides = array<i32>} : memref<520xi32, #tpu.memory_space<vmem>>, vector<16xi32>,
    %shift_right_arithmetic3A = arith.constant 7 : i32
    %shift_right_arithmetic3A_4 = vector.broadcast %shift_right_arithmetic3A : i32 to vector<16xi32>
    %shift_right_arithmetic3A_5 = arith.shrsi %get3A_3, %shift_right_arithmetic3A_4 : vector<16xi32>
    %shift_left3A = arith.constant 7 : i32
    %shift_left3A_6 = vector.broadcast %shift_left3A : i32 to vector<16xi32>
    %shift_left3A_7 = arith.shli %shift_right_arithmetic3A_5, %shift_left3A_6 : vector<16xi32>
    %slice3A = vector.extract_strided_slice %shift_left3A_7 {offsets = [0], sizes = [1], strides = [1]} : vector<16xi32> to vector<1xi32>
    %squeeze3A = vector.extract %slice3A[0] : i32 from vector<1xi32>
    %multiple_of3A = tpu.assume_multiple %squeeze3A, 128 : i32
    %dma_start3A = arith.constant 0 : i32
    %dma_start3A_8 = arith.constant 0 : i32
    %dma_start3A_9 = arith.constant 0 : i32
    %dma_start3A_10 = arith.constant 0 : i32
    %dma_start3A_11 = tpu.memref_slice %arg6[%dma_start3A, %dma_start3A_8, %dma_start3A_9, %dma_start3A_10] : memref<2x8x32x128xf32, #tpu.memory_space<vmem>> -> memref<1x1x8x128xf32, #tpu.memory_space<vmem>>
    %dma_start3A_12 = tpu.memref_squeeze %dma_start3A_11 : memref<1x1x8x128xf32, #tpu.memory_space<vmem>> -> memref<8x128xf32, #tpu.memory_space<vmem>>
    %dma_start3A_13 = arith.constant 0 : i32
    %dma_start3A_14 = tpu.memref_slice %arg2[%dma_start3A_13, %multiple_of3A] : memref<32x1000000xf32, #tpu.memory_space<hbm>> -> memref<8x128xf32, #tpu.memory_space<hbm>>
    %dma_start3A_15 = arith.constant 0 : i32
    %dma_start3A_16 = arith.constant 0 : i32
    %dma_start3A_17 = tpu.memref_slice %arg6[%dma_start3A, %dma_start3A_8, %dma_start3A_15, %dma_start3A_16] : memref<2x8x32x128xf32, #tpu.memory_space<vmem>> -> memref<1x1x8x128xf32, #tpu.memory_space<vmem>>
    %dma_start3A_18 = tpu.memref_squeeze %dma_start3A_17 : memref<1x1x8x128xf32, #tpu.memory_space<vmem>> -> memref<8x128xf32, #tpu.memory_space<vmem>>
    %dma_start3A_19 = arith.constant 0 : i32
    %dma_start3A_20 = tpu.memref_slice %arg2[%dma_start3A_19, %multiple_of3A] : memref<32x1000000xf32, #tpu.memory_space<hbm>> -> memref<8x128xf32, #tpu.memory_space<hbm>>
    tpu.enqueue_dma source(%dma_start3A_20 : memref<8x128xf32, #tpu.memory_space<hbm>>) target(%dma_start3A_18 : memref<8x128xf32, #tpu.memory_space<vmem>>) target_semaphore(%arg8 : memref<!tpu.dma_semaphore, #tpu.memory_space<semaphore_mem>>)
    %dma_start3A_21 = arith.constant 0 : i32
    %dma_start3A_22 = arith.constant 0 : i32
    %dma_start3A_23 = arith.constant 8 : i32
    %dma_start3A_24 = arith.constant 0 : i32
    %dma_start3A_25 = tpu.memref_slice %arg6[%dma_start3A_21, %dma_start3A_22, %dma_start3A_23, %dma_start3A_24] : memref<2x8x32x128xf32, #tpu.memory_space<vmem>> -> memref<1x1x8x128xf32, #tpu.memory_space<vmem>>
    %dma_start3A_26 = tpu.memref_squeeze %dma_start3A_25 : memref<1x1x8x128xf32, #tpu.memory_space<vmem>> -> memref<8x128xf32, #tpu.memory_space<vmem>>
    %dma_start3A_27 = arith.constant 8 : i32
    %dma_start3A_28 = tpu.memref_slice %arg2[%dma_start3A_27, %multiple_of3A] : memref<32x1000000xf32, #tpu.memory_space<hbm>> -> memref<8x128xf32, #tpu.memory_space<hbm>>
    %dma_start3A_29 = arith.constant 8 : i32
    %dma_start3A_30 = arith.constant 0 : i32
    %dma_start3A_31 = tpu.memref_slice %arg6[%dma_start3A_21, %dma_start3A_22, %dma_start3A_29, %dma_start3A_30] : memref<2x8x32x128xf32, #tpu.memory_space<vmem>> -> memref<1x1x8x128xf32, #tpu.memory_space<vmem>>
    %dma_start3A_32 = tpu.memref_squeeze %dma_start3A_31 : memref<1x1x8x128xf32, #tpu.memory_space<vmem>> -> memref<8x128xf32, #tpu.memory_space<vmem>>
    %dma_start3A_33 = arith.constant 8 : i32
    %dma_start3A_34 = tpu.memref_slice %arg2[%dma_start3A_33, %multiple_of3A] : memref<32x1000000xf32, #tpu.memory_space<hbm>> -> memref<8x128xf32, #tpu.memory_space<hbm>>
    tpu.enqueue_dma source(%dma_start3A_34 : memref<8x128xf32, #tpu.memory_space<hbm>>) target(%dma_start3A_32 : memref<8x128xf32, #tpu.memory_space<vmem>>) target_semaphore(%arg8 : memref<!tpu.dma_semaphore, #tpu.memory_space<semaphore_mem>>)
    %dma_start3A_35 = arith.constant 0 : i32
    %dma_start3A_36 = arith.constant 0 : i32
    %dma_start3A_37 = arith.constant 16 : i32
    %dma_start3A_38 = arith.constant 0 : i32
    %dma_start3A_39 = tpu.memref_slice %arg6[%dma_start3A_35, %dma_start3A_36, %dma_start3A_37, %dma_start3A_38] : memref<2x8x32x128xf32, #tpu.memory_space<vmem>> -> memref<1x1x8x128xf32, #tpu.memory_space<vmem>>
    %dma_start3A_40 = tpu.memref_squeeze %dma_start3A_39 : memref<1x1x8x128xf32, #tpu.memory_space<vmem>> -> memref<8x128xf32, #tpu.memory_space<vmem>>
    %dma_start3A_41 = arith.constant 16 : i32
    %dma_start3A_42 = tpu.memref_slice %arg2[%dma_start3A_41, %multiple_of3A] : memref<32x1000000xf32, #tpu.memory_space<hbm>> -> memref<8x128xf32, #tpu.memory_space<hbm>>
    %dma_start3A_43 = arith.constant 16 : i32
    %dma_start3A_44 = arith.constant 0 : i32
    %dma_start3A_45 = tpu.memref_slice %arg6[%dma_start3A_35, %dma_start3A_36, %dma_start3A_43, %dma_start3A_44] : memref<2x8x32x128xf32, #tpu.memory_space<vmem>> -> memref<1x1x8x128xf32, #tpu.memory_space<vmem>>
    %dma_start3A_46 = tpu.memref_squeeze %dma_start3A_45 : memref<1x1x8x128xf32, #tpu.memory_space<vmem>> -> memref<8x128xf32, #tpu.memory_space<vmem>>
    %dma_start3A_47 = arith.constant 16 : i32
    %dma_start3A_48 = tpu.memref_slice %arg2[%dma_start3A_47, %multiple_of3A] : memref<32x1000000xf32, #tpu.memory_space<hbm>> -> memref<8x128xf32, #tpu.memory_space<hbm>>
    tpu.enqueue_dma source(%dma_start3A_48 : memref<8x128xf32, #tpu.memory_space<hbm>>) target(%dma_start3A_46 : memref<8x128xf32, #tpu.memory_space<vmem>>) target_semaphore(%arg8 : memref<!tpu.dma_semaphore, #tpu.memory_space<semaphore_mem>>)
    %dma_start3A_49 = arith.constant 0 : i32
    %dma_start3A_50 = arith.constant 0 : i32
    %dma_start3A_51 = arith.constant 24 : i32
    %dma_start3A_52 = arith.constant 0 : i32
    %dma_start3A_53 = tpu.memref_slice %arg6[%dma_start3A_49, %dma_start3A_50, %dma_start3A_51, %dma_start3A_52] : memref<2x8x32x128xf32, #tpu.memory_space<vmem>> -> memref<1x1x8x128xf32, #tpu.memory_space<vmem>>
    %dma_start3A_54 = tpu.memref_squeeze %dma_start3A_53 : memref<1x1x8x128xf32, #tpu.memory_space<vmem>> -> memref<8x128xf32, #tpu.memory_space<vmem>>
    %dma_start3A_55 = arith.constant 24 : i32
    %dma_start3A_56 = tpu.memref_slice %arg2[%dma_start3A_55, %multiple_of3A] : memref<32x1000000xf32, #tpu.memory_space<hbm>> -> memref<8x128xf32, #tpu.memory_space<hbm>>
    %dma_start3A_57 = arith.constant 24 : i32
    %dma_start3A_58 = arith.constant 0 : i32
    %dma_start3A_59 = tpu.memref_slice %arg6[%dma_start3A_49, %dma_start3A_50, %dma_start3A_57, %dma_start3A_58] : memref<2x8x32x128xf32, #tpu.memory_space<vmem>> -> memref<1x1x8x128xf32, #tpu.memory_space<vmem>>
    %dma_start3A_60 = tpu.memref_squeeze %dma_start3A_59 : memref<1x1x8x128xf32, #tpu.memory_space<vmem>> -> memref<8x128xf32, #tpu.memory_space<vmem>>
    %dma_start3A_61 = arith.constant 24 : i32
    %dma_start3A_62 = tpu.memref_slice %arg2[%dma_start3A_61, %multiple_of3A] : memref<32x1000000xf32, #tpu.memory_space<hbm>> -> memref<8x128xf32, #tpu.memory_space<hbm>>
    tpu.enqueue_dma source(%dma_start3A_62 : memref<8x128xf32, #tpu.memory_space<hbm>>) target(%dma_start3A_60 : memref<8x128xf32, #tpu.memory_space<vmem>>) target_semaphore(%arg8 : memref<!tpu.dma_semaphore, #tpu.memory_space<semaphore_mem>>)
    %slice3A_63 = vector.extract_strided_slice %shift_left3A_7 {offsets = [1], sizes = [1], strides = [1]} : vector<16xi32> to vector<1xi32>
    %squeeze3A_64 = vector.extract %slice3A_63[0] : i32 from vector<1xi32>
    %multiple_of3A_65 = tpu.assume_multiple %squeeze3A_64, 128 : i32
    %dma_start3A_66 = arith.constant 0 : i32
    %dma_start3A_67 = arith.constant 1 : i32
    %dma_start3A_68 = arith.constant 0 : i32
    %dma_start3A_69 = arith.constant 0 : i32
    %dma_start3A_70 = tpu.memref_slice %arg6[%dma_start3A_66, %dma_start3A_67, %dma_start3A_68, %dma_start3A_69] : memref<2x8x32x128xf32, #tpu.memory_space<vmem>> -> memref<1x1x8x128xf32, #tpu.memory_space<vmem>>
    %dma_start3A_71 = tpu.memref_squeeze %dma_start3A_70 : memref<1x1x8x128xf32, #tpu.memory_space<vmem>> -> memref<8x128xf32, #tpu.memory_space<vmem>>
    %dma_start3A_72 = arith.constant 0 : i32
    %dma_start3A_73 = tpu.memref_slice %arg2[%dma_start3A_72, %multiple_of3A_65] : memref<32x1000000xf32, #tpu.memory_space<hbm>> -> memref<8x128xf32, #tpu.memory_space<hbm>>
    %dma_start3A_74 = arith.constant 0 : i32
    %dma_start3A_75 = arith.constant 0 : i32
    %dma_start3A_76 = tpu.memref_slice %arg6[%dma_start3A_66, %dma_start3A_67, %dma_start3A_74, %dma_start3A_75] : memref<2x8x32x128xf32, #tpu.memory_space<vmem>> -> memref<1x1x8x128xf32, #tpu.memory_space<vmem>>
    %dma_start3A_77 = tpu.memref_squeeze %dma_start3A_76 : memref<1x1x8x128xf32, #tpu.memory_space<vmem>> -> memref<8x128xf32, #tpu.memory_space<vmem>>
    %dma_start3A_78 = arith.constant 0 : i32
    %dma_start3A_79 = tpu.memref_slice %arg2[%dma_start3A_78, %multiple_of3A_65] : memref<32x1000000xf32, #tpu.memory_space<hbm>> -> memref<8x128xf32, #tpu.memory_space<hbm>>
    tpu.enqueue_dma source(%dma_start3A_79 : memref<8x128xf32, #tpu.memory_space<hbm>>) target(%dma_start3A_77 : memref<8x128xf32, #tpu.memory_space<vmem>>) target_semaphore(%arg8 : memref<!tpu.dma_semaphore, #tpu.memory_space<semaphore_mem>>)
    %dma_start3A_80 = arith.constant 0 : i32
    %dma_start3A_81 = arith.constant 1 : i32
    %dma_start3A_82 = arith.constant 8 : i32
    %dma_start3A_83 = arith.constant 0 : i32
    %dma_start3A_84 = tpu.memref_slice %arg6[%dma_start3A_80, %dma_start3A_81, %dma_start3A_82, %dma_start3A_83] : memref<2x8x32x128xf32, #tpu.memory_space<vmem>> -> memref<1x1x8x128xf32, #tpu.memory_space<vmem>>
    %dma_start3A_85 = tpu.memref_squeeze %dma_start3A_84 : memref<1x1x8x128xf32, #tpu.memory_space<vmem>> -> memref<8x128xf32, #tpu.memory_space<vmem>>
    %dma_start3A_86 = arith.constant 8 : i32
    %dma_start3A_87 = tpu.memref_slice %arg2[%dma_start3A_86, %multiple_of3A_65] : memref<32x1000000xf32, #tpu.memory_space<hbm>> -> memref<8x128xf32, #tpu.memory_space<hbm>>
    %dma_start3A_88 = arith.constant 8 : i32
    %dma_start3A_89 = arith.constant 0 : i32
    %dma_start3A_90 = tpu.memref_slice %arg6[%dma_start3A_80, %dma_start3A_81, %dma_start3A_88, %dma_start3A_89] : memref<2x8x32x128xf32, #tpu.memory_space<vmem>> -> memref<1x1x8x128xf32, #tpu.memory_space<vmem>>
    %dma_start3A_91 = tpu.memref_squeeze %dma_start3A_90 : memref<1x1x8x128xf32, #tpu.memory_space<vmem>> -> memref<8x128xf32, #tpu.memory_space<vmem>>
    %dma_start3A_92 = arith.constant 8 : i32
    %dma_start3A_93 = tpu.memref_slice %arg2[%dma_start3A_92, %multiple_of3A_65] : memref<32x1000000xf32, #tpu.memory_space<hbm>> -> memref<8x128xf32, #tpu.memory_space<hbm>>
    tpu.enqueue_dma source(%dma_start3A_93 : memref<8x128xf32, #tpu.memory_space<hbm>>) target(%dma_start3A_91 : memref<8x128xf32, #tpu.memory_space<vmem>>) target_semaphore(%arg8 : memref<!tpu.dma_semaphore, #tpu.memory_space<semaphore_mem>>)
    %dma_start3A_94 = arith.constant 0 : i32
    %dma_start3A_95 = arith.constant 1 : i32
    %dma_start3A_96 = arith.constant 16 : i32
    %dma_start3A_97 = arith.constant 0 : i32
    %dma_start3A_98 = tpu.memref_slice %arg6[%dma_start3A_94, %dma_start3A_95, %dma_start3A_96, %dma_start3A_97] : memref<2x8x32x128xf32, #tpu.memory_space<vmem>> -> memref<1x1x8x128xf32, #tpu.memory_space<vmem>>
    %dma_start3A_99 = tpu.memref_squeeze %dma_start3A_98 : memref<1x1x8x128xf32, #tpu.memory_space<vmem>> -> memref<8x128xf32, #tpu.memory_space<vmem>>
    %dma_start3A_100 = arith.constant 16 : i32
    %dma_start3A_101 = tpu.memref_slice %arg2[%dma_start3A_100, %multiple_of3A_65] : memref<32x1000000xf32, #tpu.memory_space<hbm>> -> memref<8x128xf32, #tpu.memory_space<hbm>>
    %dma_start3A_102 = arith.constant 16 : i32
    %dma_start3A_103 = arith.constant 0 : i32
    %dma_start3A_104 = tpu.memref_slice %arg6[%dma_start3A_94, %dma_start3A_95, %dma_start3A_102, %dma_start3A_103] : memref<2x8x32x128xf32, #tpu.memory_space<vmem>> -> memref<1x1x8x128xf32, #tpu.memory_space<vmem>>
    %dma_start3A_105 = tpu.memref_squeeze %dma_start3A_104 : memref<1x1x8x128xf32, #tpu.memory_space<vmem>> -> memref<8x128xf32, #tpu.memory_space<vmem>>
    %dma_start3A_106 = arith.constant 16 : i32
    %dma_start3A_107 = tpu.memref_slice %arg2[%dma_start3A_106, %multiple_of3A_65] : memref<32x1000000xf32, #tpu.memory_space<hbm>> -> memref<8x128xf32, #tpu.memory_space<hbm>>
    tpu.enqueue_dma source(%dma_start3A_107 : memref<8x128xf32, #tpu.memory_space<hbm>>) target(%dma_start3A_105 : memref<8x128xf32, #tpu.memory_space<vmem>>) target_semaphore(%arg8 : memref<!tpu.dma_semaphore, #tpu.memory_space<semaphore_mem>>)
    %dma_start3A_108 = arith.constant 0 : i32
    %dma_start3A_109 = arith.constant 1 : i32
    %dma_start3A_110 = arith.constant 24 : i32
    %dma_start3A_111 = arith.constant 0 : i32
    %dma_start3A_112 = tpu.memref_slice %arg6[%dma_start3A_108, %dma_start3A_109, %dma_start3A_110, %dma_start3A_111] : memref<2x8x32x128xf32, #tpu.memory_space<vmem>> -> memref<1x1x8x128xf32, #tpu.memory_space<vmem>>
    %dma_start3A_113 = tpu.memref_squeeze %dma_start3A_112 : memref<1x1x8x128xf32, #tpu.memory_space<vmem>> -> memref<8x128xf32, #tpu.memory_space<vmem>>
    %dma_start3A_114 = arith.constant 24 : i32
    %dma_start3A_115 = tpu.memref_slice %arg2[%dma_start3A_114, %multiple_of3A_65] : memref<32x1000000xf32, #tpu.memory_space<hbm>> -> memref<8x128xf32, #tpu.memory_space<hbm>>
    %dma_start3A_116 = arith.constant 24 : i32
    %dma_start3A_117 = arith.constant 0 : i32
    %dma_start3A_118 = tpu.memref_slice %arg6[%dma_start3A_108, %dma_start3A_109, %dma_start3A_116, %dma_start3A_117] : memref<2x8x32x128xf32, #tpu.memory_space<vmem>> -> memref<1x1x8x128xf32, #tpu.memory_space<vmem>>
    %dma_start3A_119 = tpu.memref_squeeze %dma_start3A_118 : memref<1x1x8x128xf32, #tpu.memory_space<vmem>> -> memref<8x128xf32, #tpu.memory_space<vmem>>
    %dma_start3A_120 = arith.constant 24 : i32
    %dma_start3A_121 = tpu.memref_slice %arg2[%dma_start3A_120, %multiple_of3A_65] : memref<32x1000000xf32, #tpu.memory_space<hbm>> -> memref<8x128xf32, #tpu.memory_space<hbm>>
    tpu.enqueue_dma source(%dma_start3A_121 : memref<8x128xf32, #tpu.memory_space<hbm>>) target(%dma_start3A_119 : memref<8x128xf32, #tpu.memory_space<vmem>>) target_semaphore(%arg8 : memref<!tpu.dma_semaphore, #tpu.memory_space<semaphore_mem>>)
    %slice3A_122 = vector.extract_strided_slice %shift_left3A_7 {offsets = [2], sizes = [1], strides = [1]} : vector<16xi32> to vector<1xi32>
    %squeeze3A_123 = vector.extract %slice3A_122[0] : i32 from vector<1xi32>
    %multiple_of3A_124 = tpu.assume_multiple %squeeze3A_123, 128 : i32
    %dma_start3A_125 = arith.constant 0 : i32
    %dma_start3A_126 = arith.constant 2 : i32
    %dma_start3A_127 = arith.constant 0 : i32
    %dma_start3A_128 = arith.constant 0 : i32
    %dma_start3A_129 = tpu.memref_slice %arg6[%dma_start3A_125, %dma_start3A_126, %dma_start3A_127, %dma_start3A_128] : memref<2x8x32x128xf32, #tpu.memory_space<vmem>> -> memref<1x1x8x128xf32, #tpu.memory_space<vmem>>
    %dma_start3A_130 = tpu.memref_squeeze %dma_start3A_129 : memref<1x1x8x128xf32, #tpu.memory_space<vmem>> -> memref<8x128xf32, #tpu.memory_space<vmem>>
    %dma_start3A_131 = arith.constant 0 : i32
    %dma_start3A_132 = tpu.memref_slice %arg2[%dma_start3A_131, %multiple_of3A_124] : memref<32x1000000xf32, #tpu.memory_space<hbm>> -> memref<8x128xf32, #tpu.memory_space<hbm>>
    %dma_start3A_133 = arith.constant 0 : i32
    %dma_start3A_134 = arith.constant 0 : i32
    %dma_start3A_135 = tpu.memref_slice %arg6[%dma_start3A_125, %dma_start3A_126, %dma_start3A_133, %dma_start3A_134] : memref<2x8x32x128xf32, #tpu.memory_space<vmem>> -> memref<1x1x8x128xf32, #tpu.memory_space<vmem>>
    %dma_start3A_136 = tpu.memref_squeeze %dma_start3A_135 : memref<1x1x8x128xf32, #tpu.memory_space<vmem>> -> memref<8x128xf32, #tpu.memory_space<vmem>>
    %dma_start3A_137 = arith.constant 0 : i32
    %dma_start3A_138 = tpu.memref_slice %arg2[%dma_start3A_137, %multiple_of3A_124] : memref<32x1000000xf32, #tpu.memory_space<hbm>> -> memref<8x128xf32, #tpu.memory_space<hbm>>
    tpu.enqueue_dma source(%dma_start3A_138 : memref<8x128xf32, #tpu.memory_space<hbm>>) target(%dma_start3A_136 : memref<8x128xf32, #tpu.memory_space<vmem>>) target_semaphore(%arg8 : memref<!tpu.dma_semaphore, #tpu.memory_space<semaphore_mem>>)
    %dma_start3A_139 = arith.constant 0 : i32
    %dma_start3A_140 = arith.constant 2 : i32
    %dma_start3A_141 = arith.constant 8 : i32
    %dma_start3A_142 = arith.constant 0 : i32
    %dma_start3A_143 = tpu.memref_slice %arg6[%dma_start3A_139, %dma_start3A_140, %dma_start3A_141, %dma_start3A_142] : memref<2x8x32x128xf32, #tpu.memory_space<vmem>> -> memref<1x1x8x128xf32, #tpu.memory_space<vmem>>
    %dma_start3A_144 = tpu.memref_squeeze %dma_start3A_143 : memref<1x1x8x128xf32, #tpu.memory_space<vmem>> -> memref<8x128xf32, #tpu.memory_space<vmem>>
    %dma_start3A_145 = arith.constant 8 : i32
    %dma_start3A_146 = tpu.memref_slice %arg2[%dma_start3A_145, %multiple_of3A_124] : memref<32x1000000xf32, #tpu.memory_space<hbm>> -> memref<8x128xf32, #tpu.memory_space<hbm>>
    %dma_start3A_147 = arith.constant 8 : i32
    %dma_start3A_148 = arith.constant 0 : i32
    %dma_start3A_149 = tpu.memref_slice %arg6[%dma_start3A_139, %dma_start3A_140, %dma_start3A_147, %dma_start3A_148] : memref<2x8x32x128xf32, #tpu.memory_space<vmem>> -> memref<1x1x8x128xf32, #tpu.memory_space<vmem>>
    %dma_start3A_150 = tpu.memref_squeeze %dma_start3A_149 : memref<1x1x8x128xf32, #tpu.memory_space<vmem>> -> memref<8x128xf32, #tpu.memory_space<vmem>>
    %dma_start3A_151 = arith.constant 8 : i32
    %dma_start3A_152 = tpu.memref_slice %arg2[%dma_start3A_151, %multiple_of3A_124] : memref<32x1000000xf32, #tpu.memory_space<hbm>> -> memref<8x128xf32, #tpu.memory_space<hbm>>
    tpu.enqueue_dma source(%dma_start3A_152 : memref<8x128xf32, #tpu.memory_space<hbm>>) target(%dma_start3A_150 : memref<8x128xf32, #tpu.memory_space<vmem>>) target_semaphore(%arg8 : memref<!tpu.dma_semaphore, #tpu.memory_space<semaphore_mem>>)
    %dma_start3A_153 = arith.constant 0 : i32
    %dma_start3A_154 = arith.constant 2 : i32
    %dma_start3A_155 = arith.constant 16 : i32
    %dma_start3A_156 = arith.constant 0 : i32
    %dma_start3A_157 = tpu.memref_slice %arg6[%dma_start3A_153, %dma_start3A_154, %dma_start3A_155, %dma_start3A_156] : memref<2x8x32x128xf32, #tpu.memory_space<vmem>> -> memref<1x1x8x128xf32, #tpu.memory_space<vmem>>
    %dma_start3A_158 = tpu.memref_squeeze %dma_start3A_157 : memref<1x1x8x128xf32, #tpu.memory_space<vmem>> -> memref<8x128xf32, #tpu.memory_space<vmem>>
    %dma_start3A_159 = arith.constant 16 : i32
    %dma_start3A_160 = tpu.memref_slice %arg2[%dma_start3A_159, %multiple_of3A_124] : memref<32x1000000xf32, #tpu.memory_space<hbm>> -> memref<8x128xf32, #tpu.memory_space<hbm>>
    %dma_start3A_161 = arith.constant 16 : i32
    %dma_start3A_162 = arith.constant 0 : i32
    %dma_start3A_163 = tpu.memref_slice %arg6[%dma_start3A_153, %dma_start3A_154, %dma_start3A_161, %dma_start3A_162] : memref<2x8x32x128xf32, #tpu.memory_space<vmem>> -> memref<1x1x8x128xf32, #tpu.memory_space<vmem>>
    %dma_start3A_164 = tpu.memref_squeeze %dma_start3A_163 : memref<1x1x8x128xf32, #tpu.memory_space<vmem>> -> memref<8x128xf32, #tpu.memory_space<vmem>>
    %dma_start3A_165 = arith.constant 16 : i32
    %dma_start3A_166 = tpu.memref_slice %arg2[%dma_start3A_165, %multiple_of3A_124] : memref<32x1000000xf32, #tpu.memory_space<hbm>> -> memref<8x128xf32, #tpu.memory_space<hbm>>
    tpu.enqueue_dma source(%dma_start3A_166 : memref<8x128xf32, #tpu.memory_space<hbm>>) target(%dma_start3A_164 : memref<8x128xf32, #tpu.memory_space<vmem>>) target_semaphore(%arg8 : memref<!tpu.dma_semaphore, #tpu.memory_space<semaphore_mem>>)
    %dma_start3A_167 = arith.constant 0 : i32
    %dma_start3A_168 = arith.constant 2 : i32
    %dma_start3A_169 = arith.constant 24 : i32
    %dma_start3A_170 = arith.constant 0 : i32
    %dma_start3A_171 = tpu.memref_slice %arg6[%dma_start3A_167, %dma_start3A_168, %dma_start3A_169, %dma_start3A_170] : memref<2x8x32x128xf32, #tpu.memory_space<vmem>> -> memref<1x1x8x128xf32, #tpu.memory_space<vmem>>
    %dma_start3A_172 = tpu.memref_squeeze %dma_start3A_171 : memref<1x1x8x128xf32, #tpu.memory_space<vmem>> -> memref<8x128xf32, #tpu.memory_space<vmem>>
    %dma_start3A_173 = arith.constant 24 : i32
    %dma_start3A_174 = tpu.memref_slice %arg2[%dma_start3A_173, %multiple_of3A_124] : memref<32x1000000xf32, #tpu.memory_space<hbm>> -> memref<8x128xf32, #tpu.memory_space<hbm>>
    %dma_start3A_175 = arith.constant 24 : i32
    %dma_start3A_176 = arith.constant 0 : i32
    %dma_start3A_177 = tpu.memref_slice %arg6[%dma_start3A_167, %dma_start3A_168, %dma_start3A_175, %dma_start3A_176] : memref<2x8x32x128xf32, #tpu.memory_space<vmem>> -> memref<1x1x8x128xf32, #tpu.memory_space<vmem>>
    %dma_start3A_178 = tpu.memref_squeeze %dma_start3A_177 : memref<1x1x8x128xf32, #tpu.memory_space<vmem>> -> memref<8x128xf32, #tpu.memory_space<vmem>>
    %dma_start3A_179 = arith.constant 24 : i32
    %dma_start3A_180 = tpu.memref_slice %arg2[%dma_start3A_179, %multiple_of3A_124] : memref<32x1000000xf32, #tpu.memory_space<hbm>> -> memref<8x128xf32, #tpu.memory_space<hbm>>
    tpu.enqueue_dma source(%dma_start3A_180 : memref<8x128xf32, #tpu.memory_space<hbm>>) target(%dma_start3A_178 : memref<8x128xf32, #tpu.memory_space<vmem>>) target_semaphore(%arg8 : memref<!tpu.dma_semaphore, #tpu.memory_space<semaphore_mem>>)
    %slice3A_181 = vector.extract_strided_slice %shift_left3A_7 {offsets = [3], sizes = [1], strides = [1]} : vector<16xi32> to vector<1xi32>
    %squeeze3A_182 = vector.extract %slice3A_181[0] : i32 from vector<1xi32>
    %multiple_of3A_183 = tpu.assume_multiple %squeeze3A_182, 128 : i32
    %dma_start3A_184 = arith.constant 0 : i32
    %dma_start3A_185 = arith.constant 3 : i32
    %dma_start3A_186 = arith.constant 0 : i32
    %dma_start3A_187 = arith.constant 0 : i32
    %dma_start3A_188 = tpu.memref_slice %arg6[%dma_start3A_184, %dma_start3A_185, %dma_start3A_186, %dma_start3A_187] : memref<2x8x32x128xf32, #tpu.memory_space<vmem>> -> memref<1x1x8x128xf32, #tpu.memory_space<vmem>>
    %dma_start3A_189 = tpu.memref_squeeze %dma_start3A_188 : memref<1x1x8x128xf32, #tpu.memory_space<vmem>> -> memref<8x128xf32, #tpu.memory_space<vmem>>
    %dma_start3A_190 = arith.constant 0 : i32
    %dma_start3A_191 = tpu.memref_slice %arg2[%dma_start3A_190, %multiple_of3A_183] : memref<32x1000000xf32, #tpu.memory_space<hbm>> -> memref<8x128xf32, #tpu.memory_space<hbm>>
    %dma_start3A_192 = arith.constant 0 : i32
    %dma_start3A_193 = arith.constant 0 : i32
    %dma_start3A_194 = tpu.memref_slice %arg6[%dma_start3A_184, %dma_start3A_185, %dma_start3A_192, %dma_start3A_193] : memref<2x8x32x128xf32, #tpu.memory_space<vmem>> -> memref<1x1x8x128xf32, #tpu.memory_space<vmem>>
    %dma_start3A_195 = tpu.memref_squeeze %dma_start3A_194 : memref<1x1x8x128xf32, #tpu.memory_space<vmem>> -> memref<8x128xf32, #tpu.memory_space<vmem>>
    %dma_start3A_196 = arith.constant 0 : i32
    %dma_start3A_197 = tpu.memref_slice %arg2[%dma_start3A_196, %multiple_of3A_183] : memref<32x1000000xf32, #tpu.memory_space<hbm>> -> memref<8x128xf32, #tpu.memory_space<hbm>>
    tpu.enqueue_dma source(%dma_start3A_197 : memref<8x128xf32, #tpu.memory_space<hbm>>) target(%dma_start3A_195 : memref<8x128xf32, #tpu.memory_space<vmem>>) target_semaphore(%arg8 : memref<!tpu.dma_semaphore, #tpu.memory_space<semaphore_mem>>)
    %dma_start3A_198 = arith.constant 0 : i32
    %dma_start3A_199 = arith.constant 3 : i32
    %dma_start3A_200 = arith.constant 8 : i32
    %dma_start3A_201 = arith.constant 0 : i32
    %dma_start3A_202 = tpu.memref_slice %arg6[%dma_start3A_198, %dma_start3A_199, %dma_start3A_200, %dma_start3A_201] : memref<2x8x32x128xf32, #tpu.memory_space<vmem>> -> memref<1x1x8x128xf32, #tpu.memory_space<vmem>>
    %dma_start3A_203 = tpu.memref_squeeze %dma_start3A_202 : memref<1x1x8x128xf32, #tpu.memory_space<vmem>> -> memref<8x128xf32, #tpu.memory_space<vmem>>
    %dma_start3A_204 = arith.constant 8 : i32
    %dma_start3A_205 = tpu.memref_slice %arg2[%dma_start3A_204, %multiple_of3A_183] : memref<32x1000000xf32, #tpu.memory_space<hbm>> -> memref<8x128xf32, #tpu.memory_space<hbm>>
    %dma_start3A_206 = arith.constant 8 : i32
    %dma_start3A_207 = arith.constant 0 : i32
    %dma_start3A_208 = tpu.memref_slice %arg6[%dma_start3A_198, %dma_start3A_199, %dma_start3A_206, %dma_start3A_207] : memref<2x8x32x128xf32, #tpu.memory_space<vmem>> -> memref<1x1x8x128xf32, #tpu.memory_space<vmem>>
    %dma_start3A_209 = tpu.memref_squeeze %dma_start3A_208 : memref<1x1x8x128xf32, #tpu.memory_space<vmem>> -> memref<8x128xf32, #tpu.memory_space<vmem>>
    %dma_start3A_210 = arith.constant 8 : i32
    %dma_start3A_211 = tpu.memref_slice %arg2[%dma_start3A_210, %multiple_of3A_183] : memref<32x1000000xf32, #tpu.memory_space<hbm>> -> memref<8x128xf32, #tpu.memory_space<hbm>>
    tpu.enqueue_dma source(%dma_start3A_211 : memref<8x128xf32, #tpu.memory_space<hbm>>) target(%dma_start3A_209 : memref<8x128xf32, #tpu.memory_space<vmem>>) target_semaphore(%arg8 : memref<!tpu.dma_semaphore, #tpu.memory_space<semaphore_mem>>)
    %dma_start3A_212 = arith.constant 0 : i32
    %dma_start3A_213 = arith.constant 3 : i32
    %dma_start3A_214 = arith.constant 16 : i32
    %dma_start3A_215 = arith.constant 0 : i32
    %dma_start3A_216 = tpu.memref_slice %arg6[%dma_start3A_212, %dma_start3A_213, %dma_start3A_214, %dma_start3A_215] : memref<2x8x32x128xf32, #tpu.memory_space<vmem>> -> memref<1x1x8x128xf32, #tpu.memory_space<vmem>>
    %dma_start3A_217 = tpu.memref_squeeze %dma_start3A_216 : memref<1x1x8x128xf32, #tpu.memory_space<vmem>> -> memref<8x128xf32, #tpu.memory_space<vmem>>
    %dma_start3A_218 = arith.constant 16 : i32
    %dma_start3A_219 = tpu.memref_slice %arg2[%dma_start3A_218, %multiple_of3A_183] : memref<32x1000000xf32, #tpu.memory_space<hbm>> -> memref<8x128xf32, #tpu.memory_space<hbm>>
    %dma_start3A_220 = arith.constant 16 : i32
    %dma_start3A_221 = arith.constant 0 : i32
    %dma_start3A_222 = tpu.memref_slice %arg6[%dma_start3A_212, %dma_start3A_213, %dma_start3A_220, %dma_start3A_221] : memref<2x8x32x128xf32, #tpu.memory_space<vmem>> -> memref<1x1x8x128xf32, #tpu.memory_space<vmem>>
    %dma_start3A_223 = tpu.memref_squeeze %dma_start3A_222 : memref<1x1x8x128xf32, #tpu.memory_space<vmem>> -> memref<8x128xf32, #tpu.memory_space<vmem>>
    %dma_start3A_224 = arith.constant 16 : i32
    %dma_start3A_225 = tpu.memref_slice %arg2[%dma_start3A_224, %multiple_of3A_183] : memref<32x1000000xf32, #tpu.memory_space<hbm>> -> memref<8x128xf32, #tpu.memory_space<hbm>>
    tpu.enqueue_dma source(%dma_start3A_225 : memref<8x128xf32, #tpu.memory_space<hbm>>) target(%dma_start3A_223 : memref<8x128xf32, #tpu.memory_space<vmem>>) target_semaphore(%arg8 : memref<!tpu.dma_semaphore, #tpu.memory_space<semaphore_mem>>)
    %dma_start3A_226 = arith.constant 0 : i32
    %dma_start3A_227 = arith.constant 3 : i32
    %dma_start3A_228 = arith.constant 24 : i32
    %dma_start3A_229 = arith.constant 0 : i32
    %dma_start3A_230 = tpu.memref_slice %arg6[%dma_start3A_226, %dma_start3A_227, %dma_start3A_228, %dma_start3A_229] : memref<2x8x32x128xf32, #tpu.memory_space<vmem>> -> memref<1x1x8x128xf32, #tpu.memory_space<vmem>>
    %dma_start3A_231 = tpu.memref_squeeze %dma_start3A_230 : memref<1x1x8x128xf32, #tpu.memory_space<vmem>> -> memref<8x128xf32, #tpu.memory_space<vmem>>
    %dma_start3A_232 = arith.constant 24 : i32
    %dma_start3A_233 = tpu.memref_slice %arg2[%dma_start3A_232, %multiple_of3A_183] : memref<32x1000000xf32, #tpu.memory_space<hbm>> -> memref<8x128xf32, #tpu.memory_space<hbm>>
    %dma_start3A_234 = arith.constant 24 : i32
    %dma_start3A_235 = arith.constant 0 : i32
    %dma_start3A_236 = tpu.memref_slice %arg6[%dma_start3A_226, %dma_start3A_227, %dma_start3A_234, %dma_start3A_235] : memref<2x8x32x128xf32, #tpu.memory_space<vmem>> -> memref<1x1x8x128xf32, #tpu.memory_space<vmem>>
    %dma_start3A_237 = tpu.memref_squeeze %dma_start3A_236 : memref<1x1x8x128xf32, #tpu.memory_space<vmem>> -> memref<8x128xf32, #tpu.memory_space<vmem>>
    %dma_start3A_238 = arith.constant 24 : i32
    %dma_start3A_239 = tpu.memref_slice %arg2[%dma_start3A_238, %multiple_of3A_183] : memref<32x1000000xf32, #tpu.memory_space<hbm>> -> memref<8x128xf32, #tpu.memory_space<hbm>>
    tpu.enqueue_dma source(%dma_start3A_239 : memref<8x128xf32, #tpu.memory_space<hbm>>) target(%dma_start3A_237 : memref<8x128xf32, #tpu.memory_space<vmem>>) target_semaphore(%arg8 : memref<!tpu.dma_semaphore, #tpu.memory_space<semaphore_mem>>)
    %slice3A_240 = vector.extract_strided_slice %shift_left3A_7 {offsets = [4], sizes = [1], strides = [1]} : vector<16xi32> to vector<1xi32>
    %squeeze3A_241 = vector.extract %slice3A_240[0] : i32 from vector<1xi32>
    %multiple_of3A_242 = tpu.assume_multiple %squeeze3A_241, 128 : i32
    %dma_start3A_243 = arith.constant 0 : i32
    %dma_start3A_244 = arith.constant 4 : i32
    %dma_start3A_245 = arith.constant 0 : i32
    %dma_start3A_246 = arith.constant 0 : i32
    %dma_start3A_247 = tpu.memref_slice %arg6[%dma_start3A_243, %dma_start3A_244, %dma_start3A_245, %dma_start3A_246] : memref<2x8x32x128xf32, #tpu.memory_space<vmem>> -> memref<1x1x8x128xf32, #tpu.memory_space<vmem>>
    %dma_start3A_248 = tpu.memref_squeeze %dma_start3A_247 : memref<1x1x8x128xf32, #tpu.memory_space<vmem>> -> memref<8x128xf32, #tpu.memory_space<vmem>>
    %dma_start3A_249 = arith.constant 0 : i32
    %dma_start3A_250 = tpu.memref_slice %arg2[%dma_start3A_249, %multiple_of3A_242] : memref<32x1000000xf32, #tpu.memory_space<hbm>> -> memref<8x128xf32, #tpu.memory_space<hbm>>
    %dma_start3A_251 = arith.constant 0 : i32
    %dma_start3A_252 = arith.constant 0 : i32
    %dma_start3A_253 = tpu.memref_slice %arg6[%dma_start3A_243, %dma_start3A_244, %dma_start3A_251, %dma_start3A_252] : memref<2x8x32x128xf32, #tpu.memory_space<vmem>> -> memref<1x1x8x128xf32, #tpu.memory_space<vmem>>
    %dma_start3A_254 = tpu.memref_squeeze %dma_start3A_253 : memref<1x1x8x128xf32, #tpu.memory_space<vmem>> -> memref<8x128xf32, #tpu.memory_space<vmem>>
    %dma_start3A_255 = arith.constant 0 : i32
    %dma_start3A_256 = tpu.memref_slice %arg2[%dma_start3A_255, %multiple_of3A_242] : memref<32x1000000xf32, #tpu.memory_space<hbm>> -> memref<8x128xf32, #tpu.memory_space<hbm>>
    tpu.enqueue_dma source(%dma_start3A_256 : memref<8x128xf32, #tpu.memory_space<hbm>>) target(%dma_start3A_254 : memref<8x128xf32, #tpu.memory_space<vmem>>) target_semaphore(%arg8 : memref<!tpu.dma_semaphore, #tpu.memory_space<semaphore_mem>>)
    %dma_start3A_257 = arith.constant 0 : i32
    %dma_start3A_258 = arith.constant 4 : i32
    %dma_start3A_259 = arith.constant 8 : i32
    %dma_start3A_260 = arith.constant 0 : i32
    %dma_start3A_261 = tpu.memref_slice %arg6[%dma_start3A_257, %dma_start3A_258, %dma_start3A_259, %dma_start3A_260] : memref<2x8x32x128xf32, #tpu.memory_space<vmem>> -> memref<1x1x8x128xf32, #tpu.memory_space<vmem>>
    %dma_start3A_262 = tpu.memref_squeeze %dma_start3A_261 : memref<1x1x8x128xf32, #tpu.memory_space<vmem>> -> memref<8x128xf32, #tpu.memory_space<vmem>>
    %dma_start3A_263 = arith.constant 8 : i32
    %dma_start3A_264 = tpu.memref_slice %arg2[%dma_start3A_263, %multiple_of3A_242] : memref<32x1000000xf32, #tpu.memory_space<hbm>> -> memref<8x128xf32, #tpu.memory_space<hbm>>
    %dma_start3A_265 = arith.constant 8 : i32
    %dma_start3A_266 = arith.constant 0 : i32
    %dma_start3A_267 = tpu.memref_slice %arg6[%dma_start3A_257, %dma_start3A_258, %dma_start3A_265, %dma_start3A_266] : memref<2x8x32x128xf32, #tpu.memory_space<vmem>> -> memref<1x1x8x128xf32, #tpu.memory_space<vmem>>
    %dma_start3A_268 = tpu.memref_squeeze %dma_start3A_267 : memref<1x1x8x128xf32, #tpu.memory_space<vmem>> -> memref<8x128xf32, #tpu.memory_space<vmem>>
    %dma_start3A_269 = arith.constant 8 : i32
    %dma_start3A_270 = tpu.memref_slice %arg2[%dma_start3A_269, %multiple_of3A_242] : memref<32x1000000xf32, #tpu.memory_space<hbm>> -> memref<8x128xf32, #tpu.memory_space<hbm>>
    tpu.enqueue_dma source(%dma_start3A_270 : memref<8x128xf32, #tpu.memory_space<hbm>>) target(%dma_start3A_268 : memref<8x128xf32, #tpu.memory_space<vmem>>) target_semaphore(%arg8 : memref<!tpu.dma_semaphore, #tpu.memory_space<semaphore_mem>>)
    %dma_start3A_271 = arith.constant 0 : i32
    %dma_start3A_272 = arith.constant 4 : i32
    %dma_start3A_273 = arith.constant 16 : i32
    %dma_start3A_274 = arith.constant 0 : i32
    %dma_start3A_275 = tpu.memref_slice %arg6[%dma_start3A_271, %dma_start3A_272, %dma_start3A_273, %dma_start3A_274] : memref<2x8x32x128xf32, #tpu.memory_space<vmem>> -> memref<1x1x8x128xf32, #tpu.memory_space<vmem>>
    %dma_start3A_276 = tpu.memref_squeeze %dma_start3A_275 : memref<1x1x8x128xf32, #tpu.memory_space<vmem>> -> memref<8x128xf32, #tpu.memory_space<vmem>>
    %dma_start3A_277 = arith.constant 16 : i32
    %dma_start3A_278 = tpu.memref_slice %arg2[%dma_start3A_277, %multiple_of3A_242] : memref<32x1000000xf32, #tpu.memory_space<hbm>> -> memref<8x128xf32, #tpu.memory_space<hbm>>
    %dma_start3A_279 = arith.constant 16 : i32
    %dma_start3A_280 = arith.constant 0 : i32
    %dma_start3A_281 = tpu.memref_slice %arg6[%dma_start3A_271, %dma_start3A_272, %dma_start3A_279, %dma_start3A_280] : memref<2x8x32x128xf32, #tpu.memory_space<vmem>> -> memref<1x1x8x128xf32, #tpu.memory_space<vmem>>
    %dma_start3A_282 = tpu.memref_squeeze %dma_start3A_281 : memref<1x1x8x128xf32, #tpu.memory_space<vmem>> -> memref<8x128xf32, #tpu.memory_space<vmem>>
    %dma_start3A_283 = arith.constant 16 : i32
    %dma_start3A_284 = tpu.memref_slice %arg2[%dma_start3A_283, %multiple_of3A_242] : memref<32x1000000xf32, #tpu.memory_space<hbm>> -> memref<8x128xf32, #tpu.memory_space<hbm>>
    tpu.enqueue_dma source(%dma_start3A_284 : memref<8x128xf32, #tpu.memory_space<hbm>>) target(%dma_start3A_282 : memref<8x128xf32, #tpu.memory_space<vmem>>) target_semaphore(%arg8 : memref<!tpu.dma_semaphore, #tpu.memory_space<semaphore_mem>>)
    %dma_start3A_285 = arith.constant 0 : i32
    %dma_start3A_286 = arith.constant 4 : i32
    %dma_start3A_287 = arith.constant 24 : i32
    %dma_start3A_288 = arith.constant 0 : i32
    %dma_start3A_289 = tpu.memref_slice %arg6[%dma_start3A_285, %dma_start3A_286, %dma_start3A_287, %dma_start3A_288] : memref<2x8x32x128xf32, #tpu.memory_space<vmem>> -> memref<1x1x8x128xf32, #tpu.memory_space<vmem>>
    %dma_start3A_290 = tpu.memref_squeeze %dma_start3A_289 : memref<1x1x8x128xf32, #tpu.memory_space<vmem>> -> memref<8x128xf32, #tpu.memory_space<vmem>>
    %dma_start3A_291 = arith.constant 24 : i32
    %dma_start3A_292 = tpu.memref_slice %arg2[%dma_start3A_291, %multiple_of3A_242] : memref<32x1000000xf32, #tpu.memory_space<hbm>> -> memref<8x128xf32, #tpu.memory_space<hbm>>
    %dma_start3A_293 = arith.constant 24 : i32
    %dma_start3A_294 = arith.constant 0 : i32
    %dma_start3A_295 = tpu.memref_slice %arg6[%dma_start3A_285, %dma_start3A_286, %dma_start3A_293, %dma_start3A_294] : memref<2x8x32x128xf32, #tpu.memory_space<vmem>> -> memref<1x1x8x128xf32, #tpu.memory_space<vmem>>
    %dma_start3A_296 = tpu.memref_squeeze %dma_start3A_295 : memref<1x1x8x128xf32, #tpu.memory_space<vmem>> -> memref<8x128xf32, #tpu.memory_space<vmem>>
    %dma_start3A_297 = arith.constant 24 : i32
    %dma_start3A_298 = tpu.memref_slice %arg2[%dma_start3A_297, %multiple_of3A_242] : memref<32x1000000xf32, #tpu.memory_space<hbm>> -> memref<8x128xf32, #tpu.memory_space<hbm>>
    tpu.enqueue_dma source(%dma_start3A_298 : memref<8x128xf32, #tpu.memory_space<hbm>>) target(%dma_start3A_296 : memref<8x128xf32, #tpu.memory_space<vmem>>) target_semaphore(%arg8 : memref<!tpu.dma_semaphore, #tpu.memory_space<semaphore_mem>>)
    %slice3A_299 = vector.extract_strided_slice %shift_left3A_7 {offsets = [5], sizes = [1], strides = [1]} : vector<16xi32> to vector<1xi32>
    %squeeze3A_300 = vector.extract %slice3A_299[0] : i32 from vector<1xi32>
    %multiple_of3A_301 = tpu.assume_multiple %squeeze3A_300, 128 : i32
    %dma_start3A_302 = arith.constant 0 : i32
    %dma_start3A_303 = arith.constant 5 : i32
    %dma_start3A_304 = arith.constant 0 : i32
    %dma_start3A_305 = arith.constant 0 : i32
    %dma_start3A_306 = tpu.memref_slice %arg6[%dma_start3A_302, %dma_start3A_303, %dma_start3A_304, %dma_start3A_305] : memref<2x8x32x128xf32, #tpu.memory_space<vmem>> -> memref<1x1x8x128xf32, #tpu.memory_space<vmem>>
    %dma_start3A_307 = tpu.memref_squeeze %dma_start3A_306 : memref<1x1x8x128xf32, #tpu.memory_space<vmem>> -> memref<8x128xf32, #tpu.memory_space<vmem>>
    %dma_start3A_308 = arith.constant 0 : i32
    %dma_start3A_309 = tpu.memref_slice %arg2[%dma_start3A_308, %multiple_of3A_301] : memref<32x1000000xf32, #tpu.memory_space<hbm>> -> memref<8x128xf32, #tpu.memory_space<hbm>>
    %dma_start3A_310 = arith.constant 0 : i32
    %dma_start3A_311 = arith.constant 0 : i32
    %dma_start3A_312 = tpu.memref_slice %arg6[%dma_start3A_302, %dma_start3A_303, %dma_start3A_310, %dma_start3A_311] : memref<2x8x32x128xf32, #tpu.memory_space<vmem>> -> memref<1x1x8x128xf32, #tpu.memory_space<vmem>>
    %dma_start3A_313 = tpu.memref_squeeze %dma_start3A_312 : memref<1x1x8x128xf32, #tpu.memory_space<vmem>> -> memref<8x128xf32, #tpu.memory_space<vmem>>
    %dma_start3A_314 = arith.constant 0 : i32
    %dma_start3A_315 = tpu.memref_slice %arg2[%dma_start3A_314, %multiple_of3A_301] : memref<32x1000000xf32, #tpu.memory_space<hbm>> -> memref<8x128xf32, #tpu.memory_space<hbm>>
    tpu.enqueue_dma source(%dma_start3A_315 : memref<8x128xf32, #tpu.memory_space<hbm>>) target(%dma_start3A_313 : memref<8x128xf32, #tpu.memory_space<vmem>>) target_semaphore(%arg8 : memref<!tpu.dma_semaphore, #tpu.memory_space<semaphore_mem>>)
    %dma_start3A_316 = arith.constant 0 : i32
    %dma_start3A_317 = arith.constant 5 : i32
    %dma_start3A_318 = arith.constant 8 : i32
    %dma_start3A_319 = arith.constant 0 : i32
    %dma_start3A_320 = tpu.memref_slice %arg6[%dma_start3A_316, %dma_start3A_317, %dma_start3A_318, %dma_start3A_319] : memref<2x8x32x128xf32, #tpu.memory_space<vmem>> -> memref<1x1x8x128xf32, #tpu.memory_space<vmem>>
    %dma_start3A_321 = tpu.memref_squeeze %dma_start3A_320 : memref<1x1x8x128xf32, #tpu.memory_space<vmem>> -> memref<8x128xf32, #tpu.memory_space<vmem>>
    %dma_start3A_322 = arith.constant 8 : i32
    %dma_start3A_323 = tpu.memref_slice %arg2[%dma_start3A_322, %multiple_of3A_301] : memref<32x1000000xf32, #tpu.memory_space<hbm>> -> memref<8x128xf32, #tpu.memory_space<hbm>>
    %dma_start3A_324 = arith.constant 8 : i32
    %dma_start3A_325 = arith.constant 0 : i32
    %dma_start3A_326 = tpu.memref_slice %arg6[%dma_start3A_316, %dma_start3A_317, %dma_start3A_324, %dma_start3A_325] : memref<2x8x32x128xf32, #tpu.memory_space<vmem>> -> memref<1x1x8x128xf32, #tpu.memory_space<vmem>>
    %dma_start3A_327 = tpu.memref_squeeze %dma_start3A_326 : memref<1x1x8x128xf32, #tpu.memory_space<vmem>> -> memref<8x128xf32, #tpu.memory_space<vmem>>
    %dma_start3A_328 = arith.constant 8 : i32
    %dma_start3A_329 = tpu.memref_slice %arg2[%dma_start3A_328, %multiple_of3A_301] : memref<32x1000000xf32, #tpu.memory_space<hbm>> -> memref<8x128xf32, #tpu.memory_space<hbm>>
    tpu.enqueue_dma source(%dma_start3A_329 : memref<8x128xf32, #tpu.memory_space<hbm>>) target(%dma_start3A_327 : memref<8x128xf32, #tpu.memory_space<vmem>>) target_semaphore(%arg8 : memref<!tpu.dma_semaphore, #tpu.memory_space<semaphore_mem>>)
    %dma_start3A_330 = arith.constant 0 : i32
    %dma_start3A_331 = arith.constant 5 : i32
    %dma_start3A_332 = arith.constant 16 : i32
    %dma_start3A_333 = arith.constant 0 : i32
    %dma_start3A_334 = tpu.memref_slice %arg6[%dma_start3A_330, %dma_start3A_331, %dma_start3A_332, %dma_start3A_333] : memref<2x8x32x128xf32, #tpu.memory_space<vmem>> -> memref<1x1x8x128xf32, #tpu.memory_space<vmem>>
    %dma_start3A_335 = tpu.memref_squeeze %dma_start3A_334 : memref<1x1x8x128xf32, #tpu.memory_space<vmem>> -> memref<8x128xf32, #tpu.memory_space<vmem>>
    %dma_start3A_336 = arith.constant 16 : i32
    %dma_start3A_337 = tpu.memref_slice %arg2[%dma_start3A_336, %multiple_of3A_301] : memref<32x1000000xf32, #tpu.memory_space<hbm>> -> memref<8x128xf32, #tpu.memory_space<hbm>>
    %dma_start3A_338 = arith.constant 16 : i32
    %dma_start3A_339 = arith.constant 0 : i32
    %dma_start3A_340 = tpu.memref_slice %arg6[%dma_start3A_330, %dma_start3A_331, %dma_start3A_338, %dma_start3A_339] : memref<2x8x32x128xf32, #tpu.memory_space<vmem>> -> memref<1x1x8x128xf32, #tpu.memory_space<vmem>>
    %dma_start3A_341 = tpu.memref_squeeze %dma_start3A_340 : memref<1x1x8x128xf32, #tpu.memory_space<vmem>> -> memref<8x128xf32, #tpu.memory_space<vmem>>
    %dma_start3A_342 = arith.constant 16 : i32
    %dma_start3A_343 = tpu.memref_slice %arg2[%dma_start3A_342, %multiple_of3A_301] : memref<32x1000000xf32, #tpu.memory_space<hbm>> -> memref<8x128xf32, #tpu.memory_space<hbm>>
    tpu.enqueue_dma source(%dma_start3A_343 : memref<8x128xf32, #tpu.memory_space<hbm>>) target(%dma_start3A_341 : memref<8x128xf32, #tpu.memory_space<vmem>>) target_semaphore(%arg8 : memref<!tpu.dma_semaphore, #tpu.memory_space<semaphore_mem>>)
    %dma_start3A_344 = arith.constant 0 : i32
    %dma_start3A_345 = arith.constant 5 : i32
    %dma_start3A_346 = arith.constant 24 : i32
    %dma_start3A_347 = arith.constant 0 : i32
    %dma_start3A_348 = tpu.memref_slice %arg6[%dma_start3A_344, %dma_start3A_345, %dma_start3A_346, %dma_start3A_347] : memref<2x8x32x128xf32, #tpu.memory_space<vmem>> -> memref<1x1x8x128xf32, #tpu.memory_space<vmem>>
    %dma_start3A_349 = tpu.memref_squeeze %dma_start3A_348 : memref<1x1x8x128xf32, #tpu.memory_space<vmem>> -> memref<8x128xf32, #tpu.memory_space<vmem>>
    %dma_start3A_350 = arith.constant 24 : i32
    %dma_start3A_351 = tpu.memref_slice %arg2[%dma_start3A_350, %multiple_of3A_301] : memref<32x1000000xf32, #tpu.memory_space<hbm>> -> memref<8x128xf32, #tpu.memory_space<hbm>>
    %dma_start3A_352 = arith.constant 24 : i32
    %dma_start3A_353 = arith.constant 0 : i32
    %dma_start3A_354 = tpu.memref_slice %arg6[%dma_start3A_344, %dma_start3A_345, %dma_start3A_352, %dma_start3A_353] : memref<2x8x32x128xf32, #tpu.memory_space<vmem>> -> memref<1x1x8x128xf32, #tpu.memory_space<vmem>>
    %dma_start3A_355 = tpu.memref_squeeze %dma_start3A_354 : memref<1x1x8x128xf32, #tpu.memory_space<vmem>> -> memref<8x128xf32, #tpu.memory_space<vmem>>
    %dma_start3A_356 = arith.constant 24 : i32
    %dma_start3A_357 = tpu.memref_slice %arg2[%dma_start3A_356, %multiple_of3A_301] : memref<32x1000000xf32, #tpu.memory_space<hbm>> -> memref<8x128xf32, #tpu.memory_space<hbm>>
    tpu.enqueue_dma source(%dma_start3A_357 : memref<8x128xf32, #tpu.memory_space<hbm>>) target(%dma_start3A_355 : memref<8x128xf32, #tpu.memory_space<vmem>>) target_semaphore(%arg8 : memref<!tpu.dma_semaphore, #tpu.memory_space<semaphore_mem>>)
    %slice3A_358 = vector.extract_strided_slice %shift_left3A_7 {offsets = [6], sizes = [1], strides = [1]} : vector<16xi32> to vector<1xi32>
    %squeeze3A_359 = vector.extract %slice3A_358[0] : i32 from vector<1xi32>
    %multiple_of3A_360 = tpu.assume_multiple %squeeze3A_359, 128 : i32
    %dma_start3A_361 = arith.constant 0 : i32
    %dma_start3A_362 = arith.constant 6 : i32
    %dma_start3A_363 = arith.constant 0 : i32
    %dma_start3A_364 = arith.constant 0 : i32
    %dma_start3A_365 = tpu.memref_slice %arg6[%dma_start3A_361, %dma_start3A_362, %dma_start3A_363, %dma_start3A_364] : memref<2x8x32x128xf32, #tpu.memory_space<vmem>> -> memref<1x1x8x128xf32, #tpu.memory_space<vmem>>
    %dma_start3A_366 = tpu.memref_squeeze %dma_start3A_365 : memref<1x1x8x128xf32, #tpu.memory_space<vmem>> -> memref<8x128xf32, #tpu.memory_space<vmem>>
    %dma_start3A_367 = arith.constant 0 : i32
    %dma_start3A_368 = tpu.memref_slice %arg2[%dma_start3A_367, %multiple_of3A_360] : memref<32x1000000xf32, #tpu.memory_space<hbm>> -> memref<8x128xf32, #tpu.memory_space<hbm>>
    %dma_start3A_369 = arith.constant 0 : i32
    %dma_start3A_370 = arith.constant 0 : i32
    %dma_start3A_371 = tpu.memref_slice %arg6[%dma_start3A_361, %dma_start3A_362, %dma_start3A_369, %dma_start3A_370] : memref<2x8x32x128xf32, #tpu.memory_space<vmem>> -> memref<1x1x8x128xf32, #tpu.memory_space<vmem>>
    %dma_start3A_372 = tpu.memref_squeeze %dma_start3A_371 : memref<1x1x8x128xf32, #tpu.memory_space<vmem>> -> memref<8x128xf32, #tpu.memory_space<vmem>>
    %dma_start3A_373 = arith.constant 0 : i32
    %dma_start3A_374 = tpu.memref_slice %arg2[%dma_start3A_373, %multiple_of3A_360] : memref<32x1000000xf32, #tpu.memory_space<hbm>> -> memref<8x128xf32, #tpu.memory_space<hbm>>
    tpu.enqueue_dma source(%dma_start3A_374 : memref<8x128xf32, #tpu.memory_space<hbm>>) target(%dma_start3A_372 : memref<8x128xf32, #tpu.memory_space<vmem>>) target_semaphore(%arg8 : memref<!tpu.dma_semaphore, #tpu.memory_space<semaphore_mem>>)
    %dma_start3A_375 = arith.constant 0 : i32
    %dma_start3A_376 = arith.constant 6 : i32
    %dma_start3A_377 = arith.constant 8 : i32
    %dma_start3A_378 = arith.constant 0 : i32
    %dma_start3A_379 = tpu.memref_slice %arg6[%dma_start3A_375, %dma_start3A_376, %dma_start3A_377, %dma_start3A_378] : memref<2x8x32x128xf32, #tpu.memory_space<vmem>> -> memref<1x1x8x128xf32, #tpu.memory_space<vmem>>
    %dma_start3A_380 = tpu.memref_squeeze %dma_start3A_379 : memref<1x1x8x128xf32, #tpu.memory_space<vmem>> -> memref<8x128xf32, #tpu.memory_space<vmem>>
    %dma_start3A_381 = arith.constant 8 : i32
    %dma_start3A_382 = tpu.memref_slice %arg2[%dma_start3A_381, %multiple_of3A_360] : memref<32x1000000xf32, #tpu.memory_space<hbm>> -> memref<8x128xf32, #tpu.memory_space<hbm>>
    %dma_start3A_383 = arith.constant 8 : i32
    %dma_start3A_384 = arith.constant 0 : i32
    %dma_start3A_385 = tpu.memref_slice %arg6[%dma_start3A_375, %dma_start3A_376, %dma_start3A_383, %dma_start3A_384] : memref<2x8x32x128xf32, #tpu.memory_space<vmem>> -> memref<1x1x8x128xf32, #tpu.memory_space<vmem>>
    %dma_start3A_386 = tpu.memref_squeeze %dma_start3A_385 : memref<1x1x8x128xf32, #tpu.memory_space<vmem>> -> memref<8x128xf32, #tpu.memory_space<vmem>>
    %dma_start3A_387 = arith.constant 8 : i32
    %dma_start3A_388 = tpu.memref_slice %arg2[%dma_start3A_387, %multiple_of3A_360] : memref<32x1000000xf32, #tpu.memory_space<hbm>> -> memref<8x128xf32, #tpu.memory_space<hbm>>
    tpu.enqueue_dma source(%dma_start3A_388 : memref<8x128xf32, #tpu.memory_space<hbm>>) target(%dma_start3A_386 : memref<8x128xf32, #tpu.memory_space<vmem>>) target_semaphore(%arg8 : memref<!tpu.dma_semaphore, #tpu.memory_space<semaphore_mem>>)
    %dma_start3A_389 = arith.constant 0 : i32
    %dma_start3A_390 = arith.constant 6 : i32
    %dma_start3A_391 = arith.constant 16 : i32
    %dma_start3A_392 = arith.constant 0 : i32
    %dma_start3A_393 = tpu.memref_slice %arg6[%dma_start3A_389, %dma_start3A_390, %dma_start3A_391, %dma_start3A_392] : memref<2x8x32x128xf32, #tpu.memory_space<vmem>> -> memref<1x1x8x128xf32, #tpu.memory_space<vmem>>
    %dma_start3A_394 = tpu.memref_squeeze %dma_start3A_393 : memref<1x1x8x128xf32, #tpu.memory_space<vmem>> -> memref<8x128xf32, #tpu.memory_space<vmem>>
    %dma_start3A_395 = arith.constant 16 : i32
    %dma_start3A_396 = tpu.memref_slice %arg2[%dma_start3A_395, %multiple_of3A_360] : memref<32x1000000xf32, #tpu.memory_space<hbm>> -> memref<8x128xf32, #tpu.memory_space<hbm>>
    %dma_start3A_397 = arith.constant 16 : i32
    %dma_start3A_398 = arith.constant 0 : i32
    %dma_start3A_399 = tpu.memref_slice %arg6[%dma_start3A_389, %dma_start3A_390, %dma_start3A_397, %dma_start3A_398] : memref<2x8x32x128xf32, #tpu.memory_space<vmem>> -> memref<1x1x8x128xf32, #tpu.memory_space<vmem>>
    %dma_start3A_400 = tpu.memref_squeeze %dma_start3A_399 : memref<1x1x8x128xf32, #tpu.memory_space<vmem>> -> memref<8x128xf32, #tpu.memory_space<vmem>>
    %dma_start3A_401 = arith.constant 16 : i32
    %dma_start3A_402 = tpu.memref_slice %arg2[%dma_start3A_401, %multiple_of3A_360] : memref<32x1000000xf32, #tpu.memory_space<hbm>> -> memref<8x128xf32, #tpu.memory_space<hbm>>
    tpu.enqueue_dma source(%dma_start3A_402 : memref<8x128xf32, #tpu.memory_space<hbm>>) target(%dma_start3A_400 : memref<8x128xf32, #tpu.memory_space<vmem>>) target_semaphore(%arg8 : memref<!tpu.dma_semaphore, #tpu.memory_space<semaphore_mem>>)
    %dma_start3A_403 = arith.constant 0 : i32
    %dma_start3A_404 = arith.constant 6 : i32
    %dma_start3A_405 = arith.constant 24 : i32
    %dma_start3A_406 = arith.constant 0 : i32
    %dma_start3A_407 = tpu.memref_slice %arg6[%dma_start3A_403, %dma_start3A_404, %dma_start3A_405, %dma_start3A_406] : memref<2x8x32x128xf32, #tpu.memory_space<vmem>> -> memref<1x1x8x128xf32, #tpu.memory_space<vmem>>
    %dma_start3A_408 = tpu.memref_squeeze %dma_start3A_407 : memref<1x1x8x128xf32, #tpu.memory_space<vmem>> -> memref<8x128xf32, #tpu.memory_space<vmem>>
    %dma_start3A_409 = arith.constant 24 : i32
    %dma_start3A_410 = tpu.memref_slice %arg2[%dma_start3A_409, %multiple_of3A_360] : memref<32x1000000xf32, #tpu.memory_space<hbm>> -> memref<8x128xf32, #tpu.memory_space<hbm>>
    %dma_start3A_411 = arith.constant 24 : i32
    %dma_start3A_412 = arith.constant 0 : i32
    %dma_start3A_413 = tpu.memref_slice %arg6[%dma_start3A_403, %dma_start3A_404, %dma_start3A_411, %dma_start3A_412] : memref<2x8x32x128xf32, #tpu.memory_space<vmem>> -> memref<1x1x8x128xf32, #tpu.memory_space<vmem>>
    %dma_start3A_414 = tpu.memref_squeeze %dma_start3A_413 : memref<1x1x8x128xf32, #tpu.memory_space<vmem>> -> memref<8x128xf32, #tpu.memory_space<vmem>>
    %dma_start3A_415 = arith.constant 24 : i32
    %dma_start3A_416 = tpu.memref_slice %arg2[%dma_start3A_415, %multiple_of3A_360] : memref<32x1000000xf32, #tpu.memory_space<hbm>> -> memref<8x128xf32, #tpu.memory_space<hbm>>
    tpu.enqueue_dma source(%dma_start3A_416 : memref<8x128xf32, #tpu.memory_space<hbm>>) target(%dma_start3A_414 : memref<8x128xf32, #tpu.memory_space<vmem>>) target_semaphore(%arg8 : memref<!tpu.dma_semaphore, #tpu.memory_space<semaphore_mem>>)
    %slice3A_417 = vector.extract_strided_slice %shift_left3A_7 {offsets = [7], sizes = [1], strides = [1]} : vector<16xi32> to vector<1xi32>
    %squeeze3A_418 = vector.extract %slice3A_417[0] : i32 from vector<1xi32>
    %multiple_of3A_419 = tpu.assume_multiple %squeeze3A_418, 128 : i32
    %dma_start3A_420 = arith.constant 0 : i32
    %dma_start3A_421 = arith.constant 7 : i32
    %dma_start3A_422 = arith.constant 0 : i32
    %dma_start3A_423 = arith.constant 0 : i32
    %dma_start3A_424 = tpu.memref_slice %arg6[%dma_start3A_420, %dma_start3A_421, %dma_start3A_422, %dma_start3A_423] : memref<2x8x32x128xf32, #tpu.memory_space<vmem>> -> memref<1x1x8x128xf32, #tpu.memory_space<vmem>>
    %dma_start3A_425 = tpu.memref_squeeze %dma_start3A_424 : memref<1x1x8x128xf32, #tpu.memory_space<vmem>> -> memref<8x128xf32, #tpu.memory_space<vmem>>
    %dma_start3A_426 = arith.constant 0 : i32
    %dma_start3A_427 = tpu.memref_slice %arg2[%dma_start3A_426, %multiple_of3A_419] : memref<32x1000000xf32, #tpu.memory_space<hbm>> -> memref<8x128xf32, #tpu.memory_space<hbm>>
    %dma_start3A_428 = arith.constant 0 : i32
    %dma_start3A_429 = arith.constant 0 : i32
    %dma_start3A_430 = tpu.memref_slice %arg6[%dma_start3A_420, %dma_start3A_421, %dma_start3A_428, %dma_start3A_429] : memref<2x8x32x128xf32, #tpu.memory_space<vmem>> -> memref<1x1x8x128xf32, #tpu.memory_space<vmem>>
    %dma_start3A_431 = tpu.memref_squeeze %dma_start3A_430 : memref<1x1x8x128xf32, #tpu.memory_space<vmem>> -> memref<8x128xf32, #tpu.memory_space<vmem>>
    %dma_start3A_432 = arith.constant 0 : i32
    %dma_start3A_433 = tpu.memref_slice %arg2[%dma_start3A_432, %multiple_of3A_419] : memref<32x1000000xf32, #tpu.memory_space<hbm>> -> memref<8x128xf32, #tpu.memory_space<hbm>>
    tpu.enqueue_dma source(%dma_start3A_433 : memref<8x128xf32, #tpu.memory_space<hbm>>) target(%dma_start3A_431 : memref<8x128xf32, #tpu.memory_space<vmem>>) target_semaphore(%arg8 : memref<!tpu.dma_semaphore, #tpu.memory_space<semaphore_mem>>)
    %dma_start3A_434 = arith.constant 0 : i32
    %dma_start3A_435 = arith.constant 7 : i32
    %dma_start3A_436 = arith.constant 8 : i32
    %dma_start3A_437 = arith.constant 0 : i32
    %dma_start3A_438 = tpu.memref_slice %arg6[%dma_start3A_434, %dma_start3A_435, %dma_start3A_436, %dma_start3A_437] : memref<2x8x32x128xf32, #tpu.memory_space<vmem>> -> memref<1x1x8x128xf32, #tpu.memory_space<vmem>>
    %dma_start3A_439 = tpu.memref_squeeze %dma_start3A_438 : memref<1x1x8x128xf32, #tpu.memory_space<vmem>> -> memref<8x128xf32, #tpu.memory_space<vmem>>
    %dma_start3A_440 = arith.constant 8 : i32
    %dma_start3A_441 = tpu.memref_slice %arg2[%dma_start3A_440, %multiple_of3A_419] : memref<32x1000000xf32, #tpu.memory_space<hbm>> -> memref<8x128xf32, #tpu.memory_space<hbm>>
    %dma_start3A_442 = arith.constant 8 : i32
    %dma_start3A_443 = arith.constant 0 : i32
    %dma_start3A_444 = tpu.memref_slice %arg6[%dma_start3A_434, %dma_start3A_435, %dma_start3A_442, %dma_start3A_443] : memref<2x8x32x128xf32, #tpu.memory_space<vmem>> -> memref<1x1x8x128xf32, #tpu.memory_space<vmem>>
    %dma_start3A_445 = tpu.memref_squeeze %dma_start3A_444 : memref<1x1x8x128xf32, #tpu.memory_space<vmem>> -> memref<8x128xf32, #tpu.memory_space<vmem>>
    %dma_start3A_446 = arith.constant 8 : i32
    %dma_start3A_447 = tpu.memref_slice %arg2[%dma_start3A_446, %multiple_of3A_419] : memref<32x1000000xf32, #tpu.memory_space<hbm>> -> memref<8x128xf32, #tpu.memory_space<hbm>>
    tpu.enqueue_dma source(%dma_start3A_447 : memref<8x128xf32, #tpu.memory_space<hbm>>) target(%dma_start3A_445 : memref<8x128xf32, #tpu.memory_space<vmem>>) target_semaphore(%arg8 : memref<!tpu.dma_semaphore, #tpu.memory_space<semaphore_mem>>)
    %dma_start3A_448 = arith.constant 0 : i32
    %dma_start3A_449 = arith.constant 7 : i32
    %dma_start3A_450 = arith.constant 16 : i32
    %dma_start3A_451 = arith.constant 0 : i32
    %dma_start3A_452 = tpu.memref_slice %arg6[%dma_start3A_448, %dma_start3A_449, %dma_start3A_450, %dma_start3A_451] : memref<2x8x32x128xf32, #tpu.memory_space<vmem>> -> memref<1x1x8x128xf32, #tpu.memory_space<vmem>>
    %dma_start3A_453 = tpu.memref_squeeze %dma_start3A_452 : memref<1x1x8x128xf32, #tpu.memory_space<vmem>> -> memref<8x128xf32, #tpu.memory_space<vmem>>
    %dma_start3A_454 = arith.constant 16 : i32
    %dma_start3A_455 = tpu.memref_slice %arg2[%dma_start3A_454, %multiple_of3A_419] : memref<32x1000000xf32, #tpu.memory_space<hbm>> -> memref<8x128xf32, #tpu.memory_space<hbm>>
    %dma_start3A_456 = arith.constant 16 : i32
    %dma_start3A_457 = arith.constant 0 : i32
    %dma_start3A_458 = tpu.memref_slice %arg6[%dma_start3A_448, %dma_start3A_449, %dma_start3A_456, %dma_start3A_457] : memref<2x8x32x128xf32, #tpu.memory_space<vmem>> -> memref<1x1x8x128xf32, #tpu.memory_space<vmem>>
    %dma_start3A_459 = tpu.memref_squeeze %dma_start3A_458 : memref<1x1x8x128xf32, #tpu.memory_space<vmem>> -> memref<8x128xf32, #tpu.memory_space<vmem>>
    %dma_start3A_460 = arith.constant 16 : i32
    %dma_start3A_461 = tpu.memref_slice %arg2[%dma_start3A_460, %multiple_of3A_419] : memref<32x1000000xf32, #tpu.memory_space<hbm>> -> memref<8x128xf32, #tpu.memory_space<hbm>>
    tpu.enqueue_dma source(%dma_start3A_461 : memref<8x128xf32, #tpu.memory_space<hbm>>) target(%dma_start3A_459 : memref<8x128xf32, #tpu.memory_space<vmem>>) target_semaphore(%arg8 : memref<!tpu.dma_semaphore, #tpu.memory_space<semaphore_mem>>)
    %dma_start3A_462 = arith.constant 0 : i32
    %dma_start3A_463 = arith.constant 7 : i32
    %dma_start3A_464 = arith.constant 24 : i32
    %dma_start3A_465 = arith.constant 0 : i32
    %dma_start3A_466 = tpu.memref_slice %arg6[%dma_start3A_462, %dma_start3A_463, %dma_start3A_464, %dma_start3A_465] : memref<2x8x32x128xf32, #tpu.memory_space<vmem>> -> memref<1x1x8x128xf32, #tpu.memory_space<vmem>>
    %dma_start3A_467 = tpu.memref_squeeze %dma_start3A_466 : memref<1x1x8x128xf32, #tpu.memory_space<vmem>> -> memref<8x128xf32, #tpu.memory_space<vmem>>
    %dma_start3A_468 = arith.constant 24 : i32
    %dma_start3A_469 = tpu.memref_slice %arg2[%dma_start3A_468, %multiple_of3A_419] : memref<32x1000000xf32, #tpu.memory_space<hbm>> -> memref<8x128xf32, #tpu.memory_space<hbm>>
    %dma_start3A_470 = arith.constant 24 : i32
    %dma_start3A_471 = arith.constant 0 : i32
    %dma_start3A_472 = tpu.memref_slice %arg6[%dma_start3A_462, %dma_start3A_463, %dma_start3A_470, %dma_start3A_471] : memref<2x8x32x128xf32, #tpu.memory_space<vmem>> -> memref<1x1x8x128xf32, #tpu.memory_space<vmem>>
    %dma_start3A_473 = tpu.memref_squeeze %dma_start3A_472 : memref<1x1x8x128xf32, #tpu.memory_space<vmem>> -> memref<8x128xf32, #tpu.memory_space<vmem>>
    %dma_start3A_474 = arith.constant 24 : i32
    %dma_start3A_475 = tpu.memref_slice %arg2[%dma_start3A_474, %multiple_of3A_419] : memref<32x1000000xf32, #tpu.memory_space<hbm>> -> memref<8x128xf32, #tpu.memory_space<hbm>>
    tpu.enqueue_dma source(%dma_start3A_475 : memref<8x128xf32, #tpu.memory_space<hbm>>) target(%dma_start3A_473 : memref<8x128xf32, #tpu.memory_space<vmem>>) target_semaphore(%arg8 : memref<!tpu.dma_semaphore, #tpu.memory_space<semaphore_mem>>)
    %scan3A = arith.constant 0 : i32
    %scan3A_476 = arith.constant 0 : i32
    %scan3A_477 = arith.constant 32 : i32
    %scan3A_478 = arith.addi %scan3A_476, %scan3A_477 : i32
    %scan3A_479 = arith.constant 1 : i32
    %scan3A_480 = scf.for %scan3A_482 = %scan3A_476 to %scan3A_478 step %scan3A_479 iter_args(%scan3A_483 = %scan3A) -> (i32)  : i32 {
      %mul3A_484 = arith.constant 2 : i32
      %mul3A_485 = arith.muli %scan3A_482, %mul3A_484 : i32
      %add3A_486 = arith.constant 1 : i32
      %add3A_487 = arith.addi %mul3A_485, %add3A_486 : i32
      %mul3A_488 = arith.constant 8 : i32
      %mul3A_489 = arith.muli %add3A_487, %mul3A_488 : i32
      %get3A_490 = arith.index_cast %mul3A_489 : i32 to index
      %get3A_491 = tpu.vector_load %arg5[%get3A_490] {strides = array<i32>} : memref<520xi32, #tpu.memory_space<vmem>>, vector<16xi32>,
      %shift_right_arithmetic3A_492 = arith.constant 7 : i32
      %shift_right_arithmetic3A_493 = vector.broadcast %shift_right_arithmetic3A_492 : i32 to vector<16xi32>
      %shift_right_arithmetic3A_494 = arith.shrsi %get3A_491, %shift_right_arithmetic3A_493 : vector<16xi32>
      %shift_left3A_495 = arith.constant 7 : i32
      %shift_left3A_496 = vector.broadcast %shift_left3A_495 : i32 to vector<16xi32>
      %shift_left3A_497 = arith.shli %shift_right_arithmetic3A_494, %shift_left3A_496 : vector<16xi32>
      %slice3A_498 = vector.extract_strided_slice %shift_left3A_497 {offsets = [0], sizes = [1], strides = [1]} : vector<16xi32> to vector<1xi32>
      %squeeze3A_499 = vector.extract %slice3A_498[0] : i32 from vector<1xi32>
      %multiple_of3A_500 = tpu.assume_multiple %squeeze3A_499, 128 : i32
      %dma_start3A_501 = arith.constant 1 : i32
      %dma_start3A_502 = arith.constant 0 : i32
      %dma_start3A_503 = arith.constant 0 : i32
      %dma_start3A_504 = arith.constant 0 : i32
      %dma_start3A_505 = tpu.memref_slice %arg6[%dma_start3A_501, %dma_start3A_502, %dma_start3A_503, %dma_start3A_504] : memref<2x8x32x128xf32, #tpu.memory_space<vmem>> -> memref<1x1x8x128xf32, #tpu.memory_space<vmem>>
      %dma_start3A_506 = tpu.memref_squeeze %dma_start3A_505 : memref<1x1x8x128xf32, #tpu.memory_space<vmem>> -> memref<8x128xf32, #tpu.memory_space<vmem>>
      %dma_start3A_507 = arith.constant 0 : i32
      %dma_start3A_508 = tpu.memref_slice %arg2[%dma_start3A_507, %multiple_of3A_500] : memref<32x1000000xf32, #tpu.memory_space<hbm>> -> memref<8x128xf32, #tpu.memory_space<hbm>>
      %dma_start3A_509 = arith.constant 0 : i32
      %dma_start3A_510 = arith.constant 0 : i32
      %dma_start3A_511 = tpu.memref_slice %arg6[%dma_start3A_501, %dma_start3A_502, %dma_start3A_509, %dma_start3A_510] : memref<2x8x32x128xf32, #tpu.memory_space<vmem>> -> memref<1x1x8x128xf32, #tpu.memory_space<vmem>>
      %dma_start3A_512 = tpu.memref_squeeze %dma_start3A_511 : memref<1x1x8x128xf32, #tpu.memory_space<vmem>> -> memref<8x128xf32, #tpu.memory_space<vmem>>
      %dma_start3A_513 = arith.constant 0 : i32
      %dma_start3A_514 = tpu.memref_slice %arg2[%dma_start3A_513, %multiple_of3A_500] : memref<32x1000000xf32, #tpu.memory_space<hbm>> -> memref<8x128xf32, #tpu.memory_space<hbm>>
      tpu.enqueue_dma source(%dma_start3A_514 : memref<8x128xf32, #tpu.memory_space<hbm>>) target(%dma_start3A_512 : memref<8x128xf32, #tpu.memory_space<vmem>>) target_semaphore(%arg8 : memref<!tpu.dma_semaphore, #tpu.memory_space<semaphore_mem>>)
      %dma_start3A_515 = arith.constant 1 : i32
      %dma_start3A_516 = arith.constant 0 : i32
      %dma_start3A_517 = arith.constant 8 : i32
      %dma_start3A_518 = arith.constant 0 : i32
      %dma_start3A_519 = tpu.memref_slice %arg6[%dma_start3A_515, %dma_start3A_516, %dma_start3A_517, %dma_start3A_518] : memref<2x8x32x128xf32, #tpu.memory_space<vmem>> -> memref<1x1x8x128xf32, #tpu.memory_space<vmem>>
      %dma_start3A_520 = tpu.memref_squeeze %dma_start3A_519 : memref<1x1x8x128xf32, #tpu.memory_space<vmem>> -> memref<8x128xf32, #tpu.memory_space<vmem>>
      %dma_start3A_521 = arith.constant 8 : i32
      %dma_start3A_522 = tpu.memref_slice %arg2[%dma_start3A_521, %multiple_of3A_500] : memref<32x1000000xf32, #tpu.memory_space<hbm>> -> memref<8x128xf32, #tpu.memory_space<hbm>>
      %dma_start3A_523 = arith.constant 8 : i32
      %dma_start3A_524 = arith.constant 0 : i32
      %dma_start3A_525 = tpu.memref_slice %arg6[%dma_start3A_515, %dma_start3A_516, %dma_start3A_523, %dma_start3A_524] : memref<2x8x32x128xf32, #tpu.memory_space<vmem>> -> memref<1x1x8x128xf32, #tpu.memory_space<vmem>>
      %dma_start3A_526 = tpu.memref_squeeze %dma_start3A_525 : memref<1x1x8x128xf32, #tpu.memory_space<vmem>> -> memref<8x128xf32, #tpu.memory_space<vmem>>
      %dma_start3A_527 = arith.constant 8 : i32
      %dma_start3A_528 = tpu.memref_slice %arg2[%dma_start3A_527, %multiple_of3A_500] : memref<32x1000000xf32, #tpu.memory_space<hbm>> -> memref<8x128xf32, #tpu.memory_space<hbm>>
      tpu.enqueue_dma source(%dma_start3A_528 : memref<8x128xf32, #tpu.memory_space<hbm>>) target(%dma_start3A_526 : memref<8x128xf32, #tpu.memory_space<vmem>>) target_semaphore(%arg8 : memref<!tpu.dma_semaphore, #tpu.memory_space<semaphore_mem>>)
      %dma_start3A_529 = arith.constant 1 : i32
      %dma_start3A_530 = arith.constant 0 : i32
      %dma_start3A_531 = arith.constant 16 : i32
      %dma_start3A_532 = arith.constant 0 : i32
      %dma_start3A_533 = tpu.memref_slice %arg6[%dma_start3A_529, %dma_start3A_530, %dma_start3A_531, %dma_start3A_532] : memref<2x8x32x128xf32, #tpu.memory_space<vmem>> -> memref<1x1x8x128xf32, #tpu.memory_space<vmem>>
      %dma_start3A_534 = tpu.memref_squeeze %dma_start3A_533 : memref<1x1x8x128xf32, #tpu.memory_space<vmem>> -> memref<8x128xf32, #tpu.memory_space<vmem>>
      %dma_start3A_535 = arith.constant 16 : i32
      %dma_start3A_536 = tpu.memref_slice %arg2[%dma_start3A_535, %multiple_of3A_500] : memref<32x1000000xf32, #tpu.memory_space<hbm>> -> memref<8x128xf32, #tpu.memory_space<hbm>>
      %dma_start3A_537 = arith.constant 16 : i32
      %dma_start3A_538 = arith.constant 0 : i32
      %dma_start3A_539 = tpu.memref_slice %arg6[%dma_start3A_529, %dma_start3A_530, %dma_start3A_537, %dma_start3A_538] : memref<2x8x32x128xf32, #tpu.memory_space<vmem>> -> memref<1x1x8x128xf32, #tpu.memory_space<vmem>>
      %dma_start3A_540 = tpu.memref_squeeze %dma_start3A_539 : memref<1x1x8x128xf32, #tpu.memory_space<vmem>> -> memref<8x128xf32, #tpu.memory_space<vmem>>
      %dma_start3A_541 = arith.constant 16 : i32
      %dma_start3A_542 = tpu.memref_slice %arg2[%dma_start3A_541, %multiple_of3A_500] : memref<32x1000000xf32, #tpu.memory_space<hbm>> -> memref<8x128xf32, #tpu.memory_space<hbm>>
      tpu.enqueue_dma source(%dma_start3A_542 : memref<8x128xf32, #tpu.memory_space<hbm>>) target(%dma_start3A_540 : memref<8x128xf32, #tpu.memory_space<vmem>>) target_semaphore(%arg8 : memref<!tpu.dma_semaphore, #tpu.memory_space<semaphore_mem>>)
      %dma_start3A_543 = arith.constant 1 : i32
      %dma_start3A_544 = arith.constant 0 : i32
      %dma_start3A_545 = arith.constant 24 : i32
      %dma_start3A_546 = arith.constant 0 : i32
      %dma_start3A_547 = tpu.memref_slice %arg6[%dma_start3A_543, %dma_start3A_544, %dma_start3A_545, %dma_start3A_546] : memref<2x8x32x128xf32, #tpu.memory_space<vmem>> -> memref<1x1x8x128xf32, #tpu.memory_space<vmem>>
      %dma_start3A_548 = tpu.memref_squeeze %dma_start3A_547 : memref<1x1x8x128xf32, #tpu.memory_space<vmem>> -> memref<8x128xf32, #tpu.memory_space<vmem>>
      %dma_start3A_549 = arith.constant 24 : i32
      %dma_start3A_550 = tpu.memref_slice %arg2[%dma_start3A_549, %multiple_of3A_500] : memref<32x1000000xf32, #tpu.memory_space<hbm>> -> memref<8x128xf32, #tpu.memory_space<hbm>>
      %dma_start3A_551 = arith.constant 24 : i32
      %dma_start3A_552 = arith.constant 0 : i32
      %dma_start3A_553 = tpu.memref_slice %arg6[%dma_start3A_543, %dma_start3A_544, %dma_start3A_551, %dma_start3A_552] : memref<2x8x32x128xf32, #tpu.memory_space<vmem>> -> memref<1x1x8x128xf32, #tpu.memory_space<vmem>>
      %dma_start3A_554 = tpu.memref_squeeze %dma_start3A_553 : memref<1x1x8x128xf32, #tpu.memory_space<vmem>> -> memref<8x128xf32, #tpu.memory_space<vmem>>
      %dma_start3A_555 = arith.constant 24 : i32
      %dma_start3A_556 = tpu.memref_slice %arg2[%dma_start3A_555, %multiple_of3A_500] : memref<32x1000000xf32, #tpu.memory_space<hbm>> -> memref<8x128xf32, #tpu.memory_space<hbm>>
      tpu.enqueue_dma source(%dma_start3A_556 : memref<8x128xf32, #tpu.memory_space<hbm>>) target(%dma_start3A_554 : memref<8x128xf32, #tpu.memory_space<vmem>>) target_semaphore(%arg8 : memref<!tpu.dma_semaphore, #tpu.memory_space<semaphore_mem>>)
      %slice3A_557 = vector.extract_strided_slice %shift_left3A_497 {offsets = [1], sizes = [1], strides = [1]} : vector<16xi32> to vector<1xi32>
      %squeeze3A_558 = vector.extract %slice3A_557[0] : i32 from vector<1xi32>
      %multiple_of3A_559 = tpu.assume_multiple %squeeze3A_558, 128 : i32
      %dma_start3A_560 = arith.constant 1 : i32
      %dma_start3A_561 = arith.constant 1 : i32
      %dma_start3A_562 = arith.constant 0 : i32
      %dma_start3A_563 = arith.constant 0 : i32
      %dma_start3A_564 = tpu.memref_slice %arg6[%dma_start3A_560, %dma_start3A_561, %dma_start3A_562, %dma_start3A_563] : memref<2x8x32x128xf32, #tpu.memory_space<vmem>> -> memref<1x1x8x128xf32, #tpu.memory_space<vmem>>
      %dma_start3A_565 = tpu.memref_squeeze %dma_start3A_564 : memref<1x1x8x128xf32, #tpu.memory_space<vmem>> -> memref<8x128xf32, #tpu.memory_space<vmem>>
      %dma_start3A_566 = arith.constant 0 : i32
      %dma_start3A_567 = tpu.memref_slice %arg2[%dma_start3A_566, %multiple_of3A_559] : memref<32x1000000xf32, #tpu.memory_space<hbm>> -> memref<8x128xf32, #tpu.memory_space<hbm>>
      %dma_start3A_568 = arith.constant 0 : i32
      %dma_start3A_569 = arith.constant 0 : i32
      %dma_start3A_570 = tpu.memref_slice %arg6[%dma_start3A_560, %dma_start3A_561, %dma_start3A_568, %dma_start3A_569] : memref<2x8x32x128xf32, #tpu.memory_space<vmem>> -> memref<1x1x8x128xf32, #tpu.memory_space<vmem>>
      %dma_start3A_571 = tpu.memref_squeeze %dma_start3A_570 : memref<1x1x8x128xf32, #tpu.memory_space<vmem>> -> memref<8x128xf32, #tpu.memory_space<vmem>>
      %dma_start3A_572 = arith.constant 0 : i32
      %dma_start3A_573 = tpu.memref_slice %arg2[%dma_start3A_572, %multiple_of3A_559] : memref<32x1000000xf32, #tpu.memory_space<hbm>> -> memref<8x128xf32, #tpu.memory_space<hbm>>
      tpu.enqueue_dma source(%dma_start3A_573 : memref<8x128xf32, #tpu.memory_space<hbm>>) target(%dma_start3A_571 : memref<8x128xf32, #tpu.memory_space<vmem>>) target_semaphore(%arg8 : memref<!tpu.dma_semaphore, #tpu.memory_space<semaphore_mem>>)
      %dma_start3A_574 = arith.constant 1 : i32
      %dma_start3A_575 = arith.constant 1 : i32
      %dma_start3A_576 = arith.constant 8 : i32
      %dma_start3A_577 = arith.constant 0 : i32
      %dma_start3A_578 = tpu.memref_slice %arg6[%dma_start3A_574, %dma_start3A_575, %dma_start3A_576, %dma_start3A_577] : memref<2x8x32x128xf32, #tpu.memory_space<vmem>> -> memref<1x1x8x128xf32, #tpu.memory_space<vmem>>
      %dma_start3A_579 = tpu.memref_squeeze %dma_start3A_578 : memref<1x1x8x128xf32, #tpu.memory_space<vmem>> -> memref<8x128xf32, #tpu.memory_space<vmem>>
      %dma_start3A_580 = arith.constant 8 : i32
      %dma_start3A_581 = tpu.memref_slice %arg2[%dma_start3A_580, %multiple_of3A_559] : memref<32x1000000xf32, #tpu.memory_space<hbm>> -> memref<8x128xf32, #tpu.memory_space<hbm>>
      %dma_start3A_582 = arith.constant 8 : i32
      %dma_start3A_583 = arith.constant 0 : i32
      %dma_start3A_584 = tpu.memref_slice %arg6[%dma_start3A_574, %dma_start3A_575, %dma_start3A_582, %dma_start3A_583] : memref<2x8x32x128xf32, #tpu.memory_space<vmem>> -> memref<1x1x8x128xf32, #tpu.memory_space<vmem>>
      %dma_start3A_585 = tpu.memref_squeeze %dma_start3A_584 : memref<1x1x8x128xf32, #tpu.memory_space<vmem>> -> memref<8x128xf32, #tpu.memory_space<vmem>>
      %dma_start3A_586 = arith.constant 8 : i32
      %dma_start3A_587 = tpu.memref_slice %arg2[%dma_start3A_586, %multiple_of3A_559] : memref<32x1000000xf32, #tpu.memory_space<hbm>> -> memref<8x128xf32, #tpu.memory_space<hbm>>
      tpu.enqueue_dma source(%dma_start3A_587 : memref<8x128xf32, #tpu.memory_space<hbm>>) target(%dma_start3A_585 : memref<8x128xf32, #tpu.memory_space<vmem>>) target_semaphore(%arg8 : memref<!tpu.dma_semaphore, #tpu.memory_space<semaphore_mem>>)
      %dma_start3A_588 = arith.constant 1 : i32
      %dma_start3A_589 = arith.constant 1 : i32
      %dma_start3A_590 = arith.constant 16 : i32
      %dma_start3A_591 = arith.constant 0 : i32
      %dma_start3A_592 = tpu.memref_slice %arg6[%dma_start3A_588, %dma_start3A_589, %dma_start3A_590, %dma_start3A_591] : memref<2x8x32x128xf32, #tpu.memory_space<vmem>> -> memref<1x1x8x128xf32, #tpu.memory_space<vmem>>
      %dma_start3A_593 = tpu.memref_squeeze %dma_start3A_592 : memref<1x1x8x128xf32, #tpu.memory_space<vmem>> -> memref<8x128xf32, #tpu.memory_space<vmem>>
      %dma_start3A_594 = arith.constant 16 : i32
      %dma_start3A_595 = tpu.memref_slice %arg2[%dma_start3A_594, %multiple_of3A_559] : memref<32x1000000xf32, #tpu.memory_space<hbm>> -> memref<8x128xf32, #tpu.memory_space<hbm>>
      %dma_start3A_596 = arith.constant 16 : i32
      %dma_start3A_597 = arith.constant 0 : i32
      %dma_start3A_598 = tpu.memref_slice %arg6[%dma_start3A_588, %dma_start3A_589, %dma_start3A_596, %dma_start3A_597] : memref<2x8x32x128xf32, #tpu.memory_space<vmem>> -> memref<1x1x8x128xf32, #tpu.memory_space<vmem>>
      %dma_start3A_599 = tpu.memref_squeeze %dma_start3A_598 : memref<1x1x8x128xf32, #tpu.memory_space<vmem>> -> memref<8x128xf32, #tpu.memory_space<vmem>>
      %dma_start3A_600 = arith.constant 16 : i32
      %dma_start3A_601 = tpu.memref_slice %arg2[%dma_start3A_600, %multiple_of3A_559] : memref<32x1000000xf32, #tpu.memory_space<hbm>> -> memref<8x128xf32, #tpu.memory_space<hbm>>
      tpu.enqueue_dma source(%dma_start3A_601 : memref<8x128xf32, #tpu.memory_space<hbm>>) target(%dma_start3A_599 : memref<8x128xf32, #tpu.memory_space<vmem>>) target_semaphore(%arg8 : memref<!tpu.dma_semaphore, #tpu.memory_space<semaphore_mem>>)
      %dma_start3A_602 = arith.constant 1 : i32
      %dma_start3A_603 = arith.constant 1 : i32
      %dma_start3A_604 = arith.constant 24 : i32
      %dma_start3A_605 = arith.constant 0 : i32
      %dma_start3A_606 = tpu.memref_slice %arg6[%dma_start3A_602, %dma_start3A_603, %dma_start3A_604, %dma_start3A_605] : memref<2x8x32x128xf32, #tpu.memory_space<vmem>> -> memref<1x1x8x128xf32, #tpu.memory_space<vmem>>
      %dma_start3A_607 = tpu.memref_squeeze %dma_start3A_606 : memref<1x1x8x128xf32, #tpu.memory_space<vmem>> -> memref<8x128xf32, #tpu.memory_space<vmem>>
      %dma_start3A_608 = arith.constant 24 : i32
      %dma_start3A_609 = tpu.memref_slice %arg2[%dma_start3A_608, %multiple_of3A_559] : memref<32x1000000xf32, #tpu.memory_space<hbm>> -> memref<8x128xf32, #tpu.memory_space<hbm>>
      %dma_start3A_610 = arith.constant 24 : i32
      %dma_start3A_611 = arith.constant 0 : i32
      %dma_start3A_612 = tpu.memref_slice %arg6[%dma_start3A_602, %dma_start3A_603, %dma_start3A_610, %dma_start3A_611] : memref<2x8x32x128xf32, #tpu.memory_space<vmem>> -> memref<1x1x8x128xf32, #tpu.memory_space<vmem>>
      %dma_start3A_613 = tpu.memref_squeeze %dma_start3A_612 : memref<1x1x8x128xf32, #tpu.memory_space<vmem>> -> memref<8x128xf32, #tpu.memory_space<vmem>>
      %dma_start3A_614 = arith.constant 24 : i32
      %dma_start3A_615 = tpu.memref_slice %arg2[%dma_start3A_614, %multiple_of3A_559] : memref<32x1000000xf32, #tpu.memory_space<hbm>> -> memref<8x128xf32, #tpu.memory_space<hbm>>
      tpu.enqueue_dma source(%dma_start3A_615 : memref<8x128xf32, #tpu.memory_space<hbm>>) target(%dma_start3A_613 : memref<8x128xf32, #tpu.memory_space<vmem>>) target_semaphore(%arg8 : memref<!tpu.dma_semaphore, #tpu.memory_space<semaphore_mem>>)
      %slice3A_616 = vector.extract_strided_slice %shift_left3A_497 {offsets = [2], sizes = [1], strides = [1]} : vector<16xi32> to vector<1xi32>
      %squeeze3A_617 = vector.extract %slice3A_616[0] : i32 from vector<1xi32>
      %multiple_of3A_618 = tpu.assume_multiple %squeeze3A_617, 128 : i32
      %dma_start3A_619 = arith.constant 1 : i32
      %dma_start3A_620 = arith.constant 2 : i32
      %dma_start3A_621 = arith.constant 0 : i32
      %dma_start3A_622 = arith.constant 0 : i32
      %dma_start3A_623 = tpu.memref_slice %arg6[%dma_start3A_619, %dma_start3A_620, %dma_start3A_621, %dma_start3A_622] : memref<2x8x32x128xf32, #tpu.memory_space<vmem>> -> memref<1x1x8x128xf32, #tpu.memory_space<vmem>>
      %dma_start3A_624 = tpu.memref_squeeze %dma_start3A_623 : memref<1x1x8x128xf32, #tpu.memory_space<vmem>> -> memref<8x128xf32, #tpu.memory_space<vmem>>
      %dma_start3A_625 = arith.constant 0 : i32
      %dma_start3A_626 = tpu.memref_slice %arg2[%dma_start3A_625, %multiple_of3A_618] : memref<32x1000000xf32, #tpu.memory_space<hbm>> -> memref<8x128xf32, #tpu.memory_space<hbm>>
      %dma_start3A_627 = arith.constant 0 : i32
      %dma_start3A_628 = arith.constant 0 : i32
      %dma_start3A_629 = tpu.memref_slice %arg6[%dma_start3A_619, %dma_start3A_620, %dma_start3A_627, %dma_start3A_628] : memref<2x8x32x128xf32, #tpu.memory_space<vmem>> -> memref<1x1x8x128xf32, #tpu.memory_space<vmem>>
      %dma_start3A_630 = tpu.memref_squeeze %dma_start3A_629 : memref<1x1x8x128xf32, #tpu.memory_space<vmem>> -> memref<8x128xf32, #tpu.memory_space<vmem>>
      %dma_start3A_631 = arith.constant 0 : i32
      %dma_start3A_632 = tpu.memref_slice %arg2[%dma_start3A_631, %multiple_of3A_618] : memref<32x1000000xf32, #tpu.memory_space<hbm>> -> memref<8x128xf32, #tpu.memory_space<hbm>>
      tpu.enqueue_dma source(%dma_start3A_632 : memref<8x128xf32, #tpu.memory_space<hbm>>) target(%dma_start3A_630 : memref<8x128xf32, #tpu.memory_space<vmem>>) target_semaphore(%arg8 : memref<!tpu.dma_semaphore, #tpu.memory_space<semaphore_mem>>)
      %dma_start3A_633 = arith.constant 1 : i32
      %dma_start3A_634 = arith.constant 2 : i32
      %dma_start3A_635 = arith.constant 8 : i32
      %dma_start3A_636 = arith.constant 0 : i32
      %dma_start3A_637 = tpu.memref_slice %arg6[%dma_start3A_633, %dma_start3A_634, %dma_start3A_635, %dma_start3A_636] : memref<2x8x32x128xf32, #tpu.memory_space<vmem>> -> memref<1x1x8x128xf32, #tpu.memory_space<vmem>>
      %dma_start3A_638 = tpu.memref_squeeze %dma_start3A_637 : memref<1x1x8x128xf32, #tpu.memory_space<vmem>> -> memref<8x128xf32, #tpu.memory_space<vmem>>
      %dma_start3A_639 = arith.constant 8 : i32
      %dma_start3A_640 = tpu.memref_slice %arg2[%dma_start3A_639, %multiple_of3A_618] : memref<32x1000000xf32, #tpu.memory_space<hbm>> -> memref<8x128xf32, #tpu.memory_space<hbm>>
      %dma_start3A_641 = arith.constant 8 : i32
      %dma_start3A_642 = arith.constant 0 : i32
      %dma_start3A_643 = tpu.memref_slice %arg6[%dma_start3A_633, %dma_start3A_634, %dma_start3A_641, %dma_start3A_642] : memref<2x8x32x128xf32, #tpu.memory_space<vmem>> -> memref<1x1x8x128xf32, #tpu.memory_space<vmem>>
      %dma_start3A_644 = tpu.memref_squeeze %dma_start3A_643 : memref<1x1x8x128xf32, #tpu.memory_space<vmem>> -> memref<8x128xf32, #tpu.memory_space<vmem>>
      %dma_start3A_645 = arith.constant 8 : i32
      %dma_start3A_646 = tpu.memref_slice %arg2[%dma_start3A_645, %multiple_of3A_618] : memref<32x1000000xf32, #tpu.memory_space<hbm>> -> memref<8x128xf32, #tpu.memory_space<hbm>>
      tpu.enqueue_dma source(%dma_start3A_646 : memref<8x128xf32, #tpu.memory_space<hbm>>) target(%dma_start3A_644 : memref<8x128xf32, #tpu.memory_space<vmem>>) target_semaphore(%arg8 : memref<!tpu.dma_semaphore, #tpu.memory_space<semaphore_mem>>)
      %dma_start3A_647 = arith.constant 1 : i32
      %dma_start3A_648 = arith.constant 2 : i32
      %dma_start3A_649 = arith.constant 16 : i32
      %dma_start3A_650 = arith.constant 0 : i32
      %dma_start3A_651 = tpu.memref_slice %arg6[%dma_start3A_647, %dma_start3A_648, %dma_start3A_649, %dma_start3A_650] : memref<2x8x32x128xf32, #tpu.memory_space<vmem>> -> memref<1x1x8x128xf32, #tpu.memory_space<vmem>>
      %dma_start3A_652 = tpu.memref_squeeze %dma_start3A_651 : memref<1x1x8x128xf32, #tpu.memory_space<vmem>> -> memref<8x128xf32, #tpu.memory_space<vmem>>
      %dma_start3A_653 = arith.constant 16 : i32
      %dma_start3A_654 = tpu.memref_slice %arg2[%dma_start3A_653, %multiple_of3A_618] : memref<32x1000000xf32, #tpu.memory_space<hbm>> -> memref<8x128xf32, #tpu.memory_space<hbm>>
      %dma_start3A_655 = arith.constant 16 : i32
      %dma_start3A_656 = arith.constant 0 : i32
      %dma_start3A_657 = tpu.memref_slice %arg6[%dma_start3A_647, %dma_start3A_648, %dma_start3A_655, %dma_start3A_656] : memref<2x8x32x128xf32, #tpu.memory_space<vmem>> -> memref<1x1x8x128xf32, #tpu.memory_space<vmem>>
      %dma_start3A_658 = tpu.memref_squeeze %dma_start3A_657 : memref<1x1x8x128xf32, #tpu.memory_space<vmem>> -> memref<8x128xf32, #tpu.memory_space<vmem>>
      %dma_start3A_659 = arith.constant 16 : i32
      %dma_start3A_660 = tpu.memref_slice %arg2[%dma_start3A_659, %multiple_of3A_618] : memref<32x1000000xf32, #tpu.memory_space<hbm>> -> memref<8x128xf32, #tpu.memory_space<hbm>>
      tpu.enqueue_dma source(%dma_start3A_660 : memref<8x128xf32, #tpu.memory_space<hbm>>) target(%dma_start3A_658 : memref<8x128xf32, #tpu.memory_space<vmem>>) target_semaphore(%arg8 : memref<!tpu.dma_semaphore, #tpu.memory_space<semaphore_mem>>)
      %dma_start3A_661 = arith.constant 1 : i32
      %dma_start3A_662 = arith.constant 2 : i32
      %dma_start3A_663 = arith.constant 24 : i32
      %dma_start3A_664 = arith.constant 0 : i32
      %dma_start3A_665 = tpu.memref_slice %arg6[%dma_start3A_661, %dma_start3A_662, %dma_start3A_663, %dma_start3A_664] : memref<2x8x32x128xf32, #tpu.memory_space<vmem>> -> memref<1x1x8x128xf32, #tpu.memory_space<vmem>>
      %dma_start3A_666 = tpu.memref_squeeze %dma_start3A_665 : memref<1x1x8x128xf32, #tpu.memory_space<vmem>> -> memref<8x128xf32, #tpu.memory_space<vmem>>
      %dma_start3A_667 = arith.constant 24 : i32
      %dma_start3A_668 = tpu.memref_slice %arg2[%dma_start3A_667, %multiple_of3A_618] : memref<32x1000000xf32, #tpu.memory_space<hbm>> -> memref<8x128xf32, #tpu.memory_space<hbm>>
      %dma_start3A_669 = arith.constant 24 : i32
      %dma_start3A_670 = arith.constant 0 : i32
      %dma_start3A_671 = tpu.memref_slice %arg6[%dma_start3A_661, %dma_start3A_662, %dma_start3A_669, %dma_start3A_670] : memref<2x8x32x128xf32, #tpu.memory_space<vmem>> -> memref<1x1x8x128xf32, #tpu.memory_space<vmem>>
      %dma_start3A_672 = tpu.memref_squeeze %dma_start3A_671 : memref<1x1x8x128xf32, #tpu.memory_space<vmem>> -> memref<8x128xf32, #tpu.memory_space<vmem>>
      %dma_start3A_673 = arith.constant 24 : i32
      %dma_start3A_674 = tpu.memref_slice %arg2[%dma_start3A_673, %multiple_of3A_618] : memref<32x1000000xf32, #tpu.memory_space<hbm>> -> memref<8x128xf32, #tpu.memory_space<hbm>>
      tpu.enqueue_dma source(%dma_start3A_674 : memref<8x128xf32, #tpu.memory_space<hbm>>) target(%dma_start3A_672 : memref<8x128xf32, #tpu.memory_space<vmem>>) target_semaphore(%arg8 : memref<!tpu.dma_semaphore, #tpu.memory_space<semaphore_mem>>)
      %slice3A_675 = vector.extract_strided_slice %shift_left3A_497 {offsets = [3], sizes = [1], strides = [1]} : vector<16xi32> to vector<1xi32>
      %squeeze3A_676 = vector.extract %slice3A_675[0] : i32 from vector<1xi32>
      %multiple_of3A_677 = tpu.assume_multiple %squeeze3A_676, 128 : i32
      %dma_start3A_678 = arith.constant 1 : i32
      %dma_start3A_679 = arith.constant 3 : i32
      %dma_start3A_680 = arith.constant 0 : i32
      %dma_start3A_681 = arith.constant 0 : i32
      %dma_start3A_682 = tpu.memref_slice %arg6[%dma_start3A_678, %dma_start3A_679, %dma_start3A_680, %dma_start3A_681] : memref<2x8x32x128xf32, #tpu.memory_space<vmem>> -> memref<1x1x8x128xf32, #tpu.memory_space<vmem>>
      %dma_start3A_683 = tpu.memref_squeeze %dma_start3A_682 : memref<1x1x8x128xf32, #tpu.memory_space<vmem>> -> memref<8x128xf32, #tpu.memory_space<vmem>>
      %dma_start3A_684 = arith.constant 0 : i32
      %dma_start3A_685 = tpu.memref_slice %arg2[%dma_start3A_684, %multiple_of3A_677] : memref<32x1000000xf32, #tpu.memory_space<hbm>> -> memref<8x128xf32, #tpu.memory_space<hbm>>
      %dma_start3A_686 = arith.constant 0 : i32
      %dma_start3A_687 = arith.constant 0 : i32
      %dma_start3A_688 = tpu.memref_slice %arg6[%dma_start3A_678, %dma_start3A_679, %dma_start3A_686, %dma_start3A_687] : memref<2x8x32x128xf32, #tpu.memory_space<vmem>> -> memref<1x1x8x128xf32, #tpu.memory_space<vmem>>
      %dma_start3A_689 = tpu.memref_squeeze %dma_start3A_688 : memref<1x1x8x128xf32, #tpu.memory_space<vmem>> -> memref<8x128xf32, #tpu.memory_space<vmem>>
      %dma_start3A_690 = arith.constant 0 : i32
      %dma_start3A_691 = tpu.memref_slice %arg2[%dma_start3A_690, %multiple_of3A_677] : memref<32x1000000xf32, #tpu.memory_space<hbm>> -> memref<8x128xf32, #tpu.memory_space<hbm>>
      tpu.enqueue_dma source(%dma_start3A_691 : memref<8x128xf32, #tpu.memory_space<hbm>>) target(%dma_start3A_689 : memref<8x128xf32, #tpu.memory_space<vmem>>) target_semaphore(%arg8 : memref<!tpu.dma_semaphore, #tpu.memory_space<semaphore_mem>>)
      %dma_start3A_692 = arith.constant 1 : i32
      %dma_start3A_693 = arith.constant 3 : i32
      %dma_start3A_694 = arith.constant 8 : i32
      %dma_start3A_695 = arith.constant 0 : i32
      %dma_start3A_696 = tpu.memref_slice %arg6[%dma_start3A_692, %dma_start3A_693, %dma_start3A_694, %dma_start3A_695] : memref<2x8x32x128xf32, #tpu.memory_space<vmem>> -> memref<1x1x8x128xf32, #tpu.memory_space<vmem>>
      %dma_start3A_697 = tpu.memref_squeeze %dma_start3A_696 : memref<1x1x8x128xf32, #tpu.memory_space<vmem>> -> memref<8x128xf32, #tpu.memory_space<vmem>>
      %dma_start3A_698 = arith.constant 8 : i32
      %dma_start3A_699 = tpu.memref_slice %arg2[%dma_start3A_698, %multiple_of3A_677] : memref<32x1000000xf32, #tpu.memory_space<hbm>> -> memref<8x128xf32, #tpu.memory_space<hbm>>
      %dma_start3A_700 = arith.constant 8 : i32
      %dma_start3A_701 = arith.constant 0 : i32
      %dma_start3A_702 = tpu.memref_slice %arg6[%dma_start3A_692, %dma_start3A_693, %dma_start3A_700, %dma_start3A_701] : memref<2x8x32x128xf32, #tpu.memory_space<vmem>> -> memref<1x1x8x128xf32, #tpu.memory_space<vmem>>
      %dma_start3A_703 = tpu.memref_squeeze %dma_start3A_702 : memref<1x1x8x128xf32, #tpu.memory_space<vmem>> -> memref<8x128xf32, #tpu.memory_space<vmem>>
      %dma_start3A_704 = arith.constant 8 : i32
      %dma_start3A_705 = tpu.memref_slice %arg2[%dma_start3A_704, %multiple_of3A_677] : memref<32x1000000xf32, #tpu.memory_space<hbm>> -> memref<8x128xf32, #tpu.memory_space<hbm>>
      tpu.enqueue_dma source(%dma_start3A_705 : memref<8x128xf32, #tpu.memory_space<hbm>>) target(%dma_start3A_703 : memref<8x128xf32, #tpu.memory_space<vmem>>) target_semaphore(%arg8 : memref<!tpu.dma_semaphore, #tpu.memory_space<semaphore_mem>>)
      %dma_start3A_706 = arith.constant 1 : i32
      %dma_start3A_707 = arith.constant 3 : i32
      %dma_start3A_708 = arith.constant 16 : i32
      %dma_start3A_709 = arith.constant 0 : i32
      %dma_start3A_710 = tpu.memref_slice %arg6[%dma_start3A_706, %dma_start3A_707, %dma_start3A_708, %dma_start3A_709] : memref<2x8x32x128xf32, #tpu.memory_space<vmem>> -> memref<1x1x8x128xf32, #tpu.memory_space<vmem>>
      %dma_start3A_711 = tpu.memref_squeeze %dma_start3A_710 : memref<1x1x8x128xf32, #tpu.memory_space<vmem>> -> memref<8x128xf32, #tpu.memory_space<vmem>>
      %dma_start3A_712 = arith.constant 16 : i32
      %dma_start3A_713 = tpu.memref_slice %arg2[%dma_start3A_712, %multiple_of3A_677] : memref<32x1000000xf32, #tpu.memory_space<hbm>> -> memref<8x128xf32, #tpu.memory_space<hbm>>
      %dma_start3A_714 = arith.constant 16 : i32
      %dma_start3A_715 = arith.constant 0 : i32
      %dma_start3A_716 = tpu.memref_slice %arg6[%dma_start3A_706, %dma_start3A_707, %dma_start3A_714, %dma_start3A_715] : memref<2x8x32x128xf32, #tpu.memory_space<vmem>> -> memref<1x1x8x128xf32, #tpu.memory_space<vmem>>
      %dma_start3A_717 = tpu.memref_squeeze %dma_start3A_716 : memref<1x1x8x128xf32, #tpu.memory_space<vmem>> -> memref<8x128xf32, #tpu.memory_space<vmem>>
      %dma_start3A_718 = arith.constant 16 : i32
      %dma_start3A_719 = tpu.memref_slice %arg2[%dma_start3A_718, %multiple_of3A_677] : memref<32x1000000xf32, #tpu.memory_space<hbm>> -> memref<8x128xf32, #tpu.memory_space<hbm>>
      tpu.enqueue_dma source(%dma_start3A_719 : memref<8x128xf32, #tpu.memory_space<hbm>>) target(%dma_start3A_717 : memref<8x128xf32, #tpu.memory_space<vmem>>) target_semaphore(%arg8 : memref<!tpu.dma_semaphore, #tpu.memory_space<semaphore_mem>>)
      %dma_start3A_720 = arith.constant 1 : i32
      %dma_start3A_721 = arith.constant 3 : i32
      %dma_start3A_722 = arith.constant 24 : i32
      %dma_start3A_723 = arith.constant 0 : i32
      %dma_start3A_724 = tpu.memref_slice %arg6[%dma_start3A_720, %dma_start3A_721, %dma_start3A_722, %dma_start3A_723] : memref<2x8x32x128xf32, #tpu.memory_space<vmem>> -> memref<1x1x8x128xf32, #tpu.memory_space<vmem>>
      %dma_start3A_725 = tpu.memref_squeeze %dma_start3A_724 : memref<1x1x8x128xf32, #tpu.memory_space<vmem>> -> memref<8x128xf32, #tpu.memory_space<vmem>>
      %dma_start3A_726 = arith.constant 24 : i32
      %dma_start3A_727 = tpu.memref_slice %arg2[%dma_start3A_726, %multiple_of3A_677] : memref<32x1000000xf32, #tpu.memory_space<hbm>> -> memref<8x128xf32, #tpu.memory_space<hbm>>
      %dma_start3A_728 = arith.constant 24 : i32
      %dma_start3A_729 = arith.constant 0 : i32
      %dma_start3A_730 = tpu.memref_slice %arg6[%dma_start3A_720, %dma_start3A_721, %dma_start3A_728, %dma_start3A_729] : memref<2x8x32x128xf32, #tpu.memory_space<vmem>> -> memref<1x1x8x128xf32, #tpu.memory_space<vmem>>
      %dma_start3A_731 = tpu.memref_squeeze %dma_start3A_730 : memref<1x1x8x128xf32, #tpu.memory_space<vmem>> -> memref<8x128xf32, #tpu.memory_space<vmem>>
      %dma_start3A_732 = arith.constant 24 : i32
      %dma_start3A_733 = tpu.memref_slice %arg2[%dma_start3A_732, %multiple_of3A_677] : memref<32x1000000xf32, #tpu.memory_space<hbm>> -> memref<8x128xf32, #tpu.memory_space<hbm>>
      tpu.enqueue_dma source(%dma_start3A_733 : memref<8x128xf32, #tpu.memory_space<hbm>>) target(%dma_start3A_731 : memref<8x128xf32, #tpu.memory_space<vmem>>) target_semaphore(%arg8 : memref<!tpu.dma_semaphore, #tpu.memory_space<semaphore_mem>>)
      %slice3A_734 = vector.extract_strided_slice %shift_left3A_497 {offsets = [4], sizes = [1], strides = [1]} : vector<16xi32> to vector<1xi32>
      %squeeze3A_735 = vector.extract %slice3A_734[0] : i32 from vector<1xi32>
      %multiple_of3A_736 = tpu.assume_multiple %squeeze3A_735, 128 : i32
      %dma_start3A_737 = arith.constant 1 : i32
      %dma_start3A_738 = arith.constant 4 : i32
      %dma_start3A_739 = arith.constant 0 : i32
      %dma_start3A_740 = arith.constant 0 : i32
      %dma_start3A_741 = tpu.memref_slice %arg6[%dma_start3A_737, %dma_start3A_738, %dma_start3A_739, %dma_start3A_740] : memref<2x8x32x128xf32, #tpu.memory_space<vmem>> -> memref<1x1x8x128xf32, #tpu.memory_space<vmem>>
      %dma_start3A_742 = tpu.memref_squeeze %dma_start3A_741 : memref<1x1x8x128xf32, #tpu.memory_space<vmem>> -> memref<8x128xf32, #tpu.memory_space<vmem>>
      %dma_start3A_743 = arith.constant 0 : i32
      %dma_start3A_744 = tpu.memref_slice %arg2[%dma_start3A_743, %multiple_of3A_736] : memref<32x1000000xf32, #tpu.memory_space<hbm>> -> memref<8x128xf32, #tpu.memory_space<hbm>>
      %dma_start3A_745 = arith.constant 0 : i32
      %dma_start3A_746 = arith.constant 0 : i32
      %dma_start3A_747 = tpu.memref_slice %arg6[%dma_start3A_737, %dma_start3A_738, %dma_start3A_745, %dma_start3A_746] : memref<2x8x32x128xf32, #tpu.memory_space<vmem>> -> memref<1x1x8x128xf32, #tpu.memory_space<vmem>>
      %dma_start3A_748 = tpu.memref_squeeze %dma_start3A_747 : memref<1x1x8x128xf32, #tpu.memory_space<vmem>> -> memref<8x128xf32, #tpu.memory_space<vmem>>
      %dma_start3A_749 = arith.constant 0 : i32
      %dma_start3A_750 = tpu.memref_slice %arg2[%dma_start3A_749, %multiple_of3A_736] : memref<32x1000000xf32, #tpu.memory_space<hbm>> -> memref<8x128xf32, #tpu.memory_space<hbm>>
      tpu.enqueue_dma source(%dma_start3A_750 : memref<8x128xf32, #tpu.memory_space<hbm>>) target(%dma_start3A_748 : memref<8x128xf32, #tpu.memory_space<vmem>>) target_semaphore(%arg8 : memref<!tpu.dma_semaphore, #tpu.memory_space<semaphore_mem>>)
      %dma_start3A_751 = arith.constant 1 : i32
      %dma_start3A_752 = arith.constant 4 : i32
      %dma_start3A_753 = arith.constant 8 : i32
      %dma_start3A_754 = arith.constant 0 : i32
      %dma_start3A_755 = tpu.memref_slice %arg6[%dma_start3A_751, %dma_start3A_752, %dma_start3A_753, %dma_start3A_754] : memref<2x8x32x128xf32, #tpu.memory_space<vmem>> -> memref<1x1x8x128xf32, #tpu.memory_space<vmem>>
      %dma_start3A_756 = tpu.memref_squeeze %dma_start3A_755 : memref<1x1x8x128xf32, #tpu.memory_space<vmem>> -> memref<8x128xf32, #tpu.memory_space<vmem>>
      %dma_start3A_757 = arith.constant 8 : i32
      %dma_start3A_758 = tpu.memref_slice %arg2[%dma_start3A_757, %multiple_of3A_736] : memref<32x1000000xf32, #tpu.memory_space<hbm>> -> memref<8x128xf32, #tpu.memory_space<hbm>>
      %dma_start3A_759 = arith.constant 8 : i32
      %dma_start3A_760 = arith.constant 0 : i32
      %dma_start3A_761 = tpu.memref_slice %arg6[%dma_start3A_751, %dma_start3A_752, %dma_start3A_759, %dma_start3A_760] : memref<2x8x32x128xf32, #tpu.memory_space<vmem>> -> memref<1x1x8x128xf32, #tpu.memory_space<vmem>>
      %dma_start3A_762 = tpu.memref_squeeze %dma_start3A_761 : memref<1x1x8x128xf32, #tpu.memory_space<vmem>> -> memref<8x128xf32, #tpu.memory_space<vmem>>
      %dma_start3A_763 = arith.constant 8 : i32
      %dma_start3A_764 = tpu.memref_slice %arg2[%dma_start3A_763, %multiple_of3A_736] : memref<32x1000000xf32, #tpu.memory_space<hbm>> -> memref<8x128xf32, #tpu.memory_space<hbm>>
      tpu.enqueue_dma source(%dma_start3A_764 : memref<8x128xf32, #tpu.memory_space<hbm>>) target(%dma_start3A_762 : memref<8x128xf32, #tpu.memory_space<vmem>>) target_semaphore(%arg8 : memref<!tpu.dma_semaphore, #tpu.memory_space<semaphore_mem>>)
      %dma_start3A_765 = arith.constant 1 : i32
      %dma_start3A_766 = arith.constant 4 : i32
      %dma_start3A_767 = arith.constant 16 : i32
      %dma_start3A_768 = arith.constant 0 : i32
      %dma_start3A_769 = tpu.memref_slice %arg6[%dma_start3A_765, %dma_start3A_766, %dma_start3A_767, %dma_start3A_768] : memref<2x8x32x128xf32, #tpu.memory_space<vmem>> -> memref<1x1x8x128xf32, #tpu.memory_space<vmem>>
      %dma_start3A_770 = tpu.memref_squeeze %dma_start3A_769 : memref<1x1x8x128xf32, #tpu.memory_space<vmem>> -> memref<8x128xf32, #tpu.memory_space<vmem>>
      %dma_start3A_771 = arith.constant 16 : i32
      %dma_start3A_772 = tpu.memref_slice %arg2[%dma_start3A_771, %multiple_of3A_736] : memref<32x1000000xf32, #tpu.memory_space<hbm>> -> memref<8x128xf32, #tpu.memory_space<hbm>>
      %dma_start3A_773 = arith.constant 16 : i32
      %dma_start3A_774 = arith.constant 0 : i32
      %dma_start3A_775 = tpu.memref_slice %arg6[%dma_start3A_765, %dma_start3A_766, %dma_start3A_773, %dma_start3A_774] : memref<2x8x32x128xf32, #tpu.memory_space<vmem>> -> memref<1x1x8x128xf32, #tpu.memory_space<vmem>>
      %dma_start3A_776 = tpu.memref_squeeze %dma_start3A_775 : memref<1x1x8x128xf32, #tpu.memory_space<vmem>> -> memref<8x128xf32, #tpu.memory_space<vmem>>
      %dma_start3A_777 = arith.constant 16 : i32
      %dma_start3A_778 = tpu.memref_slice %arg2[%dma_start3A_777, %multiple_of3A_736] : memref<32x1000000xf32, #tpu.memory_space<hbm>> -> memref<8x128xf32, #tpu.memory_space<hbm>>
      tpu.enqueue_dma source(%dma_start3A_778 : memref<8x128xf32, #tpu.memory_space<hbm>>) target(%dma_start3A_776 : memref<8x128xf32, #tpu.memory_space<vmem>>) target_semaphore(%arg8 : memref<!tpu.dma_semaphore, #tpu.memory_space<semaphore_mem>>)
      %dma_start3A_779 = arith.constant 1 : i32
      %dma_start3A_780 = arith.constant 4 : i32
      %dma_start3A_781 = arith.constant 24 : i32
      %dma_start3A_782 = arith.constant 0 : i32
      %dma_start3A_783 = tpu.memref_slice %arg6[%dma_start3A_779, %dma_start3A_780, %dma_start3A_781, %dma_start3A_782] : memref<2x8x32x128xf32, #tpu.memory_space<vmem>> -> memref<1x1x8x128xf32, #tpu.memory_space<vmem>>
      %dma_start3A_784 = tpu.memref_squeeze %dma_start3A_783 : memref<1x1x8x128xf32, #tpu.memory_space<vmem>> -> memref<8x128xf32, #tpu.memory_space<vmem>>
      %dma_start3A_785 = arith.constant 24 : i32
      %dma_start3A_786 = tpu.memref_slice %arg2[%dma_start3A_785, %multiple_of3A_736] : memref<32x1000000xf32, #tpu.memory_space<hbm>> -> memref<8x128xf32, #tpu.memory_space<hbm>>
      %dma_start3A_787 = arith.constant 24 : i32
      %dma_start3A_788 = arith.constant 0 : i32
      %dma_start3A_789 = tpu.memref_slice %arg6[%dma_start3A_779, %dma_start3A_780, %dma_start3A_787, %dma_start3A_788] : memref<2x8x32x128xf32, #tpu.memory_space<vmem>> -> memref<1x1x8x128xf32, #tpu.memory_space<vmem>>
      %dma_start3A_790 = tpu.memref_squeeze %dma_start3A_789 : memref<1x1x8x128xf32, #tpu.memory_space<vmem>> -> memref<8x128xf32, #tpu.memory_space<vmem>>
      %dma_start3A_791 = arith.constant 24 : i32
      %dma_start3A_792 = tpu.memref_slice %arg2[%dma_start3A_791, %multiple_of3A_736] : memref<32x1000000xf32, #tpu.memory_space<hbm>> -> memref<8x128xf32, #tpu.memory_space<hbm>>
      tpu.enqueue_dma source(%dma_start3A_792 : memref<8x128xf32, #tpu.memory_space<hbm>>) target(%dma_start3A_790 : memref<8x128xf32, #tpu.memory_space<vmem>>) target_semaphore(%arg8 : memref<!tpu.dma_semaphore, #tpu.memory_space<semaphore_mem>>)
      %slice3A_793 = vector.extract_strided_slice %shift_left3A_497 {offsets = [5], sizes = [1], strides = [1]} : vector<16xi32> to vector<1xi32>
      %squeeze3A_794 = vector.extract %slice3A_793[0] : i32 from vector<1xi32>
      %multiple_of3A_795 = tpu.assume_multiple %squeeze3A_794, 128 : i32
      %dma_start3A_796 = arith.constant 1 : i32
      %dma_start3A_797 = arith.constant 5 : i32
      %dma_start3A_798 = arith.constant 0 : i32
      %dma_start3A_799 = arith.constant 0 : i32
      %dma_start3A_800 = tpu.memref_slice %arg6[%dma_start3A_796, %dma_start3A_797, %dma_start3A_798, %dma_start3A_799] : memref<2x8x32x128xf32, #tpu.memory_space<vmem>> -> memref<1x1x8x128xf32, #tpu.memory_space<vmem>>
      %dma_start3A_801 = tpu.memref_squeeze %dma_start3A_800 : memref<1x1x8x128xf32, #tpu.memory_space<vmem>> -> memref<8x128xf32, #tpu.memory_space<vmem>>
      %dma_start3A_802 = arith.constant 0 : i32
      %dma_start3A_803 = tpu.memref_slice %arg2[%dma_start3A_802, %multiple_of3A_795] : memref<32x1000000xf32, #tpu.memory_space<hbm>> -> memref<8x128xf32, #tpu.memory_space<hbm>>
      %dma_start3A_804 = arith.constant 0 : i32
      %dma_start3A_805 = arith.constant 0 : i32
      %dma_start3A_806 = tpu.memref_slice %arg6[%dma_start3A_796, %dma_start3A_797, %dma_start3A_804, %dma_start3A_805] : memref<2x8x32x128xf32, #tpu.memory_space<vmem>> -> memref<1x1x8x128xf32, #tpu.memory_space<vmem>>
      %dma_start3A_807 = tpu.memref_squeeze %dma_start3A_806 : memref<1x1x8x128xf32, #tpu.memory_space<vmem>> -> memref<8x128xf32, #tpu.memory_space<vmem>>
      %dma_start3A_808 = arith.constant 0 : i32
      %dma_start3A_809 = tpu.memref_slice %arg2[%dma_start3A_808, %multiple_of3A_795] : memref<32x1000000xf32, #tpu.memory_space<hbm>> -> memref<8x128xf32, #tpu.memory_space<hbm>>
      tpu.enqueue_dma source(%dma_start3A_809 : memref<8x128xf32, #tpu.memory_space<hbm>>) target(%dma_start3A_807 : memref<8x128xf32, #tpu.memory_space<vmem>>) target_semaphore(%arg8 : memref<!tpu.dma_semaphore, #tpu.memory_space<semaphore_mem>>)
      %dma_start3A_810 = arith.constant 1 : i32
      %dma_start3A_811 = arith.constant 5 : i32
      %dma_start3A_812 = arith.constant 8 : i32
      %dma_start3A_813 = arith.constant 0 : i32
      %dma_start3A_814 = tpu.memref_slice %arg6[%dma_start3A_810, %dma_start3A_811, %dma_start3A_812, %dma_start3A_813] : memref<2x8x32x128xf32, #tpu.memory_space<vmem>> -> memref<1x1x8x128xf32, #tpu.memory_space<vmem>>
      %dma_start3A_815 = tpu.memref_squeeze %dma_start3A_814 : memref<1x1x8x128xf32, #tpu.memory_space<vmem>> -> memref<8x128xf32, #tpu.memory_space<vmem>>
      %dma_start3A_816 = arith.constant 8 : i32
      %dma_start3A_817 = tpu.memref_slice %arg2[%dma_start3A_816, %multiple_of3A_795] : memref<32x1000000xf32, #tpu.memory_space<hbm>> -> memref<8x128xf32, #tpu.memory_space<hbm>>
      %dma_start3A_818 = arith.constant 8 : i32
      %dma_start3A_819 = arith.constant 0 : i32
      %dma_start3A_820 = tpu.memref_slice %arg6[%dma_start3A_810, %dma_start3A_811, %dma_start3A_818, %dma_start3A_819] : memref<2x8x32x128xf32, #tpu.memory_space<vmem>> -> memref<1x1x8x128xf32, #tpu.memory_space<vmem>>
      %dma_start3A_821 = tpu.memref_squeeze %dma_start3A_820 : memref<1x1x8x128xf32, #tpu.memory_space<vmem>> -> memref<8x128xf32, #tpu.memory_space<vmem>>
      %dma_start3A_822 = arith.constant 8 : i32
      %dma_start3A_823 = tpu.memref_slice %arg2[%dma_start3A_822, %multiple_of3A_795] : memref<32x1000000xf32, #tpu.memory_space<hbm>> -> memref<8x128xf32, #tpu.memory_space<hbm>>
      tpu.enqueue_dma source(%dma_start3A_823 : memref<8x128xf32, #tpu.memory_space<hbm>>) target(%dma_start3A_821 : memref<8x128xf32, #tpu.memory_space<vmem>>) target_semaphore(%arg8 : memref<!tpu.dma_semaphore, #tpu.memory_space<semaphore_mem>>)
      %dma_start3A_824 = arith.constant 1 : i32
      %dma_start3A_825 = arith.constant 5 : i32
      %dma_start3A_826 = arith.constant 16 : i32
      %dma_start3A_827 = arith.constant 0 : i32
      %dma_start3A_828 = tpu.memref_slice %arg6[%dma_start3A_824, %dma_start3A_825, %dma_start3A_826, %dma_start3A_827] : memref<2x8x32x128xf32, #tpu.memory_space<vmem>> -> memref<1x1x8x128xf32, #tpu.memory_space<vmem>>
      %dma_start3A_829 = tpu.memref_squeeze %dma_start3A_828 : memref<1x1x8x128xf32, #tpu.memory_space<vmem>> -> memref<8x128xf32, #tpu.memory_space<vmem>>
      %dma_start3A_830 = arith.constant 16 : i32
      %dma_start3A_831 = tpu.memref_slice %arg2[%dma_start3A_830, %multiple_of3A_795] : memref<32x1000000xf32, #tpu.memory_space<hbm>> -> memref<8x128xf32, #tpu.memory_space<hbm>>
      %dma_start3A_832 = arith.constant 16 : i32
      %dma_start3A_833 = arith.constant 0 : i32
      %dma_start3A_834 = tpu.memref_slice %arg6[%dma_start3A_824, %dma_start3A_825, %dma_start3A_832, %dma_start3A_833] : memref<2x8x32x128xf32, #tpu.memory_space<vmem>> -> memref<1x1x8x128xf32, #tpu.memory_space<vmem>>
      %dma_start3A_835 = tpu.memref_squeeze %dma_start3A_834 : memref<1x1x8x128xf32, #tpu.memory_space<vmem>> -> memref<8x128xf32, #tpu.memory_space<vmem>>
      %dma_start3A_836 = arith.constant 16 : i32
      %dma_start3A_837 = tpu.memref_slice %arg2[%dma_start3A_836, %multiple_of3A_795] : memref<32x1000000xf32, #tpu.memory_space<hbm>> -> memref<8x128xf32, #tpu.memory_space<hbm>>
      tpu.enqueue_dma source(%dma_start3A_837 : memref<8x128xf32, #tpu.memory_space<hbm>>) target(%dma_start3A_835 : memref<8x128xf32, #tpu.memory_space<vmem>>) target_semaphore(%arg8 : memref<!tpu.dma_semaphore, #tpu.memory_space<semaphore_mem>>)
      %dma_start3A_838 = arith.constant 1 : i32
      %dma_start3A_839 = arith.constant 5 : i32
      %dma_start3A_840 = arith.constant 24 : i32
      %dma_start3A_841 = arith.constant 0 : i32
      %dma_start3A_842 = tpu.memref_slice %arg6[%dma_start3A_838, %dma_start3A_839, %dma_start3A_840, %dma_start3A_841] : memref<2x8x32x128xf32, #tpu.memory_space<vmem>> -> memref<1x1x8x128xf32, #tpu.memory_space<vmem>>
      %dma_start3A_843 = tpu.memref_squeeze %dma_start3A_842 : memref<1x1x8x128xf32, #tpu.memory_space<vmem>> -> memref<8x128xf32, #tpu.memory_space<vmem>>
      %dma_start3A_844 = arith.constant 24 : i32
      %dma_start3A_845 = tpu.memref_slice %arg2[%dma_start3A_844, %multiple_of3A_795] : memref<32x1000000xf32, #tpu.memory_space<hbm>> -> memref<8x128xf32, #tpu.memory_space<hbm>>
      %dma_start3A_846 = arith.constant 24 : i32
      %dma_start3A_847 = arith.constant 0 : i32
      %dma_start3A_848 = tpu.memref_slice %arg6[%dma_start3A_838, %dma_start3A_839, %dma_start3A_846, %dma_start3A_847] : memref<2x8x32x128xf32, #tpu.memory_space<vmem>> -> memref<1x1x8x128xf32, #tpu.memory_space<vmem>>
      %dma_start3A_849 = tpu.memref_squeeze %dma_start3A_848 : memref<1x1x8x128xf32, #tpu.memory_space<vmem>> -> memref<8x128xf32, #tpu.memory_space<vmem>>
      %dma_start3A_850 = arith.constant 24 : i32
      %dma_start3A_851 = tpu.memref_slice %arg2[%dma_start3A_850, %multiple_of3A_795] : memref<32x1000000xf32, #tpu.memory_space<hbm>> -> memref<8x128xf32, #tpu.memory_space<hbm>>
      tpu.enqueue_dma source(%dma_start3A_851 : memref<8x128xf32, #tpu.memory_space<hbm>>) target(%dma_start3A_849 : memref<8x128xf32, #tpu.memory_space<vmem>>) target_semaphore(%arg8 : memref<!tpu.dma_semaphore, #tpu.memory_space<semaphore_mem>>)
      %slice3A_852 = vector.extract_strided_slice %shift_left3A_497 {offsets = [6], sizes = [1], strides = [1]} : vector<16xi32> to vector<1xi32>
      %squeeze3A_853 = vector.extract %slice3A_852[0] : i32 from vector<1xi32>
      %multiple_of3A_854 = tpu.assume_multiple %squeeze3A_853, 128 : i32
      %dma_start3A_855 = arith.constant 1 : i32
      %dma_start3A_856 = arith.constant 6 : i32
      %dma_start3A_857 = arith.constant 0 : i32
      %dma_start3A_858 = arith.constant 0 : i32
      %dma_start3A_859 = tpu.memref_slice %arg6[%dma_start3A_855, %dma_start3A_856, %dma_start3A_857, %dma_start3A_858] : memref<2x8x32x128xf32, #tpu.memory_space<vmem>> -> memref<1x1x8x128xf32, #tpu.memory_space<vmem>>
      %dma_start3A_860 = tpu.memref_squeeze %dma_start3A_859 : memref<1x1x8x128xf32, #tpu.memory_space<vmem>> -> memref<8x128xf32, #tpu.memory_space<vmem>>
      %dma_start3A_861 = arith.constant 0 : i32
      %dma_start3A_862 = tpu.memref_slice %arg2[%dma_start3A_861, %multiple_of3A_854] : memref<32x1000000xf32, #tpu.memory_space<hbm>> -> memref<8x128xf32, #tpu.memory_space<hbm>>
      %dma_start3A_863 = arith.constant 0 : i32
      %dma_start3A_864 = arith.constant 0 : i32
      %dma_start3A_865 = tpu.memref_slice %arg6[%dma_start3A_855, %dma_start3A_856, %dma_start3A_863, %dma_start3A_864] : memref<2x8x32x128xf32, #tpu.memory_space<vmem>> -> memref<1x1x8x128xf32, #tpu.memory_space<vmem>>
      %dma_start3A_866 = tpu.memref_squeeze %dma_start3A_865 : memref<1x1x8x128xf32, #tpu.memory_space<vmem>> -> memref<8x128xf32, #tpu.memory_space<vmem>>
      %dma_start3A_867 = arith.constant 0 : i32
      %dma_start3A_868 = tpu.memref_slice %arg2[%dma_start3A_867, %multiple_of3A_854] : memref<32x1000000xf32, #tpu.memory_space<hbm>> -> memref<8x128xf32, #tpu.memory_space<hbm>>
      tpu.enqueue_dma source(%dma_start3A_868 : memref<8x128xf32, #tpu.memory_space<hbm>>) target(%dma_start3A_866 : memref<8x128xf32, #tpu.memory_space<vmem>>) target_semaphore(%arg8 : memref<!tpu.dma_semaphore, #tpu.memory_space<semaphore_mem>>)
      %dma_start3A_869 = arith.constant 1 : i32
      %dma_start3A_870 = arith.constant 6 : i32
      %dma_start3A_871 = arith.constant 8 : i32
      %dma_start3A_872 = arith.constant 0 : i32
      %dma_start3A_873 = tpu.memref_slice %arg6[%dma_start3A_869, %dma_start3A_870, %dma_start3A_871, %dma_start3A_872] : memref<2x8x32x128xf32, #tpu.memory_space<vmem>> -> memref<1x1x8x128xf32, #tpu.memory_space<vmem>>
      %dma_start3A_874 = tpu.memref_squeeze %dma_start3A_873 : memref<1x1x8x128xf32, #tpu.memory_space<vmem>> -> memref<8x128xf32, #tpu.memory_space<vmem>>
      %dma_start3A_875 = arith.constant 8 : i32
      %dma_start3A_876 = tpu.memref_slice %arg2[%dma_start3A_875, %multiple_of3A_854] : memref<32x1000000xf32, #tpu.memory_space<hbm>> -> memref<8x128xf32, #tpu.memory_space<hbm>>
      %dma_start3A_877 = arith.constant 8 : i32
      %dma_start3A_878 = arith.constant 0 : i32
      %dma_start3A_879 = tpu.memref_slice %arg6[%dma_start3A_869, %dma_start3A_870, %dma_start3A_877, %dma_start3A_878] : memref<2x8x32x128xf32, #tpu.memory_space<vmem>> -> memref<1x1x8x128xf32, #tpu.memory_space<vmem>>
      %dma_start3A_880 = tpu.memref_squeeze %dma_start3A_879 : memref<1x1x8x128xf32, #tpu.memory_space<vmem>> -> memref<8x128xf32, #tpu.memory_space<vmem>>
      %dma_start3A_881 = arith.constant 8 : i32
      %dma_start3A_882 = tpu.memref_slice %arg2[%dma_start3A_881, %multiple_of3A_854] : memref<32x1000000xf32, #tpu.memory_space<hbm>> -> memref<8x128xf32, #tpu.memory_space<hbm>>
      tpu.enqueue_dma source(%dma_start3A_882 : memref<8x128xf32, #tpu.memory_space<hbm>>) target(%dma_start3A_880 : memref<8x128xf32, #tpu.memory_space<vmem>>) target_semaphore(%arg8 : memref<!tpu.dma_semaphore, #tpu.memory_space<semaphore_mem>>)
      %dma_start3A_883 = arith.constant 1 : i32
      %dma_start3A_884 = arith.constant 6 : i32
      %dma_start3A_885 = arith.constant 16 : i32
      %dma_start3A_886 = arith.constant 0 : i32
      %dma_start3A_887 = tpu.memref_slice %arg6[%dma_start3A_883, %dma_start3A_884, %dma_start3A_885, %dma_start3A_886] : memref<2x8x32x128xf32, #tpu.memory_space<vmem>> -> memref<1x1x8x128xf32, #tpu.memory_space<vmem>>
      %dma_start3A_888 = tpu.memref_squeeze %dma_start3A_887 : memref<1x1x8x128xf32, #tpu.memory_space<vmem>> -> memref<8x128xf32, #tpu.memory_space<vmem>>
      %dma_start3A_889 = arith.constant 16 : i32
      %dma_start3A_890 = tpu.memref_slice %arg2[%dma_start3A_889, %multiple_of3A_854] : memref<32x1000000xf32, #tpu.memory_space<hbm>> -> memref<8x128xf32, #tpu.memory_space<hbm>>
      %dma_start3A_891 = arith.constant 16 : i32
      %dma_start3A_892 = arith.constant 0 : i32
      %dma_start3A_893 = tpu.memref_slice %arg6[%dma_start3A_883, %dma_start3A_884, %dma_start3A_891, %dma_start3A_892] : memref<2x8x32x128xf32, #tpu.memory_space<vmem>> -> memref<1x1x8x128xf32, #tpu.memory_space<vmem>>
      %dma_start3A_894 = tpu.memref_squeeze %dma_start3A_893 : memref<1x1x8x128xf32, #tpu.memory_space<vmem>> -> memref<8x128xf32, #tpu.memory_space<vmem>>
      %dma_start3A_895 = arith.constant 16 : i32
      %dma_start3A_896 = tpu.memref_slice %arg2[%dma_start3A_895, %multiple_of3A_854] : memref<32x1000000xf32, #tpu.memory_space<hbm>> -> memref<8x128xf32, #tpu.memory_space<hbm>>
      tpu.enqueue_dma source(%dma_start3A_896 : memref<8x128xf32, #tpu.memory_space<hbm>>) target(%dma_start3A_894 : memref<8x128xf32, #tpu.memory_space<vmem>>) target_semaphore(%arg8 : memref<!tpu.dma_semaphore, #tpu.memory_space<semaphore_mem>>)
      %dma_start3A_897 = arith.constant 1 : i32
      %dma_start3A_898 = arith.constant 6 : i32
      %dma_start3A_899 = arith.constant 24 : i32
      %dma_start3A_900 = arith.constant 0 : i32
      %dma_start3A_901 = tpu.memref_slice %arg6[%dma_start3A_897, %dma_start3A_898, %dma_start3A_899, %dma_start3A_900] : memref<2x8x32x128xf32, #tpu.memory_space<vmem>> -> memref<1x1x8x128xf32, #tpu.memory_space<vmem>>
      %dma_start3A_902 = tpu.memref_squeeze %dma_start3A_901 : memref<1x1x8x128xf32, #tpu.memory_space<vmem>> -> memref<8x128xf32, #tpu.memory_space<vmem>>
      %dma_start3A_903 = arith.constant 24 : i32
      %dma_start3A_904 = tpu.memref_slice %arg2[%dma_start3A_903, %multiple_of3A_854] : memref<32x1000000xf32, #tpu.memory_space<hbm>> -> memref<8x128xf32, #tpu.memory_space<hbm>>
      %dma_start3A_905 = arith.constant 24 : i32
      %dma_start3A_906 = arith.constant 0 : i32
      %dma_start3A_907 = tpu.memref_slice %arg6[%dma_start3A_897, %dma_start3A_898, %dma_start3A_905, %dma_start3A_906] : memref<2x8x32x128xf32, #tpu.memory_space<vmem>> -> memref<1x1x8x128xf32, #tpu.memory_space<vmem>>
      %dma_start3A_908 = tpu.memref_squeeze %dma_start3A_907 : memref<1x1x8x128xf32, #tpu.memory_space<vmem>> -> memref<8x128xf32, #tpu.memory_space<vmem>>
      %dma_start3A_909 = arith.constant 24 : i32
      %dma_start3A_910 = tpu.memref_slice %arg2[%dma_start3A_909, %multiple_of3A_854] : memref<32x1000000xf32, #tpu.memory_space<hbm>> -> memref<8x128xf32, #tpu.memory_space<hbm>>
      tpu.enqueue_dma source(%dma_start3A_910 : memref<8x128xf32, #tpu.memory_space<hbm>>) target(%dma_start3A_908 : memref<8x128xf32, #tpu.memory_space<vmem>>) target_semaphore(%arg8 : memref<!tpu.dma_semaphore, #tpu.memory_space<semaphore_mem>>)
      %slice3A_911 = vector.extract_strided_slice %shift_left3A_497 {offsets = [7], sizes = [1], strides = [1]} : vector<16xi32> to vector<1xi32>
      %squeeze3A_912 = vector.extract %slice3A_911[0] : i32 from vector<1xi32>
      %multiple_of3A_913 = tpu.assume_multiple %squeeze3A_912, 128 : i32
      %dma_start3A_914 = arith.constant 1 : i32
      %dma_start3A_915 = arith.constant 7 : i32
      %dma_start3A_916 = arith.constant 0 : i32
      %dma_start3A_917 = arith.constant 0 : i32
      %dma_start3A_918 = tpu.memref_slice %arg6[%dma_start3A_914, %dma_start3A_915, %dma_start3A_916, %dma_start3A_917] : memref<2x8x32x128xf32, #tpu.memory_space<vmem>> -> memref<1x1x8x128xf32, #tpu.memory_space<vmem>>
      %dma_start3A_919 = tpu.memref_squeeze %dma_start3A_918 : memref<1x1x8x128xf32, #tpu.memory_space<vmem>> -> memref<8x128xf32, #tpu.memory_space<vmem>>
      %dma_start3A_920 = arith.constant 0 : i32
      %dma_start3A_921 = tpu.memref_slice %arg2[%dma_start3A_920, %multiple_of3A_913] : memref<32x1000000xf32, #tpu.memory_space<hbm>> -> memref<8x128xf32, #tpu.memory_space<hbm>>
      %dma_start3A_922 = arith.constant 0 : i32
      %dma_start3A_923 = arith.constant 0 : i32
      %dma_start3A_924 = tpu.memref_slice %arg6[%dma_start3A_914, %dma_start3A_915, %dma_start3A_922, %dma_start3A_923] : memref<2x8x32x128xf32, #tpu.memory_space<vmem>> -> memref<1x1x8x128xf32, #tpu.memory_space<vmem>>
      %dma_start3A_925 = tpu.memref_squeeze %dma_start3A_924 : memref<1x1x8x128xf32, #tpu.memory_space<vmem>> -> memref<8x128xf32, #tpu.memory_space<vmem>>
      %dma_start3A_926 = arith.constant 0 : i32
      %dma_start3A_927 = tpu.memref_slice %arg2[%dma_start3A_926, %multiple_of3A_913] : memref<32x1000000xf32, #tpu.memory_space<hbm>> -> memref<8x128xf32, #tpu.memory_space<hbm>>
      tpu.enqueue_dma source(%dma_start3A_927 : memref<8x128xf32, #tpu.memory_space<hbm>>) target(%dma_start3A_925 : memref<8x128xf32, #tpu.memory_space<vmem>>) target_semaphore(%arg8 : memref<!tpu.dma_semaphore, #tpu.memory_space<semaphore_mem>>)
      %dma_start3A_928 = arith.constant 1 : i32
      %dma_start3A_929 = arith.constant 7 : i32
      %dma_start3A_930 = arith.constant 8 : i32
      %dma_start3A_931 = arith.constant 0 : i32
      %dma_start3A_932 = tpu.memref_slice %arg6[%dma_start3A_928, %dma_start3A_929, %dma_start3A_930, %dma_start3A_931] : memref<2x8x32x128xf32, #tpu.memory_space<vmem>> -> memref<1x1x8x128xf32, #tpu.memory_space<vmem>>
      %dma_start3A_933 = tpu.memref_squeeze %dma_start3A_932 : memref<1x1x8x128xf32, #tpu.memory_space<vmem>> -> memref<8x128xf32, #tpu.memory_space<vmem>>
      %dma_start3A_934 = arith.constant 8 : i32
      %dma_start3A_935 = tpu.memref_slice %arg2[%dma_start3A_934, %multiple_of3A_913] : memref<32x1000000xf32, #tpu.memory_space<hbm>> -> memref<8x128xf32, #tpu.memory_space<hbm>>
      %dma_start3A_936 = arith.constant 8 : i32
      %dma_start3A_937 = arith.constant 0 : i32
      %dma_start3A_938 = tpu.memref_slice %arg6[%dma_start3A_928, %dma_start3A_929, %dma_start3A_936, %dma_start3A_937] : memref<2x8x32x128xf32, #tpu.memory_space<vmem>> -> memref<1x1x8x128xf32, #tpu.memory_space<vmem>>
      %dma_start3A_939 = tpu.memref_squeeze %dma_start3A_938 : memref<1x1x8x128xf32, #tpu.memory_space<vmem>> -> memref<8x128xf32, #tpu.memory_space<vmem>>
      %dma_start3A_940 = arith.constant 8 : i32
      %dma_start3A_941 = tpu.memref_slice %arg2[%dma_start3A_940, %multiple_of3A_913] : memref<32x1000000xf32, #tpu.memory_space<hbm>> -> memref<8x128xf32, #tpu.memory_space<hbm>>
      tpu.enqueue_dma source(%dma_start3A_941 : memref<8x128xf32, #tpu.memory_space<hbm>>) target(%dma_start3A_939 : memref<8x128xf32, #tpu.memory_space<vmem>>) target_semaphore(%arg8 : memref<!tpu.dma_semaphore, #tpu.memory_space<semaphore_mem>>)
      %dma_start3A_942 = arith.constant 1 : i32
      %dma_start3A_943 = arith.constant 7 : i32
      %dma_start3A_944 = arith.constant 16 : i32
      %dma_start3A_945 = arith.constant 0 : i32
      %dma_start3A_946 = tpu.memref_slice %arg6[%dma_start3A_942, %dma_start3A_943, %dma_start3A_944, %dma_start3A_945] : memref<2x8x32x128xf32, #tpu.memory_space<vmem>> -> memref<1x1x8x128xf32, #tpu.memory_space<vmem>>
      %dma_start3A_947 = tpu.memref_squeeze %dma_start3A_946 : memref<1x1x8x128xf32, #tpu.memory_space<vmem>> -> memref<8x128xf32, #tpu.memory_space<vmem>>
      %dma_start3A_948 = arith.constant 16 : i32
      %dma_start3A_949 = tpu.memref_slice %arg2[%dma_start3A_948, %multiple_of3A_913] : memref<32x1000000xf32, #tpu.memory_space<hbm>> -> memref<8x128xf32, #tpu.memory_space<hbm>>
      %dma_start3A_950 = arith.constant 16 : i32
      %dma_start3A_951 = arith.constant 0 : i32
      %dma_start3A_952 = tpu.memref_slice %arg6[%dma_start3A_942, %dma_start3A_943, %dma_start3A_950, %dma_start3A_951] : memref<2x8x32x128xf32, #tpu.memory_space<vmem>> -> memref<1x1x8x128xf32, #tpu.memory_space<vmem>>
      %dma_start3A_953 = tpu.memref_squeeze %dma_start3A_952 : memref<1x1x8x128xf32, #tpu.memory_space<vmem>> -> memref<8x128xf32, #tpu.memory_space<vmem>>
      %dma_start3A_954 = arith.constant 16 : i32
      %dma_start3A_955 = tpu.memref_slice %arg2[%dma_start3A_954, %multiple_of3A_913] : memref<32x1000000xf32, #tpu.memory_space<hbm>> -> memref<8x128xf32, #tpu.memory_space<hbm>>
      tpu.enqueue_dma source(%dma_start3A_955 : memref<8x128xf32, #tpu.memory_space<hbm>>) target(%dma_start3A_953 : memref<8x128xf32, #tpu.memory_space<vmem>>) target_semaphore(%arg8 : memref<!tpu.dma_semaphore, #tpu.memory_space<semaphore_mem>>)
      %dma_start3A_956 = arith.constant 1 : i32
      %dma_start3A_957 = arith.constant 7 : i32
      %dma_start3A_958 = arith.constant 24 : i32
      %dma_start3A_959 = arith.constant 0 : i32
      %dma_start3A_960 = tpu.memref_slice %arg6[%dma_start3A_956, %dma_start3A_957, %dma_start3A_958, %dma_start3A_959] : memref<2x8x32x128xf32, #tpu.memory_space<vmem>> -> memref<1x1x8x128xf32, #tpu.memory_space<vmem>>
      %dma_start3A_961 = tpu.memref_squeeze %dma_start3A_960 : memref<1x1x8x128xf32, #tpu.memory_space<vmem>> -> memref<8x128xf32, #tpu.memory_space<vmem>>
      %dma_start3A_962 = arith.constant 24 : i32
      %dma_start3A_963 = tpu.memref_slice %arg2[%dma_start3A_962, %multiple_of3A_913] : memref<32x1000000xf32, #tpu.memory_space<hbm>> -> memref<8x128xf32, #tpu.memory_space<hbm>>
      %dma_start3A_964 = arith.constant 24 : i32
      %dma_start3A_965 = arith.constant 0 : i32
      %dma_start3A_966 = tpu.memref_slice %arg6[%dma_start3A_956, %dma_start3A_957, %dma_start3A_964, %dma_start3A_965] : memref<2x8x32x128xf32, #tpu.memory_space<vmem>> -> memref<1x1x8x128xf32, #tpu.memory_space<vmem>>
      %dma_start3A_967 = tpu.memref_squeeze %dma_start3A_966 : memref<1x1x8x128xf32, #tpu.memory_space<vmem>> -> memref<8x128xf32, #tpu.memory_space<vmem>>
      %dma_start3A_968 = arith.constant 24 : i32
      %dma_start3A_969 = tpu.memref_slice %arg2[%dma_start3A_968, %multiple_of3A_913] : memref<32x1000000xf32, #tpu.memory_space<hbm>> -> memref<8x128xf32, #tpu.memory_space<hbm>>
      tpu.enqueue_dma source(%dma_start3A_969 : memref<8x128xf32, #tpu.memory_space<hbm>>) target(%dma_start3A_967 : memref<8x128xf32, #tpu.memory_space<vmem>>) target_semaphore(%arg8 : memref<!tpu.dma_semaphore, #tpu.memory_space<semaphore_mem>>)
      %iota3A = tpu.iota {dimensions = array<i32: 0>} : vector<16xi32>
      %mul3A_970 = arith.constant 8 : i32
      %mul3A_971 = arith.muli %mul3A_485, %mul3A_970 : i32
      %get3A_972 = arith.index_cast %mul3A_971 : i32 to index
      %get3A_973 = tpu.vector_load %arg5[%get3A_972] {strides = array<i32>} : memref<520xi32, #tpu.memory_space<vmem>>, vector<16xi32>,
      %and3A = arith.constant 127 : i32
      %and3A_974 = vector.broadcast %and3A : i32 to vector<16xi32>
      %and3A_975 = arith.andi %get3A_973, %and3A_974 : vector<16xi32>
      %dma_wait3A = arith.constant 0 : i32
      %dma_wait3A_976 = arith.constant 0 : i32
      %dma_wait3A_977 = arith.constant 0 : i32
      %dma_wait3A_978 = arith.constant 0 : i32
      %dma_wait3A_979 = tpu.memref_slice %arg6[%dma_wait3A, %dma_wait3A_976, %dma_wait3A_977, %dma_wait3A_978] : memref<2x8x32x128xf32, #tpu.memory_space<vmem>> -> memref<1x1x32x128xf32, #tpu.memory_space<vmem>>
      %dma_wait3A_980 = tpu.memref_squeeze %dma_wait3A_979 : memref<1x1x32x128xf32, #tpu.memory_space<vmem>> -> memref<32x128xf32, #tpu.memory_space<vmem>>
      %dma_wait3A_981 = arith.constant 0 : i32
      %dma_wait3A_982 = arith.constant 0 : i32
      %dma_wait3A_983 = tpu.memref_slice %arg2[%dma_wait3A_981, %dma_wait3A_982] : memref<32x1000000xf32, #tpu.memory_space<hbm>> -> memref<32x128xf32, #tpu.memory_space<hbm>>
      %dma_wait3A_984 = arith.constant 0 : i32
      %dma_wait3A_985 = arith.constant 0 : i32
      %dma_wait3A_986 = tpu.memref_slice %arg6[%dma_wait3A, %dma_wait3A_976, %dma_wait3A_984, %dma_wait3A_985] : memref<2x8x32x128xf32, #tpu.memory_space<vmem>> -> memref<1x1x32x128xf32, #tpu.memory_space<vmem>>
      %dma_wait3A_987 = tpu.memref_squeeze %dma_wait3A_986 : memref<1x1x32x128xf32, #tpu.memory_space<vmem>> -> memref<32x128xf32, #tpu.memory_space<vmem>>
      %dma_wait3A_988 = arith.constant 0 : i32
      %dma_wait3A_989 = arith.constant 0 : i32
      %dma_wait3A_990 = tpu.memref_slice %arg2[%dma_wait3A_988, %dma_wait3A_989] : memref<32x1000000xf32, #tpu.memory_space<hbm>> -> memref<32x128xf32, #tpu.memory_space<hbm>>
      tpu.wait_dma2 semaphore(%arg8 : memref<!tpu.dma_semaphore, #tpu.memory_space<semaphore_mem>>) src(%dma_wait3A_990 : memref<32x128xf32, #tpu.memory_space<hbm>>) dst(%dma_wait3A_987 : memref<32x128xf32, #tpu.memory_space<vmem>>)
      %dma_wait3A_991 = arith.constant 0 : i32
      %dma_wait3A_992 = arith.constant 1 : i32
      %dma_wait3A_993 = arith.constant 0 : i32
      %dma_wait3A_994 = arith.constant 0 : i32
      %dma_wait3A_995 = tpu.memref_slice %arg6[%dma_wait3A_991, %dma_wait3A_992, %dma_wait3A_993, %dma_wait3A_994] : memref<2x8x32x128xf32, #tpu.memory_space<vmem>> -> memref<1x1x32x128xf32, #tpu.memory_space<vmem>>
      %dma_wait3A_996 = tpu.memref_squeeze %dma_wait3A_995 : memref<1x1x32x128xf32, #tpu.memory_space<vmem>> -> memref<32x128xf32, #tpu.memory_space<vmem>>
      %dma_wait3A_997 = arith.constant 0 : i32
      %dma_wait3A_998 = arith.constant 0 : i32
      %dma_wait3A_999 = tpu.memref_slice %arg2[%dma_wait3A_997, %dma_wait3A_998] : memref<32x1000000xf32, #tpu.memory_space<hbm>> -> memref<32x128xf32, #tpu.memory_space<hbm>>
      %dma_wait3A_1000 = arith.constant 0 : i32
      %dma_wait3A_1001 = arith.constant 0 : i32
      %dma_wait3A_1002 = tpu.memref_slice %arg6[%dma_wait3A_991, %dma_wait3A_992, %dma_wait3A_1000, %dma_wait3A_1001] : memref<2x8x32x128xf32, #tpu.memory_space<vmem>> -> memref<1x1x32x128xf32, #tpu.memory_space<vmem>>
      %dma_wait3A_1003 = tpu.memref_squeeze %dma_wait3A_1002 : memref<1x1x32x128xf32, #tpu.memory_space<vmem>> -> memref<32x128xf32, #tpu.memory_space<vmem>>
      %dma_wait3A_1004 = arith.constant 0 : i32
      %dma_wait3A_1005 = arith.constant 0 : i32
      %dma_wait3A_1006 = tpu.memref_slice %arg2[%dma_wait3A_1004, %dma_wait3A_1005] : memref<32x1000000xf32, #tpu.memory_space<hbm>> -> memref<32x128xf32, #tpu.memory_space<hbm>>
      tpu.wait_dma2 semaphore(%arg8 : memref<!tpu.dma_semaphore, #tpu.memory_space<semaphore_mem>>) src(%dma_wait3A_1006 : memref<32x128xf32, #tpu.memory_space<hbm>>) dst(%dma_wait3A_1003 : memref<32x128xf32, #tpu.memory_space<vmem>>)
      %dma_wait3A_1007 = arith.constant 0 : i32
      %dma_wait3A_1008 = arith.constant 2 : i32
      %dma_wait3A_1009 = arith.constant 0 : i32
      %dma_wait3A_1010 = arith.constant 0 : i32
      %dma_wait3A_1011 = tpu.memref_slice %arg6[%dma_wait3A_1007, %dma_wait3A_1008, %dma_wait3A_1009, %dma_wait3A_1010] : memref<2x8x32x128xf32, #tpu.memory_space<vmem>> -> memref<1x1x32x128xf32, #tpu.memory_space<vmem>>
      %dma_wait3A_1012 = tpu.memref_squeeze %dma_wait3A_1011 : memref<1x1x32x128xf32, #tpu.memory_space<vmem>> -> memref<32x128xf32, #tpu.memory_space<vmem>>
      %dma_wait3A_1013 = arith.constant 0 : i32
      %dma_wait3A_1014 = arith.constant 0 : i32
      %dma_wait3A_1015 = tpu.memref_slice %arg2[%dma_wait3A_1013, %dma_wait3A_1014] : memref<32x1000000xf32, #tpu.memory_space<hbm>> -> memref<32x128xf32, #tpu.memory_space<hbm>>
      %dma_wait3A_1016 = arith.constant 0 : i32
      %dma_wait3A_1017 = arith.constant 0 : i32
      %dma_wait3A_1018 = tpu.memref_slice %arg6[%dma_wait3A_1007, %dma_wait3A_1008, %dma_wait3A_1016, %dma_wait3A_1017] : memref<2x8x32x128xf32, #tpu.memory_space<vmem>> -> memref<1x1x32x128xf32, #tpu.memory_space<vmem>>
      %dma_wait3A_1019 = tpu.memref_squeeze %dma_wait3A_1018 : memref<1x1x32x128xf32, #tpu.memory_space<vmem>> -> memref<32x128xf32, #tpu.memory_space<vmem>>
      %dma_wait3A_1020 = arith.constant 0 : i32
      %dma_wait3A_1021 = arith.constant 0 : i32
      %dma_wait3A_1022 = tpu.memref_slice %arg2[%dma_wait3A_1020, %dma_wait3A_1021] : memref<32x1000000xf32, #tpu.memory_space<hbm>> -> memref<32x128xf32, #tpu.memory_space<hbm>>
      tpu.wait_dma2 semaphore(%arg8 : memref<!tpu.dma_semaphore, #tpu.memory_space<semaphore_mem>>) src(%dma_wait3A_1022 : memref<32x128xf32, #tpu.memory_space<hbm>>) dst(%dma_wait3A_1019 : memref<32x128xf32, #tpu.memory_space<vmem>>)
      %dma_wait3A_1023 = arith.constant 0 : i32
      %dma_wait3A_1024 = arith.constant 3 : i32
      %dma_wait3A_1025 = arith.constant 0 : i32
      %dma_wait3A_1026 = arith.constant 0 : i32
      %dma_wait3A_1027 = tpu.memref_slice %arg6[%dma_wait3A_1023, %dma_wait3A_1024, %dma_wait3A_1025, %dma_wait3A_1026] : memref<2x8x32x128xf32, #tpu.memory_space<vmem>> -> memref<1x1x32x128xf32, #tpu.memory_space<vmem>>
      %dma_wait3A_1028 = tpu.memref_squeeze %dma_wait3A_1027 : memref<1x1x32x128xf32, #tpu.memory_space<vmem>> -> memref<32x128xf32, #tpu.memory_space<vmem>>
      %dma_wait3A_1029 = arith.constant 0 : i32
      %dma_wait3A_1030 = arith.constant 0 : i32
      %dma_wait3A_1031 = tpu.memref_slice %arg2[%dma_wait3A_1029, %dma_wait3A_1030] : memref<32x1000000xf32, #tpu.memory_space<hbm>> -> memref<32x128xf32, #tpu.memory_space<hbm>>
      %dma_wait3A_1032 = arith.constant 0 : i32
      %dma_wait3A_1033 = arith.constant 0 : i32
      %dma_wait3A_1034 = tpu.memref_slice %arg6[%dma_wait3A_1023, %dma_wait3A_1024, %dma_wait3A_1032, %dma_wait3A_1033] : memref<2x8x32x128xf32, #tpu.memory_space<vmem>> -> memref<1x1x32x128xf32, #tpu.memory_space<vmem>>
      %dma_wait3A_1035 = tpu.memref_squeeze %dma_wait3A_1034 : memref<1x1x32x128xf32, #tpu.memory_space<vmem>> -> memref<32x128xf32, #tpu.memory_space<vmem>>
      %dma_wait3A_1036 = arith.constant 0 : i32
      %dma_wait3A_1037 = arith.constant 0 : i32
      %dma_wait3A_1038 = tpu.memref_slice %arg2[%dma_wait3A_1036, %dma_wait3A_1037] : memref<32x1000000xf32, #tpu.memory_space<hbm>> -> memref<32x128xf32, #tpu.memory_space<hbm>>
      tpu.wait_dma2 semaphore(%arg8 : memref<!tpu.dma_semaphore, #tpu.memory_space<semaphore_mem>>) src(%dma_wait3A_1038 : memref<32x128xf32, #tpu.memory_space<hbm>>) dst(%dma_wait3A_1035 : memref<32x128xf32, #tpu.memory_space<vmem>>)
      %dma_wait3A_1039 = arith.constant 0 : i32
      %dma_wait3A_1040 = arith.constant 4 : i32
      %dma_wait3A_1041 = arith.constant 0 : i32
      %dma_wait3A_1042 = arith.constant 0 : i32
      %dma_wait3A_1043 = tpu.memref_slice %arg6[%dma_wait3A_1039, %dma_wait3A_1040, %dma_wait3A_1041, %dma_wait3A_1042] : memref<2x8x32x128xf32, #tpu.memory_space<vmem>> -> memref<1x1x32x128xf32, #tpu.memory_space<vmem>>
      %dma_wait3A_1044 = tpu.memref_squeeze %dma_wait3A_1043 : memref<1x1x32x128xf32, #tpu.memory_space<vmem>> -> memref<32x128xf32, #tpu.memory_space<vmem>>
      %dma_wait3A_1045 = arith.constant 0 : i32
      %dma_wait3A_1046 = arith.constant 0 : i32
      %dma_wait3A_1047 = tpu.memref_slice %arg2[%dma_wait3A_1045, %dma_wait3A_1046] : memref<32x1000000xf32, #tpu.memory_space<hbm>> -> memref<32x128xf32, #tpu.memory_space<hbm>>
      %dma_wait3A_1048 = arith.constant 0 : i32
      %dma_wait3A_1049 = arith.constant 0 : i32
      %dma_wait3A_1050 = tpu.memref_slice %arg6[%dma_wait3A_1039, %dma_wait3A_1040, %dma_wait3A_1048, %dma_wait3A_1049] : memref<2x8x32x128xf32, #tpu.memory_space<vmem>> -> memref<1x1x32x128xf32, #tpu.memory_space<vmem>>
      %dma_wait3A_1051 = tpu.memref_squeeze %dma_wait3A_1050 : memref<1x1x32x128xf32, #tpu.memory_space<vmem>> -> memref<32x128xf32, #tpu.memory_space<vmem>>
      %dma_wait3A_1052 = arith.constant 0 : i32
      %dma_wait3A_1053 = arith.constant 0 : i32
      %dma_wait3A_1054 = tpu.memref_slice %arg2[%dma_wait3A_1052, %dma_wait3A_1053] : memref<32x1000000xf32, #tpu.memory_space<hbm>> -> memref<32x128xf32, #tpu.memory_space<hbm>>
      tpu.wait_dma2 semaphore(%arg8 : memref<!tpu.dma_semaphore, #tpu.memory_space<semaphore_mem>>) src(%dma_wait3A_1054 : memref<32x128xf32, #tpu.memory_space<hbm>>) dst(%dma_wait3A_1051 : memref<32x128xf32, #tpu.memory_space<vmem>>)
      %dma_wait3A_1055 = arith.constant 0 : i32
      %dma_wait3A_1056 = arith.constant 5 : i32
      %dma_wait3A_1057 = arith.constant 0 : i32
      %dma_wait3A_1058 = arith.constant 0 : i32
      %dma_wait3A_1059 = tpu.memref_slice %arg6[%dma_wait3A_1055, %dma_wait3A_1056, %dma_wait3A_1057, %dma_wait3A_1058] : memref<2x8x32x128xf32, #tpu.memory_space<vmem>> -> memref<1x1x32x128xf32, #tpu.memory_space<vmem>>
      %dma_wait3A_1060 = tpu.memref_squeeze %dma_wait3A_1059 : memref<1x1x32x128xf32, #tpu.memory_space<vmem>> -> memref<32x128xf32, #tpu.memory_space<vmem>>
      %dma_wait3A_1061 = arith.constant 0 : i32
      %dma_wait3A_1062 = arith.constant 0 : i32
      %dma_wait3A_1063 = tpu.memref_slice %arg2[%dma_wait3A_1061, %dma_wait3A_1062] : memref<32x1000000xf32, #tpu.memory_space<hbm>> -> memref<32x128xf32, #tpu.memory_space<hbm>>
      %dma_wait3A_1064 = arith.constant 0 : i32
      %dma_wait3A_1065 = arith.constant 0 : i32
      %dma_wait3A_1066 = tpu.memref_slice %arg6[%dma_wait3A_1055, %dma_wait3A_1056, %dma_wait3A_1064, %dma_wait3A_1065] : memref<2x8x32x128xf32, #tpu.memory_space<vmem>> -> memref<1x1x32x128xf32, #tpu.memory_space<vmem>>
      %dma_wait3A_1067 = tpu.memref_squeeze %dma_wait3A_1066 : memref<1x1x32x128xf32, #tpu.memory_space<vmem>> -> memref<32x128xf32, #tpu.memory_space<vmem>>
      %dma_wait3A_1068 = arith.constant 0 : i32
      %dma_wait3A_1069 = arith.constant 0 : i32
      %dma_wait3A_1070 = tpu.memref_slice %arg2[%dma_wait3A_1068, %dma_wait3A_1069] : memref<32x1000000xf32, #tpu.memory_space<hbm>> -> memref<32x128xf32, #tpu.memory_space<hbm>>
      tpu.wait_dma2 semaphore(%arg8 : memref<!tpu.dma_semaphore, #tpu.memory_space<semaphore_mem>>) src(%dma_wait3A_1070 : memref<32x128xf32, #tpu.memory_space<hbm>>) dst(%dma_wait3A_1067 : memref<32x128xf32, #tpu.memory_space<vmem>>)
      %dma_wait3A_1071 = arith.constant 0 : i32
      %dma_wait3A_1072 = arith.constant 6 : i32
      %dma_wait3A_1073 = arith.constant 0 : i32
      %dma_wait3A_1074 = arith.constant 0 : i32
      %dma_wait3A_1075 = tpu.memref_slice %arg6[%dma_wait3A_1071, %dma_wait3A_1072, %dma_wait3A_1073, %dma_wait3A_1074] : memref<2x8x32x128xf32, #tpu.memory_space<vmem>> -> memref<1x1x32x128xf32, #tpu.memory_space<vmem>>
      %dma_wait3A_1076 = tpu.memref_squeeze %dma_wait3A_1075 : memref<1x1x32x128xf32, #tpu.memory_space<vmem>> -> memref<32x128xf32, #tpu.memory_space<vmem>>
      %dma_wait3A_1077 = arith.constant 0 : i32
      %dma_wait3A_1078 = arith.constant 0 : i32
      %dma_wait3A_1079 = tpu.memref_slice %arg2[%dma_wait3A_1077, %dma_wait3A_1078] : memref<32x1000000xf32, #tpu.memory_space<hbm>> -> memref<32x128xf32, #tpu.memory_space<hbm>>
      %dma_wait3A_1080 = arith.constant 0 : i32
      %dma_wait3A_1081 = arith.constant 0 : i32
      %dma_wait3A_1082 = tpu.memref_slice %arg6[%dma_wait3A_1071, %dma_wait3A_1072, %dma_wait3A_1080, %dma_wait3A_1081] : memref<2x8x32x128xf32, #tpu.memory_space<vmem>> -> memref<1x1x32x128xf32, #tpu.memory_space<vmem>>
      %dma_wait3A_1083 = tpu.memref_squeeze %dma_wait3A_1082 : memref<1x1x32x128xf32, #tpu.memory_space<vmem>> -> memref<32x128xf32, #tpu.memory_space<vmem>>
      %dma_wait3A_1084 = arith.constant 0 : i32
      %dma_wait3A_1085 = arith.constant 0 : i32
      %dma_wait3A_1086 = tpu.memref_slice %arg2[%dma_wait3A_1084, %dma_wait3A_1085] : memref<32x1000000xf32, #tpu.memory_space<hbm>> -> memref<32x128xf32, #tpu.memory_space<hbm>>
      tpu.wait_dma2 semaphore(%arg8 : memref<!tpu.dma_semaphore, #tpu.memory_space<semaphore_mem>>) src(%dma_wait3A_1086 : memref<32x128xf32, #tpu.memory_space<hbm>>) dst(%dma_wait3A_1083 : memref<32x128xf32, #tpu.memory_space<vmem>>)
      %dma_wait3A_1087 = arith.constant 0 : i32
      %dma_wait3A_1088 = arith.constant 7 : i32
      %dma_wait3A_1089 = arith.constant 0 : i32
      %dma_wait3A_1090 = arith.constant 0 : i32
      %dma_wait3A_1091 = tpu.memref_slice %arg6[%dma_wait3A_1087, %dma_wait3A_1088, %dma_wait3A_1089, %dma_wait3A_1090] : memref<2x8x32x128xf32, #tpu.memory_space<vmem>> -> memref<1x1x32x128xf32, #tpu.memory_space<vmem>>
      %dma_wait3A_1092 = tpu.memref_squeeze %dma_wait3A_1091 : memref<1x1x32x128xf32, #tpu.memory_space<vmem>> -> memref<32x128xf32, #tpu.memory_space<vmem>>
      %dma_wait3A_1093 = arith.constant 0 : i32
      %dma_wait3A_1094 = arith.constant 0 : i32
      %dma_wait3A_1095 = tpu.memref_slice %arg2[%dma_wait3A_1093, %dma_wait3A_1094] : memref<32x1000000xf32, #tpu.memory_space<hbm>> -> memref<32x128xf32, #tpu.memory_space<hbm>>
      %dma_wait3A_1096 = arith.constant 0 : i32
      %dma_wait3A_1097 = arith.constant 0 : i32
      %dma_wait3A_1098 = tpu.memref_slice %arg6[%dma_wait3A_1087, %dma_wait3A_1088, %dma_wait3A_1096, %dma_wait3A_1097] : memref<2x8x32x128xf32, #tpu.memory_space<vmem>> -> memref<1x1x32x128xf32, #tpu.memory_space<vmem>>
      %dma_wait3A_1099 = tpu.memref_squeeze %dma_wait3A_1098 : memref<1x1x32x128xf32, #tpu.memory_space<vmem>> -> memref<32x128xf32, #tpu.memory_space<vmem>>
      %dma_wait3A_1100 = arith.constant 0 : i32
      %dma_wait3A_1101 = arith.constant 0 : i32
      %dma_wait3A_1102 = tpu.memref_slice %arg2[%dma_wait3A_1100, %dma_wait3A_1101] : memref<32x1000000xf32, #tpu.memory_space<hbm>> -> memref<32x128xf32, #tpu.memory_space<hbm>>
      tpu.wait_dma2 semaphore(%arg8 : memref<!tpu.dma_semaphore, #tpu.memory_space<semaphore_mem>>) src(%dma_wait3A_1102 : memref<32x128xf32, #tpu.memory_space<hbm>>) dst(%dma_wait3A_1099 : memref<32x128xf32, #tpu.memory_space<vmem>>)
      %slice3A_1103 = vector.extract_strided_slice %and3A_975 {offsets = [0], sizes = [1], strides = [1]} : vector<16xi32> to vector<1xi32>
      %squeeze3A_1104 = vector.extract %slice3A_1103[0] : i32 from vector<1xi32>
      %broadcast_in_dim3A = vector.broadcast %squeeze3A_1104 : i32 to vector<16xi32>
      %mul3A_1105 = arith.constant 8 : i32
      %mul3A_1106 = arith.muli %mul3A_485, %mul3A_1105 : i32
      %add3A_1107 = arith.constant 0 : i32
      %add3A_1108 = arith.addi %mul3A_1106, %add3A_1107 : i32
      %broadcast_in_dim3A_1109 = vector.broadcast %add3A_1108 : i32 to vector<16xi32>
      %add3A_1110 = arith.constant 0 : i32
      %add3A_1111 = vector.broadcast %add3A_1110 : i32 to vector<16xi32>
      %add3A_1112 = arith.addi %iota3A, %add3A_1111 : vector<16xi32>
      %gather3A = arith.constant 0 : i32
      %gather3A_1113 = arith.constant 0 : i32
      %gather3A_1114 = arith.constant 0 : i32
      %gather3A_1115 = arith.constant 0 : i32
      %gather3A_1116 = tpu.memref_slice %arg6[%gather3A, %gather3A_1113, %gather3A_1114, %gather3A_1115] : memref<2x8x32x128xf32, #tpu.memory_space<vmem>> -> memref<1x1x32x128xf32, #tpu.memory_space<vmem>>
      %gather3A_1117 = tpu.memref_squeeze %gather3A_1116 : memref<1x1x32x128xf32, #tpu.memory_space<vmem>> -> memref<32x128xf32, #tpu.memory_space<vmem>>
      %gather3A_1118 = tpu.vector_load_idx %gather3A_1117[%add3A_1112, %broadcast_in_dim3A] : memref<32x128xf32, #tpu.memory_space<vmem>>[vector<16xi32>, vector<16xi32>], vector<16xf32>,
      tpu.vector_store_idx %arg7[%add3A_1112, %broadcast_in_dim3A_1109], %gather3A_1118 : memref<32x512xf32, #tpu.memory_space<vmem>>[vector<16xi32>, vector<16xi32>], vector<16xf32>,
      %add3A_1119 = arith.constant 16 : i32
      %add3A_1120 = vector.broadcast %add3A_1119 : i32 to vector<16xi32>
      %add3A_1121 = arith.addi %iota3A, %add3A_1120 : vector<16xi32>
      %gather3A_1122 = arith.constant 0 : i32
      %gather3A_1123 = arith.constant 0 : i32
      %gather3A_1124 = arith.constant 0 : i32
      %gather3A_1125 = arith.constant 0 : i32
      %gather3A_1126 = tpu.memref_slice %arg6[%gather3A_1122, %gather3A_1123, %gather3A_1124, %gather3A_1125] : memref<2x8x32x128xf32, #tpu.memory_space<vmem>> -> memref<1x1x32x128xf32, #tpu.memory_space<vmem>>
      %gather3A_1127 = tpu.memref_squeeze %gather3A_1126 : memref<1x1x32x128xf32, #tpu.memory_space<vmem>> -> memref<32x128xf32, #tpu.memory_space<vmem>>
      %gather3A_1128 = tpu.vector_load_idx %gather3A_1127[%add3A_1121, %broadcast_in_dim3A] : memref<32x128xf32, #tpu.memory_space<vmem>>[vector<16xi32>, vector<16xi32>], vector<16xf32>,
      tpu.vector_store_idx %arg7[%add3A_1121, %broadcast_in_dim3A_1109], %gather3A_1128 : memref<32x512xf32, #tpu.memory_space<vmem>>[vector<16xi32>, vector<16xi32>], vector<16xf32>,
      %slice3A_1129 = vector.extract_strided_slice %and3A_975 {offsets = [1], sizes = [1], strides = [1]} : vector<16xi32> to vector<1xi32>
      %squeeze3A_1130 = vector.extract %slice3A_1129[0] : i32 from vector<1xi32>
      %broadcast_in_dim3A_1131 = vector.broadcast %squeeze3A_1130 : i32 to vector<16xi32>
      %mul3A_1132 = arith.constant 8 : i32
      %mul3A_1133 = arith.muli %mul3A_485, %mul3A_1132 : i32
      %add3A_1134 = arith.constant 1 : i32
      %add3A_1135 = arith.addi %mul3A_1133, %add3A_1134 : i32
      %broadcast_in_dim3A_1136 = vector.broadcast %add3A_1135 : i32 to vector<16xi32>
      %add3A_1137 = arith.constant 0 : i32
      %add3A_1138 = vector.broadcast %add3A_1137 : i32 to vector<16xi32>
      %add3A_1139 = arith.addi %iota3A, %add3A_1138 : vector<16xi32>
      %gather3A_1140 = arith.constant 0 : i32
      %gather3A_1141 = arith.constant 1 : i32
      %gather3A_1142 = arith.constant 0 : i32
      %gather3A_1143 = arith.constant 0 : i32
      %gather3A_1144 = tpu.memref_slice %arg6[%gather3A_1140, %gather3A_1141, %gather3A_1142, %gather3A_1143] : memref<2x8x32x128xf32, #tpu.memory_space<vmem>> -> memref<1x1x32x128xf32, #tpu.memory_space<vmem>>
      %gather3A_1145 = tpu.memref_squeeze %gather3A_1144 : memref<1x1x32x128xf32, #tpu.memory_space<vmem>> -> memref<32x128xf32, #tpu.memory_space<vmem>>
      %gather3A_1146 = tpu.vector_load_idx %gather3A_1145[%add3A_1139, %broadcast_in_dim3A_1131] : memref<32x128xf32, #tpu.memory_space<vmem>>[vector<16xi32>, vector<16xi32>], vector<16xf32>,
      tpu.vector_store_idx %arg7[%add3A_1139, %broadcast_in_dim3A_1136], %gather3A_1146 : memref<32x512xf32, #tpu.memory_space<vmem>>[vector<16xi32>, vector<16xi32>], vector<16xf32>,
      %add3A_1147 = arith.constant 16 : i32
      %add3A_1148 = vector.broadcast %add3A_1147 : i32 to vector<16xi32>
      %add3A_1149 = arith.addi %iota3A, %add3A_1148 : vector<16xi32>
      %gather3A_1150 = arith.constant 0 : i32
      %gather3A_1151 = arith.constant 1 : i32
      %gather3A_1152 = arith.constant 0 : i32
      %gather3A_1153 = arith.constant 0 : i32
      %gather3A_1154 = tpu.memref_slice %arg6[%gather3A_1150, %gather3A_1151, %gather3A_1152, %gather3A_1153] : memref<2x8x32x128xf32, #tpu.memory_space<vmem>> -> memref<1x1x32x128xf32, #tpu.memory_space<vmem>>
      %gather3A_1155 = tpu.memref_squeeze %gather3A_1154 : memref<1x1x32x128xf32, #tpu.memory_space<vmem>> -> memref<32x128xf32, #tpu.memory_space<vmem>>
      %gather3A_1156 = tpu.vector_load_idx %gather3A_1155[%add3A_1149, %broadcast_in_dim3A_1131] : memref<32x128xf32, #tpu.memory_space<vmem>>[vector<16xi32>, vector<16xi32>], vector<16xf32>,
      tpu.vector_store_idx %arg7[%add3A_1149, %broadcast_in_dim3A_1136], %gather3A_1156 : memref<32x512xf32, #tpu.memory_space<vmem>>[vector<16xi32>, vector<16xi32>], vector<16xf32>,
      %slice3A_1157 = vector.extract_strided_slice %and3A_975 {offsets = [2], sizes = [1], strides = [1]} : vector<16xi32> to vector<1xi32>
      %squeeze3A_1158 = vector.extract %slice3A_1157[0] : i32 from vector<1xi32>
      %broadcast_in_dim3A_1159 = vector.broadcast %squeeze3A_1158 : i32 to vector<16xi32>
      %mul3A_1160 = arith.constant 8 : i32
      %mul3A_1161 = arith.muli %mul3A_485, %mul3A_1160 : i32
      %add3A_1162 = arith.constant 2 : i32
      %add3A_1163 = arith.addi %mul3A_1161, %add3A_1162 : i32
      %broadcast_in_dim3A_1164 = vector.broadcast %add3A_1163 : i32 to vector<16xi32>
      %add3A_1165 = arith.constant 0 : i32
      %add3A_1166 = vector.broadcast %add3A_1165 : i32 to vector<16xi32>
      %add3A_1167 = arith.addi %iota3A, %add3A_1166 : vector<16xi32>
      %gather3A_1168 = arith.constant 0 : i32
      %gather3A_1169 = arith.constant 2 : i32
      %gather3A_1170 = arith.constant 0 : i32
      %gather3A_1171 = arith.constant 0 : i32
      %gather3A_1172 = tpu.memref_slice %arg6[%gather3A_1168, %gather3A_1169, %gather3A_1170, %gather3A_1171] : memref<2x8x32x128xf32, #tpu.memory_space<vmem>> -> memref<1x1x32x128xf32, #tpu.memory_space<vmem>>
      %gather3A_1173 = tpu.memref_squeeze %gather3A_1172 : memref<1x1x32x128xf32, #tpu.memory_space<vmem>> -> memref<32x128xf32, #tpu.memory_space<vmem>>
      %gather3A_1174 = tpu.vector_load_idx %gather3A_1173[%add3A_1167, %broadcast_in_dim3A_1159] : memref<32x128xf32, #tpu.memory_space<vmem>>[vector<16xi32>, vector<16xi32>], vector<16xf32>,
      tpu.vector_store_idx %arg7[%add3A_1167, %broadcast_in_dim3A_1164], %gather3A_1174 : memref<32x512xf32, #tpu.memory_space<vmem>>[vector<16xi32>, vector<16xi32>], vector<16xf32>,
      %add3A_1175 = arith.constant 16 : i32
      %add3A_1176 = vector.broadcast %add3A_1175 : i32 to vector<16xi32>
      %add3A_1177 = arith.addi %iota3A, %add3A_1176 : vector<16xi32>
      %gather3A_1178 = arith.constant 0 : i32
      %gather3A_1179 = arith.constant 2 : i32
      %gather3A_1180 = arith.constant 0 : i32
      %gather3A_1181 = arith.constant 0 : i32
      %gather3A_1182 = tpu.memref_slice %arg6[%gather3A_1178, %gather3A_1179, %gather3A_1180, %gather3A_1181] : memref<2x8x32x128xf32, #tpu.memory_space<vmem>> -> memref<1x1x32x128xf32, #tpu.memory_space<vmem>>
      %gather3A_1183 = tpu.memref_squeeze %gather3A_1182 : memref<1x1x32x128xf32, #tpu.memory_space<vmem>> -> memref<32x128xf32, #tpu.memory_space<vmem>>
      %gather3A_1184 = tpu.vector_load_idx %gather3A_1183[%add3A_1177, %broadcast_in_dim3A_1159] : memref<32x128xf32, #tpu.memory_space<vmem>>[vector<16xi32>, vector<16xi32>], vector<16xf32>,
      tpu.vector_store_idx %arg7[%add3A_1177, %broadcast_in_dim3A_1164], %gather3A_1184 : memref<32x512xf32, #tpu.memory_space<vmem>>[vector<16xi32>, vector<16xi32>], vector<16xf32>,
      %slice3A_1185 = vector.extract_strided_slice %and3A_975 {offsets = [3], sizes = [1], strides = [1]} : vector<16xi32> to vector<1xi32>
      %squeeze3A_1186 = vector.extract %slice3A_1185[0] : i32 from vector<1xi32>
      %broadcast_in_dim3A_1187 = vector.broadcast %squeeze3A_1186 : i32 to vector<16xi32>
      %mul3A_1188 = arith.constant 8 : i32
      %mul3A_1189 = arith.muli %mul3A_485, %mul3A_1188 : i32
      %add3A_1190 = arith.constant 3 : i32
      %add3A_1191 = arith.addi %mul3A_1189, %add3A_1190 : i32
      %broadcast_in_dim3A_1192 = vector.broadcast %add3A_1191 : i32 to vector<16xi32>
      %add3A_1193 = arith.constant 0 : i32
      %add3A_1194 = vector.broadcast %add3A_1193 : i32 to vector<16xi32>
      %add3A_1195 = arith.addi %iota3A, %add3A_1194 : vector<16xi32>
      %gather3A_1196 = arith.constant 0 : i32
      %gather3A_1197 = arith.constant 3 : i32
      %gather3A_1198 = arith.constant 0 : i32
      %gather3A_1199 = arith.constant 0 : i32
      %gather3A_1200 = tpu.memref_slice %arg6[%gather3A_1196, %gather3A_1197, %gather3A_1198, %gather3A_1199] : memref<2x8x32x128xf32, #tpu.memory_space<vmem>> -> memref<1x1x32x128xf32, #tpu.memory_space<vmem>>
      %gather3A_1201 = tpu.memref_squeeze %gather3A_1200 : memref<1x1x32x128xf32, #tpu.memory_space<vmem>> -> memref<32x128xf32, #tpu.memory_space<vmem>>
      %gather3A_1202 = tpu.vector_load_idx %gather3A_1201[%add3A_1195, %broadcast_in_dim3A_1187] : memref<32x128xf32, #tpu.memory_space<vmem>>[vector<16xi32>, vector<16xi32>], vector<16xf32>,
      tpu.vector_store_idx %arg7[%add3A_1195, %broadcast_in_dim3A_1192], %gather3A_1202 : memref<32x512xf32, #tpu.memory_space<vmem>>[vector<16xi32>, vector<16xi32>], vector<16xf32>,
      %add3A_1203 = arith.constant 16 : i32
      %add3A_1204 = vector.broadcast %add3A_1203 : i32 to vector<16xi32>
      %add3A_1205 = arith.addi %iota3A, %add3A_1204 : vector<16xi32>
      %gather3A_1206 = arith.constant 0 : i32
      %gather3A_1207 = arith.constant 3 : i32
      %gather3A_1208 = arith.constant 0 : i32
      %gather3A_1209 = arith.constant 0 : i32
      %gather3A_1210 = tpu.memref_slice %arg6[%gather3A_1206, %gather3A_1207, %gather3A_1208, %gather3A_1209] : memref<2x8x32x128xf32, #tpu.memory_space<vmem>> -> memref<1x1x32x128xf32, #tpu.memory_space<vmem>>
      %gather3A_1211 = tpu.memref_squeeze %gather3A_1210 : memref<1x1x32x128xf32, #tpu.memory_space<vmem>> -> memref<32x128xf32, #tpu.memory_space<vmem>>
      %gather3A_1212 = tpu.vector_load_idx %gather3A_1211[%add3A_1205, %broadcast_in_dim3A_1187] : memref<32x128xf32, #tpu.memory_space<vmem>>[vector<16xi32>, vector<16xi32>], vector<16xf32>,
      tpu.vector_store_idx %arg7[%add3A_1205, %broadcast_in_dim3A_1192], %gather3A_1212 : memref<32x512xf32, #tpu.memory_space<vmem>>[vector<16xi32>, vector<16xi32>], vector<16xf32>,
      %slice3A_1213 = vector.extract_strided_slice %and3A_975 {offsets = [4], sizes = [1], strides = [1]} : vector<16xi32> to vector<1xi32>
      %squeeze3A_1214 = vector.extract %slice3A_1213[0] : i32 from vector<1xi32>
      %broadcast_in_dim3A_1215 = vector.broadcast %squeeze3A_1214 : i32 to vector<16xi32>
      %mul3A_1216 = arith.constant 8 : i32
      %mul3A_1217 = arith.muli %mul3A_485, %mul3A_1216 : i32
      %add3A_1218 = arith.constant 4 : i32
      %add3A_1219 = arith.addi %mul3A_1217, %add3A_1218 : i32
      %broadcast_in_dim3A_1220 = vector.broadcast %add3A_1219 : i32 to vector<16xi32>
      %add3A_1221 = arith.constant 0 : i32
      %add3A_1222 = vector.broadcast %add3A_1221 : i32 to vector<16xi32>
      %add3A_1223 = arith.addi %iota3A, %add3A_1222 : vector<16xi32>
      %gather3A_1224 = arith.constant 0 : i32
      %gather3A_1225 = arith.constant 4 : i32
      %gather3A_1226 = arith.constant 0 : i32
      %gather3A_1227 = arith.constant 0 : i32
      %gather3A_1228 = tpu.memref_slice %arg6[%gather3A_1224, %gather3A_1225, %gather3A_1226, %gather3A_1227] : memref<2x8x32x128xf32, #tpu.memory_space<vmem>> -> memref<1x1x32x128xf32, #tpu.memory_space<vmem>>
      %gather3A_1229 = tpu.memref_squeeze %gather3A_1228 : memref<1x1x32x128xf32, #tpu.memory_space<vmem>> -> memref<32x128xf32, #tpu.memory_space<vmem>>
      %gather3A_1230 = tpu.vector_load_idx %gather3A_1229[%add3A_1223, %broadcast_in_dim3A_1215] : memref<32x128xf32, #tpu.memory_space<vmem>>[vector<16xi32>, vector<16xi32>], vector<16xf32>,
      tpu.vector_store_idx %arg7[%add3A_1223, %broadcast_in_dim3A_1220], %gather3A_1230 : memref<32x512xf32, #tpu.memory_space<vmem>>[vector<16xi32>, vector<16xi32>], vector<16xf32>,
      %add3A_1231 = arith.constant 16 : i32
      %add3A_1232 = vector.broadcast %add3A_1231 : i32 to vector<16xi32>
      %add3A_1233 = arith.addi %iota3A, %add3A_1232 : vector<16xi32>
      %gather3A_1234 = arith.constant 0 : i32
      %gather3A_1235 = arith.constant 4 : i32
      %gather3A_1236 = arith.constant 0 : i32
      %gather3A_1237 = arith.constant 0 : i32
      %gather3A_1238 = tpu.memref_slice %arg6[%gather3A_1234, %gather3A_1235, %gather3A_1236, %gather3A_1237] : memref<2x8x32x128xf32, #tpu.memory_space<vmem>> -> memref<1x1x32x128xf32, #tpu.memory_space<vmem>>
      %gather3A_1239 = tpu.memref_squeeze %gather3A_1238 : memref<1x1x32x128xf32, #tpu.memory_space<vmem>> -> memref<32x128xf32, #tpu.memory_space<vmem>>
      %gather3A_1240 = tpu.vector_load_idx %gather3A_1239[%add3A_1233, %broadcast_in_dim3A_1215] : memref<32x128xf32, #tpu.memory_space<vmem>>[vector<16xi32>, vector<16xi32>], vector<16xf32>,
      tpu.vector_store_idx %arg7[%add3A_1233, %broadcast_in_dim3A_1220], %gather3A_1240 : memref<32x512xf32, #tpu.memory_space<vmem>>[vector<16xi32>, vector<16xi32>], vector<16xf32>,
      %slice3A_1241 = vector.extract_strided_slice %and3A_975 {offsets = [5], sizes = [1], strides = [1]} : vector<16xi32> to vector<1xi32>
      %squeeze3A_1242 = vector.extract %slice3A_1241[0] : i32 from vector<1xi32>
      %broadcast_in_dim3A_1243 = vector.broadcast %squeeze3A_1242 : i32 to vector<16xi32>
      %mul3A_1244 = arith.constant 8 : i32
      %mul3A_1245 = arith.muli %mul3A_485, %mul3A_1244 : i32
      %add3A_1246 = arith.constant 5 : i32
      %add3A_1247 = arith.addi %mul3A_1245, %add3A_1246 : i32
      %broadcast_in_dim3A_1248 = vector.broadcast %add3A_1247 : i32 to vector<16xi32>
      %add3A_1249 = arith.constant 0 : i32
      %add3A_1250 = vector.broadcast %add3A_1249 : i32 to vector<16xi32>
      %add3A_1251 = arith.addi %iota3A, %add3A_1250 : vector<16xi32>
      %gather3A_1252 = arith.constant 0 : i32
      %gather3A_1253 = arith.constant 5 : i32
      %gather3A_1254 = arith.constant 0 : i32
      %gather3A_1255 = arith.constant 0 : i32
      %gather3A_1256 = tpu.memref_slice %arg6[%gather3A_1252, %gather3A_1253, %gather3A_1254, %gather3A_1255] : memref<2x8x32x128xf32, #tpu.memory_space<vmem>> -> memref<1x1x32x128xf32, #tpu.memory_space<vmem>>
      %gather3A_1257 = tpu.memref_squeeze %gather3A_1256 : memref<1x1x32x128xf32, #tpu.memory_space<vmem>> -> memref<32x128xf32, #tpu.memory_space<vmem>>
      %gather3A_1258 = tpu.vector_load_idx %gather3A_1257[%add3A_1251, %broadcast_in_dim3A_1243] : memref<32x128xf32, #tpu.memory_space<vmem>>[vector<16xi32>, vector<16xi32>], vector<16xf32>,
      tpu.vector_store_idx %arg7[%add3A_1251, %broadcast_in_dim3A_1248], %gather3A_1258 : memref<32x512xf32, #tpu.memory_space<vmem>>[vector<16xi32>, vector<16xi32>], vector<16xf32>,
      %add3A_1259 = arith.constant 16 : i32
      %add3A_1260 = vector.broadcast %add3A_1259 : i32 to vector<16xi32>
      %add3A_1261 = arith.addi %iota3A, %add3A_1260 : vector<16xi32>
      %gather3A_1262 = arith.constant 0 : i32
      %gather3A_1263 = arith.constant 5 : i32
      %gather3A_1264 = arith.constant 0 : i32
      %gather3A_1265 = arith.constant 0 : i32
      %gather3A_1266 = tpu.memref_slice %arg6[%gather3A_1262, %gather3A_1263, %gather3A_1264, %gather3A_1265] : memref<2x8x32x128xf32, #tpu.memory_space<vmem>> -> memref<1x1x32x128xf32, #tpu.memory_space<vmem>>
      %gather3A_1267 = tpu.memref_squeeze %gather3A_1266 : memref<1x1x32x128xf32, #tpu.memory_space<vmem>> -> memref<32x128xf32, #tpu.memory_space<vmem>>
      %gather3A_1268 = tpu.vector_load_idx %gather3A_1267[%add3A_1261, %broadcast_in_dim3A_1243] : memref<32x128xf32, #tpu.memory_space<vmem>>[vector<16xi32>, vector<16xi32>], vector<16xf32>,
      tpu.vector_store_idx %arg7[%add3A_1261, %broadcast_in_dim3A_1248], %gather3A_1268 : memref<32x512xf32, #tpu.memory_space<vmem>>[vector<16xi32>, vector<16xi32>], vector<16xf32>,
      %slice3A_1269 = vector.extract_strided_slice %and3A_975 {offsets = [6], sizes = [1], strides = [1]} : vector<16xi32> to vector<1xi32>
      %squeeze3A_1270 = vector.extract %slice3A_1269[0] : i32 from vector<1xi32>
      %broadcast_in_dim3A_1271 = vector.broadcast %squeeze3A_1270 : i32 to vector<16xi32>
      %mul3A_1272 = arith.constant 8 : i32
      %mul3A_1273 = arith.muli %mul3A_485, %mul3A_1272 : i32
      %add3A_1274 = arith.constant 6 : i32
      %add3A_1275 = arith.addi %mul3A_1273, %add3A_1274 : i32
      %broadcast_in_dim3A_1276 = vector.broadcast %add3A_1275 : i32 to vector<16xi32>
      %add3A_1277 = arith.constant 0 : i32
      %add3A_1278 = vector.broadcast %add3A_1277 : i32 to vector<16xi32>
      %add3A_1279 = arith.addi %iota3A, %add3A_1278 : vector<16xi32>
      %gather3A_1280 = arith.constant 0 : i32
      %gather3A_1281 = arith.constant 6 : i32
      %gather3A_1282 = arith.constant 0 : i32
      %gather3A_1283 = arith.constant 0 : i32
      %gather3A_1284 = tpu.memref_slice %arg6[%gather3A_1280, %gather3A_1281, %gather3A_1282, %gather3A_1283] : memref<2x8x32x128xf32, #tpu.memory_space<vmem>> -> memref<1x1x32x128xf32, #tpu.memory_space<vmem>>
      %gather3A_1285 = tpu.memref_squeeze %gather3A_1284 : memref<1x1x32x128xf32, #tpu.memory_space<vmem>> -> memref<32x128xf32, #tpu.memory_space<vmem>>
      %gather3A_1286 = tpu.vector_load_idx %gather3A_1285[%add3A_1279, %broadcast_in_dim3A_1271] : memref<32x128xf32, #tpu.memory_space<vmem>>[vector<16xi32>, vector<16xi32>], vector<16xf32>,
      tpu.vector_store_idx %arg7[%add3A_1279, %broadcast_in_dim3A_1276], %gather3A_1286 : memref<32x512xf32, #tpu.memory_space<vmem>>[vector<16xi32>, vector<16xi32>], vector<16xf32>,
      %add3A_1287 = arith.constant 16 : i32
      %add3A_1288 = vector.broadcast %add3A_1287 : i32 to vector<16xi32>
      %add3A_1289 = arith.addi %iota3A, %add3A_1288 : vector<16xi32>
      %gather3A_1290 = arith.constant 0 : i32
      %gather3A_1291 = arith.constant 6 : i32
      %gather3A_1292 = arith.constant 0 : i32
      %gather3A_1293 = arith.constant 0 : i32
      %gather3A_1294 = tpu.memref_slice %arg6[%gather3A_1290, %gather3A_1291, %gather3A_1292, %gather3A_1293] : memref<2x8x32x128xf32, #tpu.memory_space<vmem>> -> memref<1x1x32x128xf32, #tpu.memory_space<vmem>>
      %gather3A_1295 = tpu.memref_squeeze %gather3A_1294 : memref<1x1x32x128xf32, #tpu.memory_space<vmem>> -> memref<32x128xf32, #tpu.memory_space<vmem>>
      %gather3A_1296 = tpu.vector_load_idx %gather3A_1295[%add3A_1289, %broadcast_in_dim3A_1271] : memref<32x128xf32, #tpu.memory_space<vmem>>[vector<16xi32>, vector<16xi32>], vector<16xf32>,
      tpu.vector_store_idx %arg7[%add3A_1289, %broadcast_in_dim3A_1276], %gather3A_1296 : memref<32x512xf32, #tpu.memory_space<vmem>>[vector<16xi32>, vector<16xi32>], vector<16xf32>,
      %slice3A_1297 = vector.extract_strided_slice %and3A_975 {offsets = [7], sizes = [1], strides = [1]} : vector<16xi32> to vector<1xi32>
      %squeeze3A_1298 = vector.extract %slice3A_1297[0] : i32 from vector<1xi32>
      %broadcast_in_dim3A_1299 = vector.broadcast %squeeze3A_1298 : i32 to vector<16xi32>
      %mul3A_1300 = arith.constant 8 : i32
      %mul3A_1301 = arith.muli %mul3A_485, %mul3A_1300 : i32
      %add3A_1302 = arith.constant 7 : i32
      %add3A_1303 = arith.addi %mul3A_1301, %add3A_1302 : i32
      %broadcast_in_dim3A_1304 = vector.broadcast %add3A_1303 : i32 to vector<16xi32>
      %add3A_1305 = arith.constant 0 : i32
      %add3A_1306 = vector.broadcast %add3A_1305 : i32 to vector<16xi32>
      %add3A_1307 = arith.addi %iota3A, %add3A_1306 : vector<16xi32>
      %gather3A_1308 = arith.constant 0 : i32
      %gather3A_1309 = arith.constant 7 : i32
      %gather3A_1310 = arith.constant 0 : i32
      %gather3A_1311 = arith.constant 0 : i32
      %gather3A_1312 = tpu.memref_slice %arg6[%gather3A_1308, %gather3A_1309, %gather3A_1310, %gather3A_1311] : memref<2x8x32x128xf32, #tpu.memory_space<vmem>> -> memref<1x1x32x128xf32, #tpu.memory_space<vmem>>
      %gather3A_1313 = tpu.memref_squeeze %gather3A_1312 : memref<1x1x32x128xf32, #tpu.memory_space<vmem>> -> memref<32x128xf32, #tpu.memory_space<vmem>>
      %gather3A_1314 = tpu.vector_load_idx %gather3A_1313[%add3A_1307, %broadcast_in_dim3A_1299] : memref<32x128xf32, #tpu.memory_space<vmem>>[vector<16xi32>, vector<16xi32>], vector<16xf32>,
      tpu.vector_store_idx %arg7[%add3A_1307, %broadcast_in_dim3A_1304], %gather3A_1314 : memref<32x512xf32, #tpu.memory_space<vmem>>[vector<16xi32>, vector<16xi32>], vector<16xf32>,
      %add3A_1315 = arith.constant 16 : i32
      %add3A_1316 = vector.broadcast %add3A_1315 : i32 to vector<16xi32>
      %add3A_1317 = arith.addi %iota3A, %add3A_1316 : vector<16xi32>
      %gather3A_1318 = arith.constant 0 : i32
      %gather3A_1319 = arith.constant 7 : i32
      %gather3A_1320 = arith.constant 0 : i32
      %gather3A_1321 = arith.constant 0 : i32
      %gather3A_1322 = tpu.memref_slice %arg6[%gather3A_1318, %gather3A_1319, %gather3A_1320, %gather3A_1321] : memref<2x8x32x128xf32, #tpu.memory_space<vmem>> -> memref<1x1x32x128xf32, #tpu.memory_space<vmem>>
      %gather3A_1323 = tpu.memref_squeeze %gather3A_1322 : memref<1x1x32x128xf32, #tpu.memory_space<vmem>> -> memref<32x128xf32, #tpu.memory_space<vmem>>
      %gather3A_1324 = tpu.vector_load_idx %gather3A_1323[%add3A_1317, %broadcast_in_dim3A_1299] : memref<32x128xf32, #tpu.memory_space<vmem>>[vector<16xi32>, vector<16xi32>], vector<16xf32>,
      tpu.vector_store_idx %arg7[%add3A_1317, %broadcast_in_dim3A_1304], %gather3A_1324 : memref<32x512xf32, #tpu.memory_space<vmem>>[vector<16xi32>, vector<16xi32>], vector<16xf32>,
      %add3A_1325 = arith.constant 2 : i32
      %add3A_1326 = arith.addi %mul3A_485, %add3A_1325 : i32
      %lt3A = arith.constant 64 : i32
      %lt3A_1327 = arith.cmpi slt, %add3A_1326, %lt3A : i32
      %convert_element_type3A = arith.extui %lt3A_1327 : i1 to i32
      %cond3A = arith.constant 0 : i32
      %cond3A_1328 = arith.cmpi ne, %convert_element_type3A, %cond3A : i32
      scf.if %cond3A_1328 {
        %add3A_1692 = arith.constant 2 : i32
        %add3A_1693 = arith.addi %mul3A_485, %add3A_1692 : i32
        %mul3A_1694 = arith.constant 8 : i32
        %mul3A_1695 = arith.muli %add3A_1693, %mul3A_1694 : i32
        %get3A_1696 = arith.index_cast %mul3A_1695 : i32 to index
        %get3A_1697 = tpu.vector_load %arg5[%get3A_1696] {strides = array<i32>} : memref<520xi32, #tpu.memory_space<vmem>>, vector<16xi32>,
        %shift_right_arithmetic3A_1698 = arith.constant 7 : i32
        %shift_right_arithmetic3A_1699 = vector.broadcast %shift_right_arithmetic3A_1698 : i32 to vector<16xi32>
        %shift_right_arithmetic3A_1700 = arith.shrsi %get3A_1697, %shift_right_arithmetic3A_1699 : vector<16xi32>
        %shift_left3A_1701 = arith.constant 7 : i32
        %shift_left3A_1702 = vector.broadcast %shift_left3A_1701 : i32 to vector<16xi32>
        %shift_left3A_1703 = arith.shli %shift_right_arithmetic3A_1700, %shift_left3A_1702 : vector<16xi32>
        %slice3A_1704 = vector.extract_strided_slice %shift_left3A_1703 {offsets = [0], sizes = [1], strides = [1]} : vector<16xi32> to vector<1xi32>
        %squeeze3A_1705 = vector.extract %slice3A_1704[0] : i32 from vector<1xi32>
        %multiple_of3A_1706 = tpu.assume_multiple %squeeze3A_1705, 128 : i32
        %dma_start3A_1707 = arith.constant 0 : i32
        %dma_start3A_1708 = arith.constant 0 : i32
        %dma_start3A_1709 = arith.constant 0 : i32
        %dma_start3A_1710 = arith.constant 0 : i32
        %dma_start3A_1711 = tpu.memref_slice %arg6[%dma_start3A_1707, %dma_start3A_1708, %dma_start3A_1709, %dma_start3A_1710] : memref<2x8x32x128xf32, #tpu.memory_space<vmem>> -> memref<1x1x8x128xf32, #tpu.memory_space<vmem>>
        %dma_start3A_1712 = tpu.memref_squeeze %dma_start3A_1711 : memref<1x1x8x128xf32, #tpu.memory_space<vmem>> -> memref<8x128xf32, #tpu.memory_space<vmem>>
        %dma_start3A_1713 = arith.constant 0 : i32
        %dma_start3A_1714 = tpu.memref_slice %arg2[%dma_start3A_1713, %multiple_of3A_1706] : memref<32x1000000xf32, #tpu.memory_space<hbm>> -> memref<8x128xf32, #tpu.memory_space<hbm>>
        %dma_start3A_1715 = arith.constant 0 : i32
        %dma_start3A_1716 = arith.constant 0 : i32
        %dma_start3A_1717 = tpu.memref_slice %arg6[%dma_start3A_1707, %dma_start3A_1708, %dma_start3A_1715, %dma_start3A_1716] : memref<2x8x32x128xf32, #tpu.memory_space<vmem>> -> memref<1x1x8x128xf32, #tpu.memory_space<vmem>>
        %dma_start3A_1718 = tpu.memref_squeeze %dma_start3A_1717 : memref<1x1x8x128xf32, #tpu.memory_space<vmem>> -> memref<8x128xf32, #tpu.memory_space<vmem>>
        %dma_start3A_1719 = arith.constant 0 : i32
        %dma_start3A_1720 = tpu.memref_slice %arg2[%dma_start3A_1719, %multiple_of3A_1706] : memref<32x1000000xf32, #tpu.memory_space<hbm>> -> memref<8x128xf32, #tpu.memory_space<hbm>>
        tpu.enqueue_dma source(%dma_start3A_1720 : memref<8x128xf32, #tpu.memory_space<hbm>>) target(%dma_start3A_1718 : memref<8x128xf32, #tpu.memory_space<vmem>>) target_semaphore(%arg8 : memref<!tpu.dma_semaphore, #tpu.memory_space<semaphore_mem>>)
        %dma_start3A_1721 = arith.constant 0 : i32
        %dma_start3A_1722 = arith.constant 0 : i32
        %dma_start3A_1723 = arith.constant 8 : i32
        %dma_start3A_1724 = arith.constant 0 : i32
        %dma_start3A_1725 = tpu.memref_slice %arg6[%dma_start3A_1721, %dma_start3A_1722, %dma_start3A_1723, %dma_start3A_1724] : memref<2x8x32x128xf32, #tpu.memory_space<vmem>> -> memref<1x1x8x128xf32, #tpu.memory_space<vmem>>
        %dma_start3A_1726 = tpu.memref_squeeze %dma_start3A_1725 : memref<1x1x8x128xf32, #tpu.memory_space<vmem>> -> memref<8x128xf32, #tpu.memory_space<vmem>>
        %dma_start3A_1727 = arith.constant 8 : i32
        %dma_start3A_1728 = tpu.memref_slice %arg2[%dma_start3A_1727, %multiple_of3A_1706] : memref<32x1000000xf32, #tpu.memory_space<hbm>> -> memref<8x128xf32, #tpu.memory_space<hbm>>
        %dma_start3A_1729 = arith.constant 8 : i32
        %dma_start3A_1730 = arith.constant 0 : i32
        %dma_start3A_1731 = tpu.memref_slice %arg6[%dma_start3A_1721, %dma_start3A_1722, %dma_start3A_1729, %dma_start3A_1730] : memref<2x8x32x128xf32, #tpu.memory_space<vmem>> -> memref<1x1x8x128xf32, #tpu.memory_space<vmem>>
        %dma_start3A_1732 = tpu.memref_squeeze %dma_start3A_1731 : memref<1x1x8x128xf32, #tpu.memory_space<vmem>> -> memref<8x128xf32, #tpu.memory_space<vmem>>
        %dma_start3A_1733 = arith.constant 8 : i32
        %dma_start3A_1734 = tpu.memref_slice %arg2[%dma_start3A_1733, %multiple_of3A_1706] : memref<32x1000000xf32, #tpu.memory_space<hbm>> -> memref<8x128xf32, #tpu.memory_space<hbm>>
        tpu.enqueue_dma source(%dma_start3A_1734 : memref<8x128xf32, #tpu.memory_space<hbm>>) target(%dma_start3A_1732 : memref<8x128xf32, #tpu.memory_space<vmem>>) target_semaphore(%arg8 : memref<!tpu.dma_semaphore, #tpu.memory_space<semaphore_mem>>)
        %dma_start3A_1735 = arith.constant 0 : i32
        %dma_start3A_1736 = arith.constant 0 : i32
        %dma_start3A_1737 = arith.constant 16 : i32
        %dma_start3A_1738 = arith.constant 0 : i32
        %dma_start3A_1739 = tpu.memref_slice %arg6[%dma_start3A_1735, %dma_start3A_1736, %dma_start3A_1737, %dma_start3A_1738] : memref<2x8x32x128xf32, #tpu.memory_space<vmem>> -> memref<1x1x8x128xf32, #tpu.memory_space<vmem>>
        %dma_start3A_1740 = tpu.memref_squeeze %dma_start3A_1739 : memref<1x1x8x128xf32, #tpu.memory_space<vmem>> -> memref<8x128xf32, #tpu.memory_space<vmem>>
        %dma_start3A_1741 = arith.constant 16 : i32
        %dma_start3A_1742 = tpu.memref_slice %arg2[%dma_start3A_1741, %multiple_of3A_1706] : memref<32x1000000xf32, #tpu.memory_space<hbm>> -> memref<8x128xf32, #tpu.memory_space<hbm>>
        %dma_start3A_1743 = arith.constant 16 : i32
        %dma_start3A_1744 = arith.constant 0 : i32
        %dma_start3A_1745 = tpu.memref_slice %arg6[%dma_start3A_1735, %dma_start3A_1736, %dma_start3A_1743, %dma_start3A_1744] : memref<2x8x32x128xf32, #tpu.memory_space<vmem>> -> memref<1x1x8x128xf32, #tpu.memory_space<vmem>>
        %dma_start3A_1746 = tpu.memref_squeeze %dma_start3A_1745 : memref<1x1x8x128xf32, #tpu.memory_space<vmem>> -> memref<8x128xf32, #tpu.memory_space<vmem>>
        %dma_start3A_1747 = arith.constant 16 : i32
        %dma_start3A_1748 = tpu.memref_slice %arg2[%dma_start3A_1747, %multiple_of3A_1706] : memref<32x1000000xf32, #tpu.memory_space<hbm>> -> memref<8x128xf32, #tpu.memory_space<hbm>>
        tpu.enqueue_dma source(%dma_start3A_1748 : memref<8x128xf32, #tpu.memory_space<hbm>>) target(%dma_start3A_1746 : memref<8x128xf32, #tpu.memory_space<vmem>>) target_semaphore(%arg8 : memref<!tpu.dma_semaphore, #tpu.memory_space<semaphore_mem>>)
        %dma_start3A_1749 = arith.constant 0 : i32
        %dma_start3A_1750 = arith.constant 0 : i32
        %dma_start3A_1751 = arith.constant 24 : i32
        %dma_start3A_1752 = arith.constant 0 : i32
        %dma_start3A_1753 = tpu.memref_slice %arg6[%dma_start3A_1749, %dma_start3A_1750, %dma_start3A_1751, %dma_start3A_1752] : memref<2x8x32x128xf32, #tpu.memory_space<vmem>> -> memref<1x1x8x128xf32, #tpu.memory_space<vmem>>
        %dma_start3A_1754 = tpu.memref_squeeze %dma_start3A_1753 : memref<1x1x8x128xf32, #tpu.memory_space<vmem>> -> memref<8x128xf32, #tpu.memory_space<vmem>>
        %dma_start3A_1755 = arith.constant 24 : i32
        %dma_start3A_1756 = tpu.memref_slice %arg2[%dma_start3A_1755, %multiple_of3A_1706] : memref<32x1000000xf32, #tpu.memory_space<hbm>> -> memref<8x128xf32, #tpu.memory_space<hbm>>
        %dma_start3A_1757 = arith.constant 24 : i32
        %dma_start3A_1758 = arith.constant 0 : i32
        %dma_start3A_1759 = tpu.memref_slice %arg6[%dma_start3A_1749, %dma_start3A_1750, %dma_start3A_1757, %dma_start3A_1758] : memref<2x8x32x128xf32, #tpu.memory_space<vmem>> -> memref<1x1x8x128xf32, #tpu.memory_space<vmem>>
        %dma_start3A_1760 = tpu.memref_squeeze %dma_start3A_1759 : memref<1x1x8x128xf32, #tpu.memory_space<vmem>> -> memref<8x128xf32, #tpu.memory_space<vmem>>
        %dma_start3A_1761 = arith.constant 24 : i32
        %dma_start3A_1762 = tpu.memref_slice %arg2[%dma_start3A_1761, %multiple_of3A_1706] : memref<32x1000000xf32, #tpu.memory_space<hbm>> -> memref<8x128xf32, #tpu.memory_space<hbm>>
        tpu.enqueue_dma source(%dma_start3A_1762 : memref<8x128xf32, #tpu.memory_space<hbm>>) target(%dma_start3A_1760 : memref<8x128xf32, #tpu.memory_space<vmem>>) target_semaphore(%arg8 : memref<!tpu.dma_semaphore, #tpu.memory_space<semaphore_mem>>)
        %slice3A_1763 = vector.extract_strided_slice %shift_left3A_1703 {offsets = [1], sizes = [1], strides = [1]} : vector<16xi32> to vector<1xi32>
        %squeeze3A_1764 = vector.extract %slice3A_1763[0] : i32 from vector<1xi32>
        %multiple_of3A_1765 = tpu.assume_multiple %squeeze3A_1764, 128 : i32
        %dma_start3A_1766 = arith.constant 0 : i32
        %dma_start3A_1767 = arith.constant 1 : i32
        %dma_start3A_1768 = arith.constant 0 : i32
        %dma_start3A_1769 = arith.constant 0 : i32
        %dma_start3A_1770 = tpu.memref_slice %arg6[%dma_start3A_1766, %dma_start3A_1767, %dma_start3A_1768, %dma_start3A_1769] : memref<2x8x32x128xf32, #tpu.memory_space<vmem>> -> memref<1x1x8x128xf32, #tpu.memory_space<vmem>>
        %dma_start3A_1771 = tpu.memref_squeeze %dma_start3A_1770 : memref<1x1x8x128xf32, #tpu.memory_space<vmem>> -> memref<8x128xf32, #tpu.memory_space<vmem>>
        %dma_start3A_1772 = arith.constant 0 : i32
        %dma_start3A_1773 = tpu.memref_slice %arg2[%dma_start3A_1772, %multiple_of3A_1765] : memref<32x1000000xf32, #tpu.memory_space<hbm>> -> memref<8x128xf32, #tpu.memory_space<hbm>>
        %dma_start3A_1774 = arith.constant 0 : i32
        %dma_start3A_1775 = arith.constant 0 : i32
        %dma_start3A_1776 = tpu.memref_slice %arg6[%dma_start3A_1766, %dma_start3A_1767, %dma_start3A_1774, %dma_start3A_1775] : memref<2x8x32x128xf32, #tpu.memory_space<vmem>> -> memref<1x1x8x128xf32, #tpu.memory_space<vmem>>
        %dma_start3A_1777 = tpu.memref_squeeze %dma_start3A_1776 : memref<1x1x8x128xf32, #tpu.memory_space<vmem>> -> memref<8x128xf32, #tpu.memory_space<vmem>>
        %dma_start3A_1778 = arith.constant 0 : i32
        %dma_start3A_1779 = tpu.memref_slice %arg2[%dma_start3A_1778, %multiple_of3A_1765] : memref<32x1000000xf32, #tpu.memory_space<hbm>> -> memref<8x128xf32, #tpu.memory_space<hbm>>
        tpu.enqueue_dma source(%dma_start3A_1779 : memref<8x128xf32, #tpu.memory_space<hbm>>) target(%dma_start3A_1777 : memref<8x128xf32, #tpu.memory_space<vmem>>) target_semaphore(%arg8 : memref<!tpu.dma_semaphore, #tpu.memory_space<semaphore_mem>>)
        %dma_start3A_1780 = arith.constant 0 : i32
        %dma_start3A_1781 = arith.constant 1 : i32
        %dma_start3A_1782 = arith.constant 8 : i32
        %dma_start3A_1783 = arith.constant 0 : i32
        %dma_start3A_1784 = tpu.memref_slice %arg6[%dma_start3A_1780, %dma_start3A_1781, %dma_start3A_1782, %dma_start3A_1783] : memref<2x8x32x128xf32, #tpu.memory_space<vmem>> -> memref<1x1x8x128xf32, #tpu.memory_space<vmem>>
        %dma_start3A_1785 = tpu.memref_squeeze %dma_start3A_1784 : memref<1x1x8x128xf32, #tpu.memory_space<vmem>> -> memref<8x128xf32, #tpu.memory_space<vmem>>
        %dma_start3A_1786 = arith.constant 8 : i32
        %dma_start3A_1787 = tpu.memref_slice %arg2[%dma_start3A_1786, %multiple_of3A_1765] : memref<32x1000000xf32, #tpu.memory_space<hbm>> -> memref<8x128xf32, #tpu.memory_space<hbm>>
        %dma_start3A_1788 = arith.constant 8 : i32
        %dma_start3A_1789 = arith.constant 0 : i32
        %dma_start3A_1790 = tpu.memref_slice %arg6[%dma_start3A_1780, %dma_start3A_1781, %dma_start3A_1788, %dma_start3A_1789] : memref<2x8x32x128xf32, #tpu.memory_space<vmem>> -> memref<1x1x8x128xf32, #tpu.memory_space<vmem>>
        %dma_start3A_1791 = tpu.memref_squeeze %dma_start3A_1790 : memref<1x1x8x128xf32, #tpu.memory_space<vmem>> -> memref<8x128xf32, #tpu.memory_space<vmem>>
        %dma_start3A_1792 = arith.constant 8 : i32
        %dma_start3A_1793 = tpu.memref_slice %arg2[%dma_start3A_1792, %multiple_of3A_1765] : memref<32x1000000xf32, #tpu.memory_space<hbm>> -> memref<8x128xf32, #tpu.memory_space<hbm>>
        tpu.enqueue_dma source(%dma_start3A_1793 : memref<8x128xf32, #tpu.memory_space<hbm>>) target(%dma_start3A_1791 : memref<8x128xf32, #tpu.memory_space<vmem>>) target_semaphore(%arg8 : memref<!tpu.dma_semaphore, #tpu.memory_space<semaphore_mem>>)
        %dma_start3A_1794 = arith.constant 0 : i32
        %dma_start3A_1795 = arith.constant 1 : i32
        %dma_start3A_1796 = arith.constant 16 : i32
        %dma_start3A_1797 = arith.constant 0 : i32
        %dma_start3A_1798 = tpu.memref_slice %arg6[%dma_start3A_1794, %dma_start3A_1795, %dma_start3A_1796, %dma_start3A_1797] : memref<2x8x32x128xf32, #tpu.memory_space<vmem>> -> memref<1x1x8x128xf32, #tpu.memory_space<vmem>>
        %dma_start3A_1799 = tpu.memref_squeeze %dma_start3A_1798 : memref<1x1x8x128xf32, #tpu.memory_space<vmem>> -> memref<8x128xf32, #tpu.memory_space<vmem>>
        %dma_start3A_1800 = arith.constant 16 : i32
        %dma_start3A_1801 = tpu.memref_slice %arg2[%dma_start3A_1800, %multiple_of3A_1765] : memref<32x1000000xf32, #tpu.memory_space<hbm>> -> memref<8x128xf32, #tpu.memory_space<hbm>>
        %dma_start3A_1802 = arith.constant 16 : i32
        %dma_start3A_1803 = arith.constant 0 : i32
        %dma_start3A_1804 = tpu.memref_slice %arg6[%dma_start3A_1794, %dma_start3A_1795, %dma_start3A_1802, %dma_start3A_1803] : memref<2x8x32x128xf32, #tpu.memory_space<vmem>> -> memref<1x1x8x128xf32, #tpu.memory_space<vmem>>
        %dma_start3A_1805 = tpu.memref_squeeze %dma_start3A_1804 : memref<1x1x8x128xf32, #tpu.memory_space<vmem>> -> memref<8x128xf32, #tpu.memory_space<vmem>>
        %dma_start3A_1806 = arith.constant 16 : i32
        %dma_start3A_1807 = tpu.memref_slice %arg2[%dma_start3A_1806, %multiple_of3A_1765] : memref<32x1000000xf32, #tpu.memory_space<hbm>> -> memref<8x128xf32, #tpu.memory_space<hbm>>
        tpu.enqueue_dma source(%dma_start3A_1807 : memref<8x128xf32, #tpu.memory_space<hbm>>) target(%dma_start3A_1805 : memref<8x128xf32, #tpu.memory_space<vmem>>) target_semaphore(%arg8 : memref<!tpu.dma_semaphore, #tpu.memory_space<semaphore_mem>>)
        %dma_start3A_1808 = arith.constant 0 : i32
        %dma_start3A_1809 = arith.constant 1 : i32
        %dma_start3A_1810 = arith.constant 24 : i32
        %dma_start3A_1811 = arith.constant 0 : i32
        %dma_start3A_1812 = tpu.memref_slice %arg6[%dma_start3A_1808, %dma_start3A_1809, %dma_start3A_1810, %dma_start3A_1811] : memref<2x8x32x128xf32, #tpu.memory_space<vmem>> -> memref<1x1x8x128xf32, #tpu.memory_space<vmem>>
        %dma_start3A_1813 = tpu.memref_squeeze %dma_start3A_1812 : memref<1x1x8x128xf32, #tpu.memory_space<vmem>> -> memref<8x128xf32, #tpu.memory_space<vmem>>
        %dma_start3A_1814 = arith.constant 24 : i32
        %dma_start3A_1815 = tpu.memref_slice %arg2[%dma_start3A_1814, %multiple_of3A_1765] : memref<32x1000000xf32, #tpu.memory_space<hbm>> -> memref<8x128xf32, #tpu.memory_space<hbm>>
        %dma_start3A_1816 = arith.constant 24 : i32
        %dma_start3A_1817 = arith.constant 0 : i32
        %dma_start3A_1818 = tpu.memref_slice %arg6[%dma_start3A_1808, %dma_start3A_1809, %dma_start3A_1816, %dma_start3A_1817] : memref<2x8x32x128xf32, #tpu.memory_space<vmem>> -> memref<1x1x8x128xf32, #tpu.memory_space<vmem>>
        %dma_start3A_1819 = tpu.memref_squeeze %dma_start3A_1818 : memref<1x1x8x128xf32, #tpu.memory_space<vmem>> -> memref<8x128xf32, #tpu.memory_space<vmem>>
        %dma_start3A_1820 = arith.constant 24 : i32
        %dma_start3A_1821 = tpu.memref_slice %arg2[%dma_start3A_1820, %multiple_of3A_1765] : memref<32x1000000xf32, #tpu.memory_space<hbm>> -> memref<8x128xf32, #tpu.memory_space<hbm>>
        tpu.enqueue_dma source(%dma_start3A_1821 : memref<8x128xf32, #tpu.memory_space<hbm>>) target(%dma_start3A_1819 : memref<8x128xf32, #tpu.memory_space<vmem>>) target_semaphore(%arg8 : memref<!tpu.dma_semaphore, #tpu.memory_space<semaphore_mem>>)
        %slice3A_1822 = vector.extract_strided_slice %shift_left3A_1703 {offsets = [2], sizes = [1], strides = [1]} : vector<16xi32> to vector<1xi32>
        %squeeze3A_1823 = vector.extract %slice3A_1822[0] : i32 from vector<1xi32>
        %multiple_of3A_1824 = tpu.assume_multiple %squeeze3A_1823, 128 : i32
        %dma_start3A_1825 = arith.constant 0 : i32
        %dma_start3A_1826 = arith.constant 2 : i32
        %dma_start3A_1827 = arith.constant 0 : i32
        %dma_start3A_1828 = arith.constant 0 : i32
        %dma_start3A_1829 = tpu.memref_slice %arg6[%dma_start3A_1825, %dma_start3A_1826, %dma_start3A_1827, %dma_start3A_1828] : memref<2x8x32x128xf32, #tpu.memory_space<vmem>> -> memref<1x1x8x128xf32, #tpu.memory_space<vmem>>
        %dma_start3A_1830 = tpu.memref_squeeze %dma_start3A_1829 : memref<1x1x8x128xf32, #tpu.memory_space<vmem>> -> memref<8x128xf32, #tpu.memory_space<vmem>>
        %dma_start3A_1831 = arith.constant 0 : i32
        %dma_start3A_1832 = tpu.memref_slice %arg2[%dma_start3A_1831, %multiple_of3A_1824] : memref<32x1000000xf32, #tpu.memory_space<hbm>> -> memref<8x128xf32, #tpu.memory_space<hbm>>
        %dma_start3A_1833 = arith.constant 0 : i32
        %dma_start3A_1834 = arith.constant 0 : i32
        %dma_start3A_1835 = tpu.memref_slice %arg6[%dma_start3A_1825, %dma_start3A_1826, %dma_start3A_1833, %dma_start3A_1834] : memref<2x8x32x128xf32, #tpu.memory_space<vmem>> -> memref<1x1x8x128xf32, #tpu.memory_space<vmem>>
        %dma_start3A_1836 = tpu.memref_squeeze %dma_start3A_1835 : memref<1x1x8x128xf32, #tpu.memory_space<vmem>> -> memref<8x128xf32, #tpu.memory_space<vmem>>
        %dma_start3A_1837 = arith.constant 0 : i32
        %dma_start3A_1838 = tpu.memref_slice %arg2[%dma_start3A_1837, %multiple_of3A_1824] : memref<32x1000000xf32, #tpu.memory_space<hbm>> -> memref<8x128xf32, #tpu.memory_space<hbm>>
        tpu.enqueue_dma source(%dma_start3A_1838 : memref<8x128xf32, #tpu.memory_space<hbm>>) target(%dma_start3A_1836 : memref<8x128xf32, #tpu.memory_space<vmem>>) target_semaphore(%arg8 : memref<!tpu.dma_semaphore, #tpu.memory_space<semaphore_mem>>)
        %dma_start3A_1839 = arith.constant 0 : i32
        %dma_start3A_1840 = arith.constant 2 : i32
        %dma_start3A_1841 = arith.constant 8 : i32
        %dma_start3A_1842 = arith.constant 0 : i32
        %dma_start3A_1843 = tpu.memref_slice %arg6[%dma_start3A_1839, %dma_start3A_1840, %dma_start3A_1841, %dma_start3A_1842] : memref<2x8x32x128xf32, #tpu.memory_space<vmem>> -> memref<1x1x8x128xf32, #tpu.memory_space<vmem>>
        %dma_start3A_1844 = tpu.memref_squeeze %dma_start3A_1843 : memref<1x1x8x128xf32, #tpu.memory_space<vmem>> -> memref<8x128xf32, #tpu.memory_space<vmem>>
        %dma_start3A_1845 = arith.constant 8 : i32
        %dma_start3A_1846 = tpu.memref_slice %arg2[%dma_start3A_1845, %multiple_of3A_1824] : memref<32x1000000xf32, #tpu.memory_space<hbm>> -> memref<8x128xf32, #tpu.memory_space<hbm>>
        %dma_start3A_1847 = arith.constant 8 : i32
        %dma_start3A_1848 = arith.constant 0 : i32
        %dma_start3A_1849 = tpu.memref_slice %arg6[%dma_start3A_1839, %dma_start3A_1840, %dma_start3A_1847, %dma_start3A_1848] : memref<2x8x32x128xf32, #tpu.memory_space<vmem>> -> memref<1x1x8x128xf32, #tpu.memory_space<vmem>>
        %dma_start3A_1850 = tpu.memref_squeeze %dma_start3A_1849 : memref<1x1x8x128xf32, #tpu.memory_space<vmem>> -> memref<8x128xf32, #tpu.memory_space<vmem>>
        %dma_start3A_1851 = arith.constant 8 : i32
        %dma_start3A_1852 = tpu.memref_slice %arg2[%dma_start3A_1851, %multiple_of3A_1824] : memref<32x1000000xf32, #tpu.memory_space<hbm>> -> memref<8x128xf32, #tpu.memory_space<hbm>>
        tpu.enqueue_dma source(%dma_start3A_1852 : memref<8x128xf32, #tpu.memory_space<hbm>>) target(%dma_start3A_1850 : memref<8x128xf32, #tpu.memory_space<vmem>>) target_semaphore(%arg8 : memref<!tpu.dma_semaphore, #tpu.memory_space<semaphore_mem>>)
        %dma_start3A_1853 = arith.constant 0 : i32
        %dma_start3A_1854 = arith.constant 2 : i32
        %dma_start3A_1855 = arith.constant 16 : i32
        %dma_start3A_1856 = arith.constant 0 : i32
        %dma_start3A_1857 = tpu.memref_slice %arg6[%dma_start3A_1853, %dma_start3A_1854, %dma_start3A_1855, %dma_start3A_1856] : memref<2x8x32x128xf32, #tpu.memory_space<vmem>> -> memref<1x1x8x128xf32, #tpu.memory_space<vmem>>
        %dma_start3A_1858 = tpu.memref_squeeze %dma_start3A_1857 : memref<1x1x8x128xf32, #tpu.memory_space<vmem>> -> memref<8x128xf32, #tpu.memory_space<vmem>>
        %dma_start3A_1859 = arith.constant 16 : i32
        %dma_start3A_1860 = tpu.memref_slice %arg2[%dma_start3A_1859, %multiple_of3A_1824] : memref<32x1000000xf32, #tpu.memory_space<hbm>> -> memref<8x128xf32, #tpu.memory_space<hbm>>
        %dma_start3A_1861 = arith.constant 16 : i32
        %dma_start3A_1862 = arith.constant 0 : i32
        %dma_start3A_1863 = tpu.memref_slice %arg6[%dma_start3A_1853, %dma_start3A_1854, %dma_start3A_1861, %dma_start3A_1862] : memref<2x8x32x128xf32, #tpu.memory_space<vmem>> -> memref<1x1x8x128xf32, #tpu.memory_space<vmem>>
        %dma_start3A_1864 = tpu.memref_squeeze %dma_start3A_1863 : memref<1x1x8x128xf32, #tpu.memory_space<vmem>> -> memref<8x128xf32, #tpu.memory_space<vmem>>
        %dma_start3A_1865 = arith.constant 16 : i32
        %dma_start3A_1866 = tpu.memref_slice %arg2[%dma_start3A_1865, %multiple_of3A_1824] : memref<32x1000000xf32, #tpu.memory_space<hbm>> -> memref<8x128xf32, #tpu.memory_space<hbm>>
        tpu.enqueue_dma source(%dma_start3A_1866 : memref<8x128xf32, #tpu.memory_space<hbm>>) target(%dma_start3A_1864 : memref<8x128xf32, #tpu.memory_space<vmem>>) target_semaphore(%arg8 : memref<!tpu.dma_semaphore, #tpu.memory_space<semaphore_mem>>)
        %dma_start3A_1867 = arith.constant 0 : i32
        %dma_start3A_1868 = arith.constant 2 : i32
        %dma_start3A_1869 = arith.constant 24 : i32
        %dma_start3A_1870 = arith.constant 0 : i32
        %dma_start3A_1871 = tpu.memref_slice %arg6[%dma_start3A_1867, %dma_start3A_1868, %dma_start3A_1869, %dma_start3A_1870] : memref<2x8x32x128xf32, #tpu.memory_space<vmem>> -> memref<1x1x8x128xf32, #tpu.memory_space<vmem>>
        %dma_start3A_1872 = tpu.memref_squeeze %dma_start3A_1871 : memref<1x1x8x128xf32, #tpu.memory_space<vmem>> -> memref<8x128xf32, #tpu.memory_space<vmem>>
        %dma_start3A_1873 = arith.constant 24 : i32
        %dma_start3A_1874 = tpu.memref_slice %arg2[%dma_start3A_1873, %multiple_of3A_1824] : memref<32x1000000xf32, #tpu.memory_space<hbm>> -> memref<8x128xf32, #tpu.memory_space<hbm>>
        %dma_start3A_1875 = arith.constant 24 : i32
        %dma_start3A_1876 = arith.constant 0 : i32
        %dma_start3A_1877 = tpu.memref_slice %arg6[%dma_start3A_1867, %dma_start3A_1868, %dma_start3A_1875, %dma_start3A_1876] : memref<2x8x32x128xf32, #tpu.memory_space<vmem>> -> memref<1x1x8x128xf32, #tpu.memory_space<vmem>>
        %dma_start3A_1878 = tpu.memref_squeeze %dma_start3A_1877 : memref<1x1x8x128xf32, #tpu.memory_space<vmem>> -> memref<8x128xf32, #tpu.memory_space<vmem>>
        %dma_start3A_1879 = arith.constant 24 : i32
        %dma_start3A_1880 = tpu.memref_slice %arg2[%dma_start3A_1879, %multiple_of3A_1824] : memref<32x1000000xf32, #tpu.memory_space<hbm>> -> memref<8x128xf32, #tpu.memory_space<hbm>>
        tpu.enqueue_dma source(%dma_start3A_1880 : memref<8x128xf32, #tpu.memory_space<hbm>>) target(%dma_start3A_1878 : memref<8x128xf32, #tpu.memory_space<vmem>>) target_semaphore(%arg8 : memref<!tpu.dma_semaphore, #tpu.memory_space<semaphore_mem>>)
        %slice3A_1881 = vector.extract_strided_slice %shift_left3A_1703 {offsets = [3], sizes = [1], strides = [1]} : vector<16xi32> to vector<1xi32>
        %squeeze3A_1882 = vector.extract %slice3A_1881[0] : i32 from vector<1xi32>
        %multiple_of3A_1883 = tpu.assume_multiple %squeeze3A_1882, 128 : i32
        %dma_start3A_1884 = arith.constant 0 : i32
        %dma_start3A_1885 = arith.constant 3 : i32
        %dma_start3A_1886 = arith.constant 0 : i32
        %dma_start3A_1887 = arith.constant 0 : i32
        %dma_start3A_1888 = tpu.memref_slice %arg6[%dma_start3A_1884, %dma_start3A_1885, %dma_start3A_1886, %dma_start3A_1887] : memref<2x8x32x128xf32, #tpu.memory_space<vmem>> -> memref<1x1x8x128xf32, #tpu.memory_space<vmem>>
        %dma_start3A_1889 = tpu.memref_squeeze %dma_start3A_1888 : memref<1x1x8x128xf32, #tpu.memory_space<vmem>> -> memref<8x128xf32, #tpu.memory_space<vmem>>
        %dma_start3A_1890 = arith.constant 0 : i32
        %dma_start3A_1891 = tpu.memref_slice %arg2[%dma_start3A_1890, %multiple_of3A_1883] : memref<32x1000000xf32, #tpu.memory_space<hbm>> -> memref<8x128xf32, #tpu.memory_space<hbm>>
        %dma_start3A_1892 = arith.constant 0 : i32
        %dma_start3A_1893 = arith.constant 0 : i32
        %dma_start3A_1894 = tpu.memref_slice %arg6[%dma_start3A_1884, %dma_start3A_1885, %dma_start3A_1892, %dma_start3A_1893] : memref<2x8x32x128xf32, #tpu.memory_space<vmem>> -> memref<1x1x8x128xf32, #tpu.memory_space<vmem>>
        %dma_start3A_1895 = tpu.memref_squeeze %dma_start3A_1894 : memref<1x1x8x128xf32, #tpu.memory_space<vmem>> -> memref<8x128xf32, #tpu.memory_space<vmem>>
        %dma_start3A_1896 = arith.constant 0 : i32
        %dma_start3A_1897 = tpu.memref_slice %arg2[%dma_start3A_1896, %multiple_of3A_1883] : memref<32x1000000xf32, #tpu.memory_space<hbm>> -> memref<8x128xf32, #tpu.memory_space<hbm>>
        tpu.enqueue_dma source(%dma_start3A_1897 : memref<8x128xf32, #tpu.memory_space<hbm>>) target(%dma_start3A_1895 : memref<8x128xf32, #tpu.memory_space<vmem>>) target_semaphore(%arg8 : memref<!tpu.dma_semaphore, #tpu.memory_space<semaphore_mem>>)
        %dma_start3A_1898 = arith.constant 0 : i32
        %dma_start3A_1899 = arith.constant 3 : i32
        %dma_start3A_1900 = arith.constant 8 : i32
        %dma_start3A_1901 = arith.constant 0 : i32
        %dma_start3A_1902 = tpu.memref_slice %arg6[%dma_start3A_1898, %dma_start3A_1899, %dma_start3A_1900, %dma_start3A_1901] : memref<2x8x32x128xf32, #tpu.memory_space<vmem>> -> memref<1x1x8x128xf32, #tpu.memory_space<vmem>>
        %dma_start3A_1903 = tpu.memref_squeeze %dma_start3A_1902 : memref<1x1x8x128xf32, #tpu.memory_space<vmem>> -> memref<8x128xf32, #tpu.memory_space<vmem>>
        %dma_start3A_1904 = arith.constant 8 : i32
        %dma_start3A_1905 = tpu.memref_slice %arg2[%dma_start3A_1904, %multiple_of3A_1883] : memref<32x1000000xf32, #tpu.memory_space<hbm>> -> memref<8x128xf32, #tpu.memory_space<hbm>>
        %dma_start3A_1906 = arith.constant 8 : i32
        %dma_start3A_1907 = arith.constant 0 : i32
        %dma_start3A_1908 = tpu.memref_slice %arg6[%dma_start3A_1898, %dma_start3A_1899, %dma_start3A_1906, %dma_start3A_1907] : memref<2x8x32x128xf32, #tpu.memory_space<vmem>> -> memref<1x1x8x128xf32, #tpu.memory_space<vmem>>
        %dma_start3A_1909 = tpu.memref_squeeze %dma_start3A_1908 : memref<1x1x8x128xf32, #tpu.memory_space<vmem>> -> memref<8x128xf32, #tpu.memory_space<vmem>>
        %dma_start3A_1910 = arith.constant 8 : i32
        %dma_start3A_1911 = tpu.memref_slice %arg2[%dma_start3A_1910, %multiple_of3A_1883] : memref<32x1000000xf32, #tpu.memory_space<hbm>> -> memref<8x128xf32, #tpu.memory_space<hbm>>
        tpu.enqueue_dma source(%dma_start3A_1911 : memref<8x128xf32, #tpu.memory_space<hbm>>) target(%dma_start3A_1909 : memref<8x128xf32, #tpu.memory_space<vmem>>) target_semaphore(%arg8 : memref<!tpu.dma_semaphore, #tpu.memory_space<semaphore_mem>>)
        %dma_start3A_1912 = arith.constant 0 : i32
        %dma_start3A_1913 = arith.constant 3 : i32
        %dma_start3A_1914 = arith.constant 16 : i32
        %dma_start3A_1915 = arith.constant 0 : i32
        %dma_start3A_1916 = tpu.memref_slice %arg6[%dma_start3A_1912, %dma_start3A_1913, %dma_start3A_1914, %dma_start3A_1915] : memref<2x8x32x128xf32, #tpu.memory_space<vmem>> -> memref<1x1x8x128xf32, #tpu.memory_space<vmem>>
        %dma_start3A_1917 = tpu.memref_squeeze %dma_start3A_1916 : memref<1x1x8x128xf32, #tpu.memory_space<vmem>> -> memref<8x128xf32, #tpu.memory_space<vmem>>
        %dma_start3A_1918 = arith.constant 16 : i32
        %dma_start3A_1919 = tpu.memref_slice %arg2[%dma_start3A_1918, %multiple_of3A_1883] : memref<32x1000000xf32, #tpu.memory_space<hbm>> -> memref<8x128xf32, #tpu.memory_space<hbm>>
        %dma_start3A_1920 = arith.constant 16 : i32
        %dma_start3A_1921 = arith.constant 0 : i32
        %dma_start3A_1922 = tpu.memref_slice %arg6[%dma_start3A_1912, %dma_start3A_1913, %dma_start3A_1920, %dma_start3A_1921] : memref<2x8x32x128xf32, #tpu.memory_space<vmem>> -> memref<1x1x8x128xf32, #tpu.memory_space<vmem>>
        %dma_start3A_1923 = tpu.memref_squeeze %dma_start3A_1922 : memref<1x1x8x128xf32, #tpu.memory_space<vmem>> -> memref<8x128xf32, #tpu.memory_space<vmem>>
        %dma_start3A_1924 = arith.constant 16 : i32
        %dma_start3A_1925 = tpu.memref_slice %arg2[%dma_start3A_1924, %multiple_of3A_1883] : memref<32x1000000xf32, #tpu.memory_space<hbm>> -> memref<8x128xf32, #tpu.memory_space<hbm>>
        tpu.enqueue_dma source(%dma_start3A_1925 : memref<8x128xf32, #tpu.memory_space<hbm>>) target(%dma_start3A_1923 : memref<8x128xf32, #tpu.memory_space<vmem>>) target_semaphore(%arg8 : memref<!tpu.dma_semaphore, #tpu.memory_space<semaphore_mem>>)
        %dma_start3A_1926 = arith.constant 0 : i32
        %dma_start3A_1927 = arith.constant 3 : i32
        %dma_start3A_1928 = arith.constant 24 : i32
        %dma_start3A_1929 = arith.constant 0 : i32
        %dma_start3A_1930 = tpu.memref_slice %arg6[%dma_start3A_1926, %dma_start3A_1927, %dma_start3A_1928, %dma_start3A_1929] : memref<2x8x32x128xf32, #tpu.memory_space<vmem>> -> memref<1x1x8x128xf32, #tpu.memory_space<vmem>>
        %dma_start3A_1931 = tpu.memref_squeeze %dma_start3A_1930 : memref<1x1x8x128xf32, #tpu.memory_space<vmem>> -> memref<8x128xf32, #tpu.memory_space<vmem>>
        %dma_start3A_1932 = arith.constant 24 : i32
        %dma_start3A_1933 = tpu.memref_slice %arg2[%dma_start3A_1932, %multiple_of3A_1883] : memref<32x1000000xf32, #tpu.memory_space<hbm>> -> memref<8x128xf32, #tpu.memory_space<hbm>>
        %dma_start3A_1934 = arith.constant 24 : i32
        %dma_start3A_1935 = arith.constant 0 : i32
        %dma_start3A_1936 = tpu.memref_slice %arg6[%dma_start3A_1926, %dma_start3A_1927, %dma_start3A_1934, %dma_start3A_1935] : memref<2x8x32x128xf32, #tpu.memory_space<vmem>> -> memref<1x1x8x128xf32, #tpu.memory_space<vmem>>
        %dma_start3A_1937 = tpu.memref_squeeze %dma_start3A_1936 : memref<1x1x8x128xf32, #tpu.memory_space<vmem>> -> memref<8x128xf32, #tpu.memory_space<vmem>>
        %dma_start3A_1938 = arith.constant 24 : i32
        %dma_start3A_1939 = tpu.memref_slice %arg2[%dma_start3A_1938, %multiple_of3A_1883] : memref<32x1000000xf32, #tpu.memory_space<hbm>> -> memref<8x128xf32, #tpu.memory_space<hbm>>
        tpu.enqueue_dma source(%dma_start3A_1939 : memref<8x128xf32, #tpu.memory_space<hbm>>) target(%dma_start3A_1937 : memref<8x128xf32, #tpu.memory_space<vmem>>) target_semaphore(%arg8 : memref<!tpu.dma_semaphore, #tpu.memory_space<semaphore_mem>>)
        %slice3A_1940 = vector.extract_strided_slice %shift_left3A_1703 {offsets = [4], sizes = [1], strides = [1]} : vector<16xi32> to vector<1xi32>
        %squeeze3A_1941 = vector.extract %slice3A_1940[0] : i32 from vector<1xi32>
        %multiple_of3A_1942 = tpu.assume_multiple %squeeze3A_1941, 128 : i32
        %dma_start3A_1943 = arith.constant 0 : i32
        %dma_start3A_1944 = arith.constant 4 : i32
        %dma_start3A_1945 = arith.constant 0 : i32
        %dma_start3A_1946 = arith.constant 0 : i32
        %dma_start3A_1947 = tpu.memref_slice %arg6[%dma_start3A_1943, %dma_start3A_1944, %dma_start3A_1945, %dma_start3A_1946] : memref<2x8x32x128xf32, #tpu.memory_space<vmem>> -> memref<1x1x8x128xf32, #tpu.memory_space<vmem>>
        %dma_start3A_1948 = tpu.memref_squeeze %dma_start3A_1947 : memref<1x1x8x128xf32, #tpu.memory_space<vmem>> -> memref<8x128xf32, #tpu.memory_space<vmem>>
        %dma_start3A_1949 = arith.constant 0 : i32
        %dma_start3A_1950 = tpu.memref_slice %arg2[%dma_start3A_1949, %multiple_of3A_1942] : memref<32x1000000xf32, #tpu.memory_space<hbm>> -> memref<8x128xf32, #tpu.memory_space<hbm>>
        %dma_start3A_1951 = arith.constant 0 : i32
        %dma_start3A_1952 = arith.constant 0 : i32
        %dma_start3A_1953 = tpu.memref_slice %arg6[%dma_start3A_1943, %dma_start3A_1944, %dma_start3A_1951, %dma_start3A_1952] : memref<2x8x32x128xf32, #tpu.memory_space<vmem>> -> memref<1x1x8x128xf32, #tpu.memory_space<vmem>>
        %dma_start3A_1954 = tpu.memref_squeeze %dma_start3A_1953 : memref<1x1x8x128xf32, #tpu.memory_space<vmem>> -> memref<8x128xf32, #tpu.memory_space<vmem>>
        %dma_start3A_1955 = arith.constant 0 : i32
        %dma_start3A_1956 = tpu.memref_slice %arg2[%dma_start3A_1955, %multiple_of3A_1942] : memref<32x1000000xf32, #tpu.memory_space<hbm>> -> memref<8x128xf32, #tpu.memory_space<hbm>>
        tpu.enqueue_dma source(%dma_start3A_1956 : memref<8x128xf32, #tpu.memory_space<hbm>>) target(%dma_start3A_1954 : memref<8x128xf32, #tpu.memory_space<vmem>>) target_semaphore(%arg8 : memref<!tpu.dma_semaphore, #tpu.memory_space<semaphore_mem>>)
        %dma_start3A_1957 = arith.constant 0 : i32
        %dma_start3A_1958 = arith.constant 4 : i32
        %dma_start3A_1959 = arith.constant 8 : i32
        %dma_start3A_1960 = arith.constant 0 : i32
        %dma_start3A_1961 = tpu.memref_slice %arg6[%dma_start3A_1957, %dma_start3A_1958, %dma_start3A_1959, %dma_start3A_1960] : memref<2x8x32x128xf32, #tpu.memory_space<vmem>> -> memref<1x1x8x128xf32, #tpu.memory_space<vmem>>
        %dma_start3A_1962 = tpu.memref_squeeze %dma_start3A_1961 : memref<1x1x8x128xf32, #tpu.memory_space<vmem>> -> memref<8x128xf32, #tpu.memory_space<vmem>>
        %dma_start3A_1963 = arith.constant 8 : i32
        %dma_start3A_1964 = tpu.memref_slice %arg2[%dma_start3A_1963, %multiple_of3A_1942] : memref<32x1000000xf32, #tpu.memory_space<hbm>> -> memref<8x128xf32, #tpu.memory_space<hbm>>
        %dma_start3A_1965 = arith.constant 8 : i32
        %dma_start3A_1966 = arith.constant 0 : i32
        %dma_start3A_1967 = tpu.memref_slice %arg6[%dma_start3A_1957, %dma_start3A_1958, %dma_start3A_1965, %dma_start3A_1966] : memref<2x8x32x128xf32, #tpu.memory_space<vmem>> -> memref<1x1x8x128xf32, #tpu.memory_space<vmem>>
        %dma_start3A_1968 = tpu.memref_squeeze %dma_start3A_1967 : memref<1x1x8x128xf32, #tpu.memory_space<vmem>> -> memref<8x128xf32, #tpu.memory_space<vmem>>
        %dma_start3A_1969 = arith.constant 8 : i32
        %dma_start3A_1970 = tpu.memref_slice %arg2[%dma_start3A_1969, %multiple_of3A_1942] : memref<32x1000000xf32, #tpu.memory_space<hbm>> -> memref<8x128xf32, #tpu.memory_space<hbm>>
        tpu.enqueue_dma source(%dma_start3A_1970 : memref<8x128xf32, #tpu.memory_space<hbm>>) target(%dma_start3A_1968 : memref<8x128xf32, #tpu.memory_space<vmem>>) target_semaphore(%arg8 : memref<!tpu.dma_semaphore, #tpu.memory_space<semaphore_mem>>)
        %dma_start3A_1971 = arith.constant 0 : i32
        %dma_start3A_1972 = arith.constant 4 : i32
        %dma_start3A_1973 = arith.constant 16 : i32
        %dma_start3A_1974 = arith.constant 0 : i32
        %dma_start3A_1975 = tpu.memref_slice %arg6[%dma_start3A_1971, %dma_start3A_1972, %dma_start3A_1973, %dma_start3A_1974] : memref<2x8x32x128xf32, #tpu.memory_space<vmem>> -> memref<1x1x8x128xf32, #tpu.memory_space<vmem>>
        %dma_start3A_1976 = tpu.memref_squeeze %dma_start3A_1975 : memref<1x1x8x128xf32, #tpu.memory_space<vmem>> -> memref<8x128xf32, #tpu.memory_space<vmem>>
        %dma_start3A_1977 = arith.constant 16 : i32
        %dma_start3A_1978 = tpu.memref_slice %arg2[%dma_start3A_1977, %multiple_of3A_1942] : memref<32x1000000xf32, #tpu.memory_space<hbm>> -> memref<8x128xf32, #tpu.memory_space<hbm>>
        %dma_start3A_1979 = arith.constant 16 : i32
        %dma_start3A_1980 = arith.constant 0 : i32
        %dma_start3A_1981 = tpu.memref_slice %arg6[%dma_start3A_1971, %dma_start3A_1972, %dma_start3A_1979, %dma_start3A_1980] : memref<2x8x32x128xf32, #tpu.memory_space<vmem>> -> memref<1x1x8x128xf32, #tpu.memory_space<vmem>>
        %dma_start3A_1982 = tpu.memref_squeeze %dma_start3A_1981 : memref<1x1x8x128xf32, #tpu.memory_space<vmem>> -> memref<8x128xf32, #tpu.memory_space<vmem>>
        %dma_start3A_1983 = arith.constant 16 : i32
        %dma_start3A_1984 = tpu.memref_slice %arg2[%dma_start3A_1983, %multiple_of3A_1942] : memref<32x1000000xf32, #tpu.memory_space<hbm>> -> memref<8x128xf32, #tpu.memory_space<hbm>>
        tpu.enqueue_dma source(%dma_start3A_1984 : memref<8x128xf32, #tpu.memory_space<hbm>>) target(%dma_start3A_1982 : memref<8x128xf32, #tpu.memory_space<vmem>>) target_semaphore(%arg8 : memref<!tpu.dma_semaphore, #tpu.memory_space<semaphore_mem>>)
        %dma_start3A_1985 = arith.constant 0 : i32
        %dma_start3A_1986 = arith.constant 4 : i32
        %dma_start3A_1987 = arith.constant 24 : i32
        %dma_start3A_1988 = arith.constant 0 : i32
        %dma_start3A_1989 = tpu.memref_slice %arg6[%dma_start3A_1985, %dma_start3A_1986, %dma_start3A_1987, %dma_start3A_1988] : memref<2x8x32x128xf32, #tpu.memory_space<vmem>> -> memref<1x1x8x128xf32, #tpu.memory_space<vmem>>
        %dma_start3A_1990 = tpu.memref_squeeze %dma_start3A_1989 : memref<1x1x8x128xf32, #tpu.memory_space<vmem>> -> memref<8x128xf32, #tpu.memory_space<vmem>>
        %dma_start3A_1991 = arith.constant 24 : i32
        %dma_start3A_1992 = tpu.memref_slice %arg2[%dma_start3A_1991, %multiple_of3A_1942] : memref<32x1000000xf32, #tpu.memory_space<hbm>> -> memref<8x128xf32, #tpu.memory_space<hbm>>
        %dma_start3A_1993 = arith.constant 24 : i32
        %dma_start3A_1994 = arith.constant 0 : i32
        %dma_start3A_1995 = tpu.memref_slice %arg6[%dma_start3A_1985, %dma_start3A_1986, %dma_start3A_1993, %dma_start3A_1994] : memref<2x8x32x128xf32, #tpu.memory_space<vmem>> -> memref<1x1x8x128xf32, #tpu.memory_space<vmem>>
        %dma_start3A_1996 = tpu.memref_squeeze %dma_start3A_1995 : memref<1x1x8x128xf32, #tpu.memory_space<vmem>> -> memref<8x128xf32, #tpu.memory_space<vmem>>
        %dma_start3A_1997 = arith.constant 24 : i32
        %dma_start3A_1998 = tpu.memref_slice %arg2[%dma_start3A_1997, %multiple_of3A_1942] : memref<32x1000000xf32, #tpu.memory_space<hbm>> -> memref<8x128xf32, #tpu.memory_space<hbm>>
        tpu.enqueue_dma source(%dma_start3A_1998 : memref<8x128xf32, #tpu.memory_space<hbm>>) target(%dma_start3A_1996 : memref<8x128xf32, #tpu.memory_space<vmem>>) target_semaphore(%arg8 : memref<!tpu.dma_semaphore, #tpu.memory_space<semaphore_mem>>)
        %slice3A_1999 = vector.extract_strided_slice %shift_left3A_1703 {offsets = [5], sizes = [1], strides = [1]} : vector<16xi32> to vector<1xi32>
        %squeeze3A_2000 = vector.extract %slice3A_1999[0] : i32 from vector<1xi32>
        %multiple_of3A_2001 = tpu.assume_multiple %squeeze3A_2000, 128 : i32
        %dma_start3A_2002 = arith.constant 0 : i32
        %dma_start3A_2003 = arith.constant 5 : i32
        %dma_start3A_2004 = arith.constant 0 : i32
        %dma_start3A_2005 = arith.constant 0 : i32
        %dma_start3A_2006 = tpu.memref_slice %arg6[%dma_start3A_2002, %dma_start3A_2003, %dma_start3A_2004, %dma_start3A_2005] : memref<2x8x32x128xf32, #tpu.memory_space<vmem>> -> memref<1x1x8x128xf32, #tpu.memory_space<vmem>>
        %dma_start3A_2007 = tpu.memref_squeeze %dma_start3A_2006 : memref<1x1x8x128xf32, #tpu.memory_space<vmem>> -> memref<8x128xf32, #tpu.memory_space<vmem>>
        %dma_start3A_2008 = arith.constant 0 : i32
        %dma_start3A_2009 = tpu.memref_slice %arg2[%dma_start3A_2008, %multiple_of3A_2001] : memref<32x1000000xf32, #tpu.memory_space<hbm>> -> memref<8x128xf32, #tpu.memory_space<hbm>>
        %dma_start3A_2010 = arith.constant 0 : i32
        %dma_start3A_2011 = arith.constant 0 : i32
        %dma_start3A_2012 = tpu.memref_slice %arg6[%dma_start3A_2002, %dma_start3A_2003, %dma_start3A_2010, %dma_start3A_2011] : memref<2x8x32x128xf32, #tpu.memory_space<vmem>> -> memref<1x1x8x128xf32, #tpu.memory_space<vmem>>
        %dma_start3A_2013 = tpu.memref_squeeze %dma_start3A_2012 : memref<1x1x8x128xf32, #tpu.memory_space<vmem>> -> memref<8x128xf32, #tpu.memory_space<vmem>>
        %dma_start3A_2014 = arith.constant 0 : i32
        %dma_start3A_2015 = tpu.memref_slice %arg2[%dma_start3A_2014, %multiple_of3A_2001] : memref<32x1000000xf32, #tpu.memory_space<hbm>> -> memref<8x128xf32, #tpu.memory_space<hbm>>
        tpu.enqueue_dma source(%dma_start3A_2015 : memref<8x128xf32, #tpu.memory_space<hbm>>) target(%dma_start3A_2013 : memref<8x128xf32, #tpu.memory_space<vmem>>) target_semaphore(%arg8 : memref<!tpu.dma_semaphore, #tpu.memory_space<semaphore_mem>>)
        %dma_start3A_2016 = arith.constant 0 : i32
        %dma_start3A_2017 = arith.constant 5 : i32
        %dma_start3A_2018 = arith.constant 8 : i32
        %dma_start3A_2019 = arith.constant 0 : i32
        %dma_start3A_2020 = tpu.memref_slice %arg6[%dma_start3A_2016, %dma_start3A_2017, %dma_start3A_2018, %dma_start3A_2019] : memref<2x8x32x128xf32, #tpu.memory_space<vmem>> -> memref<1x1x8x128xf32, #tpu.memory_space<vmem>>
        %dma_start3A_2021 = tpu.memref_squeeze %dma_start3A_2020 : memref<1x1x8x128xf32, #tpu.memory_space<vmem>> -> memref<8x128xf32, #tpu.memory_space<vmem>>
        %dma_start3A_2022 = arith.constant 8 : i32
        %dma_start3A_2023 = tpu.memref_slice %arg2[%dma_start3A_2022, %multiple_of3A_2001] : memref<32x1000000xf32, #tpu.memory_space<hbm>> -> memref<8x128xf32, #tpu.memory_space<hbm>>
        %dma_start3A_2024 = arith.constant 8 : i32
        %dma_start3A_2025 = arith.constant 0 : i32
        %dma_start3A_2026 = tpu.memref_slice %arg6[%dma_start3A_2016, %dma_start3A_2017, %dma_start3A_2024, %dma_start3A_2025] : memref<2x8x32x128xf32, #tpu.memory_space<vmem>> -> memref<1x1x8x128xf32, #tpu.memory_space<vmem>>
        %dma_start3A_2027 = tpu.memref_squeeze %dma_start3A_2026 : memref<1x1x8x128xf32, #tpu.memory_space<vmem>> -> memref<8x128xf32, #tpu.memory_space<vmem>>
        %dma_start3A_2028 = arith.constant 8 : i32
        %dma_start3A_2029 = tpu.memref_slice %arg2[%dma_start3A_2028, %multiple_of3A_2001] : memref<32x1000000xf32, #tpu.memory_space<hbm>> -> memref<8x128xf32, #tpu.memory_space<hbm>>
        tpu.enqueue_dma source(%dma_start3A_2029 : memref<8x128xf32, #tpu.memory_space<hbm>>) target(%dma_start3A_2027 : memref<8x128xf32, #tpu.memory_space<vmem>>) target_semaphore(%arg8 : memref<!tpu.dma_semaphore, #tpu.memory_space<semaphore_mem>>)
        %dma_start3A_2030 = arith.constant 0 : i32
        %dma_start3A_2031 = arith.constant 5 : i32
        %dma_start3A_2032 = arith.constant 16 : i32
        %dma_start3A_2033 = arith.constant 0 : i32
        %dma_start3A_2034 = tpu.memref_slice %arg6[%dma_start3A_2030, %dma_start3A_2031, %dma_start3A_2032, %dma_start3A_2033] : memref<2x8x32x128xf32, #tpu.memory_space<vmem>> -> memref<1x1x8x128xf32, #tpu.memory_space<vmem>>
        %dma_start3A_2035 = tpu.memref_squeeze %dma_start3A_2034 : memref<1x1x8x128xf32, #tpu.memory_space<vmem>> -> memref<8x128xf32, #tpu.memory_space<vmem>>
        %dma_start3A_2036 = arith.constant 16 : i32
        %dma_start3A_2037 = tpu.memref_slice %arg2[%dma_start3A_2036, %multiple_of3A_2001] : memref<32x1000000xf32, #tpu.memory_space<hbm>> -> memref<8x128xf32, #tpu.memory_space<hbm>>
        %dma_start3A_2038 = arith.constant 16 : i32
        %dma_start3A_2039 = arith.constant 0 : i32
        %dma_start3A_2040 = tpu.memref_slice %arg6[%dma_start3A_2030, %dma_start3A_2031, %dma_start3A_2038, %dma_start3A_2039] : memref<2x8x32x128xf32, #tpu.memory_space<vmem>> -> memref<1x1x8x128xf32, #tpu.memory_space<vmem>>
        %dma_start3A_2041 = tpu.memref_squeeze %dma_start3A_2040 : memref<1x1x8x128xf32, #tpu.memory_space<vmem>> -> memref<8x128xf32, #tpu.memory_space<vmem>>
        %dma_start3A_2042 = arith.constant 16 : i32
        %dma_start3A_2043 = tpu.memref_slice %arg2[%dma_start3A_2042, %multiple_of3A_2001] : memref<32x1000000xf32, #tpu.memory_space<hbm>> -> memref<8x128xf32, #tpu.memory_space<hbm>>
        tpu.enqueue_dma source(%dma_start3A_2043 : memref<8x128xf32, #tpu.memory_space<hbm>>) target(%dma_start3A_2041 : memref<8x128xf32, #tpu.memory_space<vmem>>) target_semaphore(%arg8 : memref<!tpu.dma_semaphore, #tpu.memory_space<semaphore_mem>>)
        %dma_start3A_2044 = arith.constant 0 : i32
        %dma_start3A_2045 = arith.constant 5 : i32
        %dma_start3A_2046 = arith.constant 24 : i32
        %dma_start3A_2047 = arith.constant 0 : i32
        %dma_start3A_2048 = tpu.memref_slice %arg6[%dma_start3A_2044, %dma_start3A_2045, %dma_start3A_2046, %dma_start3A_2047] : memref<2x8x32x128xf32, #tpu.memory_space<vmem>> -> memref<1x1x8x128xf32, #tpu.memory_space<vmem>>
        %dma_start3A_2049 = tpu.memref_squeeze %dma_start3A_2048 : memref<1x1x8x128xf32, #tpu.memory_space<vmem>> -> memref<8x128xf32, #tpu.memory_space<vmem>>
        %dma_start3A_2050 = arith.constant 24 : i32
        %dma_start3A_2051 = tpu.memref_slice %arg2[%dma_start3A_2050, %multiple_of3A_2001] : memref<32x1000000xf32, #tpu.memory_space<hbm>> -> memref<8x128xf32, #tpu.memory_space<hbm>>
        %dma_start3A_2052 = arith.constant 24 : i32
        %dma_start3A_2053 = arith.constant 0 : i32
        %dma_start3A_2054 = tpu.memref_slice %arg6[%dma_start3A_2044, %dma_start3A_2045, %dma_start3A_2052, %dma_start3A_2053] : memref<2x8x32x128xf32, #tpu.memory_space<vmem>> -> memref<1x1x8x128xf32, #tpu.memory_space<vmem>>
        %dma_start3A_2055 = tpu.memref_squeeze %dma_start3A_2054 : memref<1x1x8x128xf32, #tpu.memory_space<vmem>> -> memref<8x128xf32, #tpu.memory_space<vmem>>
        %dma_start3A_2056 = arith.constant 24 : i32
        %dma_start3A_2057 = tpu.memref_slice %arg2[%dma_start3A_2056, %multiple_of3A_2001] : memref<32x1000000xf32, #tpu.memory_space<hbm>> -> memref<8x128xf32, #tpu.memory_space<hbm>>
        tpu.enqueue_dma source(%dma_start3A_2057 : memref<8x128xf32, #tpu.memory_space<hbm>>) target(%dma_start3A_2055 : memref<8x128xf32, #tpu.memory_space<vmem>>) target_semaphore(%arg8 : memref<!tpu.dma_semaphore, #tpu.memory_space<semaphore_mem>>)
        %slice3A_2058 = vector.extract_strided_slice %shift_left3A_1703 {offsets = [6], sizes = [1], strides = [1]} : vector<16xi32> to vector<1xi32>
        %squeeze3A_2059 = vector.extract %slice3A_2058[0] : i32 from vector<1xi32>
        %multiple_of3A_2060 = tpu.assume_multiple %squeeze3A_2059, 128 : i32
        %dma_start3A_2061 = arith.constant 0 : i32
        %dma_start3A_2062 = arith.constant 6 : i32
        %dma_start3A_2063 = arith.constant 0 : i32
        %dma_start3A_2064 = arith.constant 0 : i32
        %dma_start3A_2065 = tpu.memref_slice %arg6[%dma_start3A_2061, %dma_start3A_2062, %dma_start3A_2063, %dma_start3A_2064] : memref<2x8x32x128xf32, #tpu.memory_space<vmem>> -> memref<1x1x8x128xf32, #tpu.memory_space<vmem>>
        %dma_start3A_2066 = tpu.memref_squeeze %dma_start3A_2065 : memref<1x1x8x128xf32, #tpu.memory_space<vmem>> -> memref<8x128xf32, #tpu.memory_space<vmem>>
        %dma_start3A_2067 = arith.constant 0 : i32
        %dma_start3A_2068 = tpu.memref_slice %arg2[%dma_start3A_2067, %multiple_of3A_2060] : memref<32x1000000xf32, #tpu.memory_space<hbm>> -> memref<8x128xf32, #tpu.memory_space<hbm>>
        %dma_start3A_2069 = arith.constant 0 : i32
        %dma_start3A_2070 = arith.constant 0 : i32
        %dma_start3A_2071 = tpu.memref_slice %arg6[%dma_start3A_2061, %dma_start3A_2062, %dma_start3A_2069, %dma_start3A_2070] : memref<2x8x32x128xf32, #tpu.memory_space<vmem>> -> memref<1x1x8x128xf32, #tpu.memory_space<vmem>>
        %dma_start3A_2072 = tpu.memref_squeeze %dma_start3A_2071 : memref<1x1x8x128xf32, #tpu.memory_space<vmem>> -> memref<8x128xf32, #tpu.memory_space<vmem>>
        %dma_start3A_2073 = arith.constant 0 : i32
        %dma_start3A_2074 = tpu.memref_slice %arg2[%dma_start3A_2073, %multiple_of3A_2060] : memref<32x1000000xf32, #tpu.memory_space<hbm>> -> memref<8x128xf32, #tpu.memory_space<hbm>>
        tpu.enqueue_dma source(%dma_start3A_2074 : memref<8x128xf32, #tpu.memory_space<hbm>>) target(%dma_start3A_2072 : memref<8x128xf32, #tpu.memory_space<vmem>>) target_semaphore(%arg8 : memref<!tpu.dma_semaphore, #tpu.memory_space<semaphore_mem>>)
        %dma_start3A_2075 = arith.constant 0 : i32
        %dma_start3A_2076 = arith.constant 6 : i32
        %dma_start3A_2077 = arith.constant 8 : i32
        %dma_start3A_2078 = arith.constant 0 : i32
        %dma_start3A_2079 = tpu.memref_slice %arg6[%dma_start3A_2075, %dma_start3A_2076, %dma_start3A_2077, %dma_start3A_2078] : memref<2x8x32x128xf32, #tpu.memory_space<vmem>> -> memref<1x1x8x128xf32, #tpu.memory_space<vmem>>
        %dma_start3A_2080 = tpu.memref_squeeze %dma_start3A_2079 : memref<1x1x8x128xf32, #tpu.memory_space<vmem>> -> memref<8x128xf32, #tpu.memory_space<vmem>>
        %dma_start3A_2081 = arith.constant 8 : i32
        %dma_start3A_2082 = tpu.memref_slice %arg2[%dma_start3A_2081, %multiple_of3A_2060] : memref<32x1000000xf32, #tpu.memory_space<hbm>> -> memref<8x128xf32, #tpu.memory_space<hbm>>
        %dma_start3A_2083 = arith.constant 8 : i32
        %dma_start3A_2084 = arith.constant 0 : i32
        %dma_start3A_2085 = tpu.memref_slice %arg6[%dma_start3A_2075, %dma_start3A_2076, %dma_start3A_2083, %dma_start3A_2084] : memref<2x8x32x128xf32, #tpu.memory_space<vmem>> -> memref<1x1x8x128xf32, #tpu.memory_space<vmem>>
        %dma_start3A_2086 = tpu.memref_squeeze %dma_start3A_2085 : memref<1x1x8x128xf32, #tpu.memory_space<vmem>> -> memref<8x128xf32, #tpu.memory_space<vmem>>
        %dma_start3A_2087 = arith.constant 8 : i32
        %dma_start3A_2088 = tpu.memref_slice %arg2[%dma_start3A_2087, %multiple_of3A_2060] : memref<32x1000000xf32, #tpu.memory_space<hbm>> -> memref<8x128xf32, #tpu.memory_space<hbm>>
        tpu.enqueue_dma source(%dma_start3A_2088 : memref<8x128xf32, #tpu.memory_space<hbm>>) target(%dma_start3A_2086 : memref<8x128xf32, #tpu.memory_space<vmem>>) target_semaphore(%arg8 : memref<!tpu.dma_semaphore, #tpu.memory_space<semaphore_mem>>)
        %dma_start3A_2089 = arith.constant 0 : i32
        %dma_start3A_2090 = arith.constant 6 : i32
        %dma_start3A_2091 = arith.constant 16 : i32
        %dma_start3A_2092 = arith.constant 0 : i32
        %dma_start3A_2093 = tpu.memref_slice %arg6[%dma_start3A_2089, %dma_start3A_2090, %dma_start3A_2091, %dma_start3A_2092] : memref<2x8x32x128xf32, #tpu.memory_space<vmem>> -> memref<1x1x8x128xf32, #tpu.memory_space<vmem>>
        %dma_start3A_2094 = tpu.memref_squeeze %dma_start3A_2093 : memref<1x1x8x128xf32, #tpu.memory_space<vmem>> -> memref<8x128xf32, #tpu.memory_space<vmem>>
        %dma_start3A_2095 = arith.constant 16 : i32
        %dma_start3A_2096 = tpu.memref_slice %arg2[%dma_start3A_2095, %multiple_of3A_2060] : memref<32x1000000xf32, #tpu.memory_space<hbm>> -> memref<8x128xf32, #tpu.memory_space<hbm>>
        %dma_start3A_2097 = arith.constant 16 : i32
        %dma_start3A_2098 = arith.constant 0 : i32
        %dma_start3A_2099 = tpu.memref_slice %arg6[%dma_start3A_2089, %dma_start3A_2090, %dma_start3A_2097, %dma_start3A_2098] : memref<2x8x32x128xf32, #tpu.memory_space<vmem>> -> memref<1x1x8x128xf32, #tpu.memory_space<vmem>>
        %dma_start3A_2100 = tpu.memref_squeeze %dma_start3A_2099 : memref<1x1x8x128xf32, #tpu.memory_space<vmem>> -> memref<8x128xf32, #tpu.memory_space<vmem>>
        %dma_start3A_2101 = arith.constant 16 : i32
        %dma_start3A_2102 = tpu.memref_slice %arg2[%dma_start3A_2101, %multiple_of3A_2060] : memref<32x1000000xf32, #tpu.memory_space<hbm>> -> memref<8x128xf32, #tpu.memory_space<hbm>>
        tpu.enqueue_dma source(%dma_start3A_2102 : memref<8x128xf32, #tpu.memory_space<hbm>>) target(%dma_start3A_2100 : memref<8x128xf32, #tpu.memory_space<vmem>>) target_semaphore(%arg8 : memref<!tpu.dma_semaphore, #tpu.memory_space<semaphore_mem>>)
        %dma_start3A_2103 = arith.constant 0 : i32
        %dma_start3A_2104 = arith.constant 6 : i32
        %dma_start3A_2105 = arith.constant 24 : i32
        %dma_start3A_2106 = arith.constant 0 : i32
        %dma_start3A_2107 = tpu.memref_slice %arg6[%dma_start3A_2103, %dma_start3A_2104, %dma_start3A_2105, %dma_start3A_2106] : memref<2x8x32x128xf32, #tpu.memory_space<vmem>> -> memref<1x1x8x128xf32, #tpu.memory_space<vmem>>
        %dma_start3A_2108 = tpu.memref_squeeze %dma_start3A_2107 : memref<1x1x8x128xf32, #tpu.memory_space<vmem>> -> memref<8x128xf32, #tpu.memory_space<vmem>>
        %dma_start3A_2109 = arith.constant 24 : i32
        %dma_start3A_2110 = tpu.memref_slice %arg2[%dma_start3A_2109, %multiple_of3A_2060] : memref<32x1000000xf32, #tpu.memory_space<hbm>> -> memref<8x128xf32, #tpu.memory_space<hbm>>
        %dma_start3A_2111 = arith.constant 24 : i32
        %dma_start3A_2112 = arith.constant 0 : i32
        %dma_start3A_2113 = tpu.memref_slice %arg6[%dma_start3A_2103, %dma_start3A_2104, %dma_start3A_2111, %dma_start3A_2112] : memref<2x8x32x128xf32, #tpu.memory_space<vmem>> -> memref<1x1x8x128xf32, #tpu.memory_space<vmem>>
        %dma_start3A_2114 = tpu.memref_squeeze %dma_start3A_2113 : memref<1x1x8x128xf32, #tpu.memory_space<vmem>> -> memref<8x128xf32, #tpu.memory_space<vmem>>
        %dma_start3A_2115 = arith.constant 24 : i32
        %dma_start3A_2116 = tpu.memref_slice %arg2[%dma_start3A_2115, %multiple_of3A_2060] : memref<32x1000000xf32, #tpu.memory_space<hbm>> -> memref<8x128xf32, #tpu.memory_space<hbm>>
        tpu.enqueue_dma source(%dma_start3A_2116 : memref<8x128xf32, #tpu.memory_space<hbm>>) target(%dma_start3A_2114 : memref<8x128xf32, #tpu.memory_space<vmem>>) target_semaphore(%arg8 : memref<!tpu.dma_semaphore, #tpu.memory_space<semaphore_mem>>)
        %slice3A_2117 = vector.extract_strided_slice %shift_left3A_1703 {offsets = [7], sizes = [1], strides = [1]} : vector<16xi32> to vector<1xi32>
        %squeeze3A_2118 = vector.extract %slice3A_2117[0] : i32 from vector<1xi32>
        %multiple_of3A_2119 = tpu.assume_multiple %squeeze3A_2118, 128 : i32
        %dma_start3A_2120 = arith.constant 0 : i32
        %dma_start3A_2121 = arith.constant 7 : i32
        %dma_start3A_2122 = arith.constant 0 : i32
        %dma_start3A_2123 = arith.constant 0 : i32
        %dma_start3A_2124 = tpu.memref_slice %arg6[%dma_start3A_2120, %dma_start3A_2121, %dma_start3A_2122, %dma_start3A_2123] : memref<2x8x32x128xf32, #tpu.memory_space<vmem>> -> memref<1x1x8x128xf32, #tpu.memory_space<vmem>>
        %dma_start3A_2125 = tpu.memref_squeeze %dma_start3A_2124 : memref<1x1x8x128xf32, #tpu.memory_space<vmem>> -> memref<8x128xf32, #tpu.memory_space<vmem>>
        %dma_start3A_2126 = arith.constant 0 : i32
        %dma_start3A_2127 = tpu.memref_slice %arg2[%dma_start3A_2126, %multiple_of3A_2119] : memref<32x1000000xf32, #tpu.memory_space<hbm>> -> memref<8x128xf32, #tpu.memory_space<hbm>>
        %dma_start3A_2128 = arith.constant 0 : i32
        %dma_start3A_2129 = arith.constant 0 : i32
        %dma_start3A_2130 = tpu.memref_slice %arg6[%dma_start3A_2120, %dma_start3A_2121, %dma_start3A_2128, %dma_start3A_2129] : memref<2x8x32x128xf32, #tpu.memory_space<vmem>> -> memref<1x1x8x128xf32, #tpu.memory_space<vmem>>
        %dma_start3A_2131 = tpu.memref_squeeze %dma_start3A_2130 : memref<1x1x8x128xf32, #tpu.memory_space<vmem>> -> memref<8x128xf32, #tpu.memory_space<vmem>>
        %dma_start3A_2132 = arith.constant 0 : i32
        %dma_start3A_2133 = tpu.memref_slice %arg2[%dma_start3A_2132, %multiple_of3A_2119] : memref<32x1000000xf32, #tpu.memory_space<hbm>> -> memref<8x128xf32, #tpu.memory_space<hbm>>
        tpu.enqueue_dma source(%dma_start3A_2133 : memref<8x128xf32, #tpu.memory_space<hbm>>) target(%dma_start3A_2131 : memref<8x128xf32, #tpu.memory_space<vmem>>) target_semaphore(%arg8 : memref<!tpu.dma_semaphore, #tpu.memory_space<semaphore_mem>>)
        %dma_start3A_2134 = arith.constant 0 : i32
        %dma_start3A_2135 = arith.constant 7 : i32
        %dma_start3A_2136 = arith.constant 8 : i32
        %dma_start3A_2137 = arith.constant 0 : i32
        %dma_start3A_2138 = tpu.memref_slice %arg6[%dma_start3A_2134, %dma_start3A_2135, %dma_start3A_2136, %dma_start3A_2137] : memref<2x8x32x128xf32, #tpu.memory_space<vmem>> -> memref<1x1x8x128xf32, #tpu.memory_space<vmem>>
        %dma_start3A_2139 = tpu.memref_squeeze %dma_start3A_2138 : memref<1x1x8x128xf32, #tpu.memory_space<vmem>> -> memref<8x128xf32, #tpu.memory_space<vmem>>
        %dma_start3A_2140 = arith.constant 8 : i32
        %dma_start3A_2141 = tpu.memref_slice %arg2[%dma_start3A_2140, %multiple_of3A_2119] : memref<32x1000000xf32, #tpu.memory_space<hbm>> -> memref<8x128xf32, #tpu.memory_space<hbm>>
        %dma_start3A_2142 = arith.constant 8 : i32
        %dma_start3A_2143 = arith.constant 0 : i32
        %dma_start3A_2144 = tpu.memref_slice %arg6[%dma_start3A_2134, %dma_start3A_2135, %dma_start3A_2142, %dma_start3A_2143] : memref<2x8x32x128xf32, #tpu.memory_space<vmem>> -> memref<1x1x8x128xf32, #tpu.memory_space<vmem>>
        %dma_start3A_2145 = tpu.memref_squeeze %dma_start3A_2144 : memref<1x1x8x128xf32, #tpu.memory_space<vmem>> -> memref<8x128xf32, #tpu.memory_space<vmem>>
        %dma_start3A_2146 = arith.constant 8 : i32
        %dma_start3A_2147 = tpu.memref_slice %arg2[%dma_start3A_2146, %multiple_of3A_2119] : memref<32x1000000xf32, #tpu.memory_space<hbm>> -> memref<8x128xf32, #tpu.memory_space<hbm>>
        tpu.enqueue_dma source(%dma_start3A_2147 : memref<8x128xf32, #tpu.memory_space<hbm>>) target(%dma_start3A_2145 : memref<8x128xf32, #tpu.memory_space<vmem>>) target_semaphore(%arg8 : memref<!tpu.dma_semaphore, #tpu.memory_space<semaphore_mem>>)
        %dma_start3A_2148 = arith.constant 0 : i32
        %dma_start3A_2149 = arith.constant 7 : i32
        %dma_start3A_2150 = arith.constant 16 : i32
        %dma_start3A_2151 = arith.constant 0 : i32
        %dma_start3A_2152 = tpu.memref_slice %arg6[%dma_start3A_2148, %dma_start3A_2149, %dma_start3A_2150, %dma_start3A_2151] : memref<2x8x32x128xf32, #tpu.memory_space<vmem>> -> memref<1x1x8x128xf32, #tpu.memory_space<vmem>>
        %dma_start3A_2153 = tpu.memref_squeeze %dma_start3A_2152 : memref<1x1x8x128xf32, #tpu.memory_space<vmem>> -> memref<8x128xf32, #tpu.memory_space<vmem>>
        %dma_start3A_2154 = arith.constant 16 : i32
        %dma_start3A_2155 = tpu.memref_slice %arg2[%dma_start3A_2154, %multiple_of3A_2119] : memref<32x1000000xf32, #tpu.memory_space<hbm>> -> memref<8x128xf32, #tpu.memory_space<hbm>>
        %dma_start3A_2156 = arith.constant 16 : i32
        %dma_start3A_2157 = arith.constant 0 : i32
        %dma_start3A_2158 = tpu.memref_slice %arg6[%dma_start3A_2148, %dma_start3A_2149, %dma_start3A_2156, %dma_start3A_2157] : memref<2x8x32x128xf32, #tpu.memory_space<vmem>> -> memref<1x1x8x128xf32, #tpu.memory_space<vmem>>
        %dma_start3A_2159 = tpu.memref_squeeze %dma_start3A_2158 : memref<1x1x8x128xf32, #tpu.memory_space<vmem>> -> memref<8x128xf32, #tpu.memory_space<vmem>>
        %dma_start3A_2160 = arith.constant 16 : i32
        %dma_start3A_2161 = tpu.memref_slice %arg2[%dma_start3A_2160, %multiple_of3A_2119] : memref<32x1000000xf32, #tpu.memory_space<hbm>> -> memref<8x128xf32, #tpu.memory_space<hbm>>
        tpu.enqueue_dma source(%dma_start3A_2161 : memref<8x128xf32, #tpu.memory_space<hbm>>) target(%dma_start3A_2159 : memref<8x128xf32, #tpu.memory_space<vmem>>) target_semaphore(%arg8 : memref<!tpu.dma_semaphore, #tpu.memory_space<semaphore_mem>>)
        %dma_start3A_2162 = arith.constant 0 : i32
        %dma_start3A_2163 = arith.constant 7 : i32
        %dma_start3A_2164 = arith.constant 24 : i32
        %dma_start3A_2165 = arith.constant 0 : i32
        %dma_start3A_2166 = tpu.memref_slice %arg6[%dma_start3A_2162, %dma_start3A_2163, %dma_start3A_2164, %dma_start3A_2165] : memref<2x8x32x128xf32, #tpu.memory_space<vmem>> -> memref<1x1x8x128xf32, #tpu.memory_space<vmem>>
        %dma_start3A_2167 = tpu.memref_squeeze %dma_start3A_2166 : memref<1x1x8x128xf32, #tpu.memory_space<vmem>> -> memref<8x128xf32, #tpu.memory_space<vmem>>
        %dma_start3A_2168 = arith.constant 24 : i32
        %dma_start3A_2169 = tpu.memref_slice %arg2[%dma_start3A_2168, %multiple_of3A_2119] : memref<32x1000000xf32, #tpu.memory_space<hbm>> -> memref<8x128xf32, #tpu.memory_space<hbm>>
        %dma_start3A_2170 = arith.constant 24 : i32
        %dma_start3A_2171 = arith.constant 0 : i32
        %dma_start3A_2172 = tpu.memref_slice %arg6[%dma_start3A_2162, %dma_start3A_2163, %dma_start3A_2170, %dma_start3A_2171] : memref<2x8x32x128xf32, #tpu.memory_space<vmem>> -> memref<1x1x8x128xf32, #tpu.memory_space<vmem>>
        %dma_start3A_2173 = tpu.memref_squeeze %dma_start3A_2172 : memref<1x1x8x128xf32, #tpu.memory_space<vmem>> -> memref<8x128xf32, #tpu.memory_space<vmem>>
        %dma_start3A_2174 = arith.constant 24 : i32
        %dma_start3A_2175 = tpu.memref_slice %arg2[%dma_start3A_2174, %multiple_of3A_2119] : memref<32x1000000xf32, #tpu.memory_space<hbm>> -> memref<8x128xf32, #tpu.memory_space<hbm>>
        tpu.enqueue_dma source(%dma_start3A_2175 : memref<8x128xf32, #tpu.memory_space<hbm>>) target(%dma_start3A_2173 : memref<8x128xf32, #tpu.memory_space<vmem>>) target_semaphore(%arg8 : memref<!tpu.dma_semaphore, #tpu.memory_space<semaphore_mem>>)
      } else {
      }
      %add3A_1329 = arith.constant 1 : i32
      %add3A_1330 = arith.addi %mul3A_485, %add3A_1329 : i32
      %iota3A_1331 = tpu.iota {dimensions = array<i32: 0>} : vector<16xi32>
      %mul3A_1332 = arith.constant 8 : i32
      %mul3A_1333 = arith.muli %add3A_1330, %mul3A_1332 : i32
      %get3A_1334 = arith.index_cast %mul3A_1333 : i32 to index
      %get3A_1335 = tpu.vector_load %arg5[%get3A_1334] {strides = array<i32>} : memref<520xi32, #tpu.memory_space<vmem>>, vector<16xi32>,
      %and3A_1336 = arith.constant 127 : i32
      %and3A_1337 = vector.broadcast %and3A_1336 : i32 to vector<16xi32>
      %and3A_1338 = arith.andi %get3A_1335, %and3A_1337 : vector<16xi32>
      %dma_wait3A_1339 = arith.constant 1 : i32
      %dma_wait3A_1340 = arith.constant 0 : i32
      %dma_wait3A_1341 = arith.constant 0 : i32
      %dma_wait3A_1342 = arith.constant 0 : i32
      %dma_wait3A_1343 = tpu.memref_slice %arg6[%dma_wait3A_1339, %dma_wait3A_1340, %dma_wait3A_1341, %dma_wait3A_1342] : memref<2x8x32x128xf32, #tpu.memory_space<vmem>> -> memref<1x1x32x128xf32, #tpu.memory_space<vmem>>
      %dma_wait3A_1344 = tpu.memref_squeeze %dma_wait3A_1343 : memref<1x1x32x128xf32, #tpu.memory_space<vmem>> -> memref<32x128xf32, #tpu.memory_space<vmem>>
      %dma_wait3A_1345 = arith.constant 0 : i32
      %dma_wait3A_1346 = arith.constant 0 : i32
      %dma_wait3A_1347 = tpu.memref_slice %arg2[%dma_wait3A_1345, %dma_wait3A_1346] : memref<32x1000000xf32, #tpu.memory_space<hbm>> -> memref<32x128xf32, #tpu.memory_space<hbm>>
      %dma_wait3A_1348 = arith.constant 0 : i32
      %dma_wait3A_1349 = arith.constant 0 : i32
      %dma_wait3A_1350 = tpu.memref_slice %arg6[%dma_wait3A_1339, %dma_wait3A_1340, %dma_wait3A_1348, %dma_wait3A_1349] : memref<2x8x32x128xf32, #tpu.memory_space<vmem>> -> memref<1x1x32x128xf32, #tpu.memory_space<vmem>>
      %dma_wait3A_1351 = tpu.memref_squeeze %dma_wait3A_1350 : memref<1x1x32x128xf32, #tpu.memory_space<vmem>> -> memref<32x128xf32, #tpu.memory_space<vmem>>
      %dma_wait3A_1352 = arith.constant 0 : i32
      %dma_wait3A_1353 = arith.constant 0 : i32
      %dma_wait3A_1354 = tpu.memref_slice %arg2[%dma_wait3A_1352, %dma_wait3A_1353] : memref<32x1000000xf32, #tpu.memory_space<hbm>> -> memref<32x128xf32, #tpu.memory_space<hbm>>
      tpu.wait_dma2 semaphore(%arg8 : memref<!tpu.dma_semaphore, #tpu.memory_space<semaphore_mem>>) src(%dma_wait3A_1354 : memref<32x128xf32, #tpu.memory_space<hbm>>) dst(%dma_wait3A_1351 : memref<32x128xf32, #tpu.memory_space<vmem>>)
      %dma_wait3A_1355 = arith.constant 1 : i32
      %dma_wait3A_1356 = arith.constant 1 : i32
      %dma_wait3A_1357 = arith.constant 0 : i32
      %dma_wait3A_1358 = arith.constant 0 : i32
      %dma_wait3A_1359 = tpu.memref_slice %arg6[%dma_wait3A_1355, %dma_wait3A_1356, %dma_wait3A_1357, %dma_wait3A_1358] : memref<2x8x32x128xf32, #tpu.memory_space<vmem>> -> memref<1x1x32x128xf32, #tpu.memory_space<vmem>>
      %dma_wait3A_1360 = tpu.memref_squeeze %dma_wait3A_1359 : memref<1x1x32x128xf32, #tpu.memory_space<vmem>> -> memref<32x128xf32, #tpu.memory_space<vmem>>
      %dma_wait3A_1361 = arith.constant 0 : i32
      %dma_wait3A_1362 = arith.constant 0 : i32
      %dma_wait3A_1363 = tpu.memref_slice %arg2[%dma_wait3A_1361, %dma_wait3A_1362] : memref<32x1000000xf32, #tpu.memory_space<hbm>> -> memref<32x128xf32, #tpu.memory_space<hbm>>
      %dma_wait3A_1364 = arith.constant 0 : i32
      %dma_wait3A_1365 = arith.constant 0 : i32
      %dma_wait3A_1366 = tpu.memref_slice %arg6[%dma_wait3A_1355, %dma_wait3A_1356, %dma_wait3A_1364, %dma_wait3A_1365] : memref<2x8x32x128xf32, #tpu.memory_space<vmem>> -> memref<1x1x32x128xf32, #tpu.memory_space<vmem>>
      %dma_wait3A_1367 = tpu.memref_squeeze %dma_wait3A_1366 : memref<1x1x32x128xf32, #tpu.memory_space<vmem>> -> memref<32x128xf32, #tpu.memory_space<vmem>>
      %dma_wait3A_1368 = arith.constant 0 : i32
      %dma_wait3A_1369 = arith.constant 0 : i32
      %dma_wait3A_1370 = tpu.memref_slice %arg2[%dma_wait3A_1368, %dma_wait3A_1369] : memref<32x1000000xf32, #tpu.memory_space<hbm>> -> memref<32x128xf32, #tpu.memory_space<hbm>>
      tpu.wait_dma2 semaphore(%arg8 : memref<!tpu.dma_semaphore, #tpu.memory_space<semaphore_mem>>) src(%dma_wait3A_1370 : memref<32x128xf32, #tpu.memory_space<hbm>>) dst(%dma_wait3A_1367 : memref<32x128xf32, #tpu.memory_space<vmem>>)
      %dma_wait3A_1371 = arith.constant 1 : i32
      %dma_wait3A_1372 = arith.constant 2 : i32
      %dma_wait3A_1373 = arith.constant 0 : i32
      %dma_wait3A_1374 = arith.constant 0 : i32
      %dma_wait3A_1375 = tpu.memref_slice %arg6[%dma_wait3A_1371, %dma_wait3A_1372, %dma_wait3A_1373, %dma_wait3A_1374] : memref<2x8x32x128xf32, #tpu.memory_space<vmem>> -> memref<1x1x32x128xf32, #tpu.memory_space<vmem>>
      %dma_wait3A_1376 = tpu.memref_squeeze %dma_wait3A_1375 : memref<1x1x32x128xf32, #tpu.memory_space<vmem>> -> memref<32x128xf32, #tpu.memory_space<vmem>>
      %dma_wait3A_1377 = arith.constant 0 : i32
      %dma_wait3A_1378 = arith.constant 0 : i32
      %dma_wait3A_1379 = tpu.memref_slice %arg2[%dma_wait3A_1377, %dma_wait3A_1378] : memref<32x1000000xf32, #tpu.memory_space<hbm>> -> memref<32x128xf32, #tpu.memory_space<hbm>>
      %dma_wait3A_1380 = arith.constant 0 : i32
      %dma_wait3A_1381 = arith.constant 0 : i32
      %dma_wait3A_1382 = tpu.memref_slice %arg6[%dma_wait3A_1371, %dma_wait3A_1372, %dma_wait3A_1380, %dma_wait3A_1381] : memref<2x8x32x128xf32, #tpu.memory_space<vmem>> -> memref<1x1x32x128xf32, #tpu.memory_space<vmem>>
      %dma_wait3A_1383 = tpu.memref_squeeze %dma_wait3A_1382 : memref<1x1x32x128xf32, #tpu.memory_space<vmem>> -> memref<32x128xf32, #tpu.memory_space<vmem>>
      %dma_wait3A_1384 = arith.constant 0 : i32
      %dma_wait3A_1385 = arith.constant 0 : i32
      %dma_wait3A_1386 = tpu.memref_slice %arg2[%dma_wait3A_1384, %dma_wait3A_1385] : memref<32x1000000xf32, #tpu.memory_space<hbm>> -> memref<32x128xf32, #tpu.memory_space<hbm>>
      tpu.wait_dma2 semaphore(%arg8 : memref<!tpu.dma_semaphore, #tpu.memory_space<semaphore_mem>>) src(%dma_wait3A_1386 : memref<32x128xf32, #tpu.memory_space<hbm>>) dst(%dma_wait3A_1383 : memref<32x128xf32, #tpu.memory_space<vmem>>)
      %dma_wait3A_1387 = arith.constant 1 : i32
      %dma_wait3A_1388 = arith.constant 3 : i32
      %dma_wait3A_1389 = arith.constant 0 : i32
      %dma_wait3A_1390 = arith.constant 0 : i32
      %dma_wait3A_1391 = tpu.memref_slice %arg6[%dma_wait3A_1387, %dma_wait3A_1388, %dma_wait3A_1389, %dma_wait3A_1390] : memref<2x8x32x128xf32, #tpu.memory_space<vmem>> -> memref<1x1x32x128xf32, #tpu.memory_space<vmem>>
      %dma_wait3A_1392 = tpu.memref_squeeze %dma_wait3A_1391 : memref<1x1x32x128xf32, #tpu.memory_space<vmem>> -> memref<32x128xf32, #tpu.memory_space<vmem>>
      %dma_wait3A_1393 = arith.constant 0 : i32
      %dma_wait3A_1394 = arith.constant 0 : i32
      %dma_wait3A_1395 = tpu.memref_slice %arg2[%dma_wait3A_1393, %dma_wait3A_1394] : memref<32x1000000xf32, #tpu.memory_space<hbm>> -> memref<32x128xf32, #tpu.memory_space<hbm>>
      %dma_wait3A_1396 = arith.constant 0 : i32
      %dma_wait3A_1397 = arith.constant 0 : i32
      %dma_wait3A_1398 = tpu.memref_slice %arg6[%dma_wait3A_1387, %dma_wait3A_1388, %dma_wait3A_1396, %dma_wait3A_1397] : memref<2x8x32x128xf32, #tpu.memory_space<vmem>> -> memref<1x1x32x128xf32, #tpu.memory_space<vmem>>
      %dma_wait3A_1399 = tpu.memref_squeeze %dma_wait3A_1398 : memref<1x1x32x128xf32, #tpu.memory_space<vmem>> -> memref<32x128xf32, #tpu.memory_space<vmem>>
      %dma_wait3A_1400 = arith.constant 0 : i32
      %dma_wait3A_1401 = arith.constant 0 : i32
      %dma_wait3A_1402 = tpu.memref_slice %arg2[%dma_wait3A_1400, %dma_wait3A_1401] : memref<32x1000000xf32, #tpu.memory_space<hbm>> -> memref<32x128xf32, #tpu.memory_space<hbm>>
      tpu.wait_dma2 semaphore(%arg8 : memref<!tpu.dma_semaphore, #tpu.memory_space<semaphore_mem>>) src(%dma_wait3A_1402 : memref<32x128xf32, #tpu.memory_space<hbm>>) dst(%dma_wait3A_1399 : memref<32x128xf32, #tpu.memory_space<vmem>>)
      %dma_wait3A_1403 = arith.constant 1 : i32
      %dma_wait3A_1404 = arith.constant 4 : i32
      %dma_wait3A_1405 = arith.constant 0 : i32
      %dma_wait3A_1406 = arith.constant 0 : i32
      %dma_wait3A_1407 = tpu.memref_slice %arg6[%dma_wait3A_1403, %dma_wait3A_1404, %dma_wait3A_1405, %dma_wait3A_1406] : memref<2x8x32x128xf32, #tpu.memory_space<vmem>> -> memref<1x1x32x128xf32, #tpu.memory_space<vmem>>
      %dma_wait3A_1408 = tpu.memref_squeeze %dma_wait3A_1407 : memref<1x1x32x128xf32, #tpu.memory_space<vmem>> -> memref<32x128xf32, #tpu.memory_space<vmem>>
      %dma_wait3A_1409 = arith.constant 0 : i32
      %dma_wait3A_1410 = arith.constant 0 : i32
      %dma_wait3A_1411 = tpu.memref_slice %arg2[%dma_wait3A_1409, %dma_wait3A_1410] : memref<32x1000000xf32, #tpu.memory_space<hbm>> -> memref<32x128xf32, #tpu.memory_space<hbm>>
      %dma_wait3A_1412 = arith.constant 0 : i32
      %dma_wait3A_1413 = arith.constant 0 : i32
      %dma_wait3A_1414 = tpu.memref_slice %arg6[%dma_wait3A_1403, %dma_wait3A_1404, %dma_wait3A_1412, %dma_wait3A_1413] : memref<2x8x32x128xf32, #tpu.memory_space<vmem>> -> memref<1x1x32x128xf32, #tpu.memory_space<vmem>>
      %dma_wait3A_1415 = tpu.memref_squeeze %dma_wait3A_1414 : memref<1x1x32x128xf32, #tpu.memory_space<vmem>> -> memref<32x128xf32, #tpu.memory_space<vmem>>
      %dma_wait3A_1416 = arith.constant 0 : i32
      %dma_wait3A_1417 = arith.constant 0 : i32
      %dma_wait3A_1418 = tpu.memref_slice %arg2[%dma_wait3A_1416, %dma_wait3A_1417] : memref<32x1000000xf32, #tpu.memory_space<hbm>> -> memref<32x128xf32, #tpu.memory_space<hbm>>
      tpu.wait_dma2 semaphore(%arg8 : memref<!tpu.dma_semaphore, #tpu.memory_space<semaphore_mem>>) src(%dma_wait3A_1418 : memref<32x128xf32, #tpu.memory_space<hbm>>) dst(%dma_wait3A_1415 : memref<32x128xf32, #tpu.memory_space<vmem>>)
      %dma_wait3A_1419 = arith.constant 1 : i32
      %dma_wait3A_1420 = arith.constant 5 : i32
      %dma_wait3A_1421 = arith.constant 0 : i32
      %dma_wait3A_1422 = arith.constant 0 : i32
      %dma_wait3A_1423 = tpu.memref_slice %arg6[%dma_wait3A_1419, %dma_wait3A_1420, %dma_wait3A_1421, %dma_wait3A_1422] : memref<2x8x32x128xf32, #tpu.memory_space<vmem>> -> memref<1x1x32x128xf32, #tpu.memory_space<vmem>>
      %dma_wait3A_1424 = tpu.memref_squeeze %dma_wait3A_1423 : memref<1x1x32x128xf32, #tpu.memory_space<vmem>> -> memref<32x128xf32, #tpu.memory_space<vmem>>
      %dma_wait3A_1425 = arith.constant 0 : i32
      %dma_wait3A_1426 = arith.constant 0 : i32
      %dma_wait3A_1427 = tpu.memref_slice %arg2[%dma_wait3A_1425, %dma_wait3A_1426] : memref<32x1000000xf32, #tpu.memory_space<hbm>> -> memref<32x128xf32, #tpu.memory_space<hbm>>
      %dma_wait3A_1428 = arith.constant 0 : i32
      %dma_wait3A_1429 = arith.constant 0 : i32
      %dma_wait3A_1430 = tpu.memref_slice %arg6[%dma_wait3A_1419, %dma_wait3A_1420, %dma_wait3A_1428, %dma_wait3A_1429] : memref<2x8x32x128xf32, #tpu.memory_space<vmem>> -> memref<1x1x32x128xf32, #tpu.memory_space<vmem>>
      %dma_wait3A_1431 = tpu.memref_squeeze %dma_wait3A_1430 : memref<1x1x32x128xf32, #tpu.memory_space<vmem>> -> memref<32x128xf32, #tpu.memory_space<vmem>>
      %dma_wait3A_1432 = arith.constant 0 : i32
      %dma_wait3A_1433 = arith.constant 0 : i32
      %dma_wait3A_1434 = tpu.memref_slice %arg2[%dma_wait3A_1432, %dma_wait3A_1433] : memref<32x1000000xf32, #tpu.memory_space<hbm>> -> memref<32x128xf32, #tpu.memory_space<hbm>>
      tpu.wait_dma2 semaphore(%arg8 : memref<!tpu.dma_semaphore, #tpu.memory_space<semaphore_mem>>) src(%dma_wait3A_1434 : memref<32x128xf32, #tpu.memory_space<hbm>>) dst(%dma_wait3A_1431 : memref<32x128xf32, #tpu.memory_space<vmem>>)
      %dma_wait3A_1435 = arith.constant 1 : i32
      %dma_wait3A_1436 = arith.constant 6 : i32
      %dma_wait3A_1437 = arith.constant 0 : i32
      %dma_wait3A_1438 = arith.constant 0 : i32
      %dma_wait3A_1439 = tpu.memref_slice %arg6[%dma_wait3A_1435, %dma_wait3A_1436, %dma_wait3A_1437, %dma_wait3A_1438] : memref<2x8x32x128xf32, #tpu.memory_space<vmem>> -> memref<1x1x32x128xf32, #tpu.memory_space<vmem>>
      %dma_wait3A_1440 = tpu.memref_squeeze %dma_wait3A_1439 : memref<1x1x32x128xf32, #tpu.memory_space<vmem>> -> memref<32x128xf32, #tpu.memory_space<vmem>>
      %dma_wait3A_1441 = arith.constant 0 : i32
      %dma_wait3A_1442 = arith.constant 0 : i32
      %dma_wait3A_1443 = tpu.memref_slice %arg2[%dma_wait3A_1441, %dma_wait3A_1442] : memref<32x1000000xf32, #tpu.memory_space<hbm>> -> memref<32x128xf32, #tpu.memory_space<hbm>>
      %dma_wait3A_1444 = arith.constant 0 : i32
      %dma_wait3A_1445 = arith.constant 0 : i32
      %dma_wait3A_1446 = tpu.memref_slice %arg6[%dma_wait3A_1435, %dma_wait3A_1436, %dma_wait3A_1444, %dma_wait3A_1445] : memref<2x8x32x128xf32, #tpu.memory_space<vmem>> -> memref<1x1x32x128xf32, #tpu.memory_space<vmem>>
      %dma_wait3A_1447 = tpu.memref_squeeze %dma_wait3A_1446 : memref<1x1x32x128xf32, #tpu.memory_space<vmem>> -> memref<32x128xf32, #tpu.memory_space<vmem>>
      %dma_wait3A_1448 = arith.constant 0 : i32
      %dma_wait3A_1449 = arith.constant 0 : i32
      %dma_wait3A_1450 = tpu.memref_slice %arg2[%dma_wait3A_1448, %dma_wait3A_1449] : memref<32x1000000xf32, #tpu.memory_space<hbm>> -> memref<32x128xf32, #tpu.memory_space<hbm>>
      tpu.wait_dma2 semaphore(%arg8 : memref<!tpu.dma_semaphore, #tpu.memory_space<semaphore_mem>>) src(%dma_wait3A_1450 : memref<32x128xf32, #tpu.memory_space<hbm>>) dst(%dma_wait3A_1447 : memref<32x128xf32, #tpu.memory_space<vmem>>)
      %dma_wait3A_1451 = arith.constant 1 : i32
      %dma_wait3A_1452 = arith.constant 7 : i32
      %dma_wait3A_1453 = arith.constant 0 : i32
      %dma_wait3A_1454 = arith.constant 0 : i32
      %dma_wait3A_1455 = tpu.memref_slice %arg6[%dma_wait3A_1451, %dma_wait3A_1452, %dma_wait3A_1453, %dma_wait3A_1454] : memref<2x8x32x128xf32, #tpu.memory_space<vmem>> -> memref<1x1x32x128xf32, #tpu.memory_space<vmem>>
      %dma_wait3A_1456 = tpu.memref_squeeze %dma_wait3A_1455 : memref<1x1x32x128xf32, #tpu.memory_space<vmem>> -> memref<32x128xf32, #tpu.memory_space<vmem>>
      %dma_wait3A_1457 = arith.constant 0 : i32
      %dma_wait3A_1458 = arith.constant 0 : i32
      %dma_wait3A_1459 = tpu.memref_slice %arg2[%dma_wait3A_1457, %dma_wait3A_1458] : memref<32x1000000xf32, #tpu.memory_space<hbm>> -> memref<32x128xf32, #tpu.memory_space<hbm>>
      %dma_wait3A_1460 = arith.constant 0 : i32
      %dma_wait3A_1461 = arith.constant 0 : i32
      %dma_wait3A_1462 = tpu.memref_slice %arg6[%dma_wait3A_1451, %dma_wait3A_1452, %dma_wait3A_1460, %dma_wait3A_1461] : memref<2x8x32x128xf32, #tpu.memory_space<vmem>> -> memref<1x1x32x128xf32, #tpu.memory_space<vmem>>
      %dma_wait3A_1463 = tpu.memref_squeeze %dma_wait3A_1462 : memref<1x1x32x128xf32, #tpu.memory_space<vmem>> -> memref<32x128xf32, #tpu.memory_space<vmem>>
      %dma_wait3A_1464 = arith.constant 0 : i32
      %dma_wait3A_1465 = arith.constant 0 : i32
      %dma_wait3A_1466 = tpu.memref_slice %arg2[%dma_wait3A_1464, %dma_wait3A_1465] : memref<32x1000000xf32, #tpu.memory_space<hbm>> -> memref<32x128xf32, #tpu.memory_space<hbm>>
      tpu.wait_dma2 semaphore(%arg8 : memref<!tpu.dma_semaphore, #tpu.memory_space<semaphore_mem>>) src(%dma_wait3A_1466 : memref<32x128xf32, #tpu.memory_space<hbm>>) dst(%dma_wait3A_1463 : memref<32x128xf32, #tpu.memory_space<vmem>>)
      %slice3A_1467 = vector.extract_strided_slice %and3A_1338 {offsets = [0], sizes = [1], strides = [1]} : vector<16xi32> to vector<1xi32>
      %squeeze3A_1468 = vector.extract %slice3A_1467[0] : i32 from vector<1xi32>
      %broadcast_in_dim3A_1469 = vector.broadcast %squeeze3A_1468 : i32 to vector<16xi32>
      %mul3A_1470 = arith.constant 8 : i32
      %mul3A_1471 = arith.muli %add3A_1330, %mul3A_1470 : i32
      %add3A_1472 = arith.constant 0 : i32
      %add3A_1473 = arith.addi %mul3A_1471, %add3A_1472 : i32
      %broadcast_in_dim3A_1474 = vector.broadcast %add3A_1473 : i32 to vector<16xi32>
      %add3A_1475 = arith.constant 0 : i32
      %add3A_1476 = vector.broadcast %add3A_1475 : i32 to vector<16xi32>
      %add3A_1477 = arith.addi %iota3A_1331, %add3A_1476 : vector<16xi32>
      %gather3A_1478 = arith.constant 1 : i32
      %gather3A_1479 = arith.constant 0 : i32
      %gather3A_1480 = arith.constant 0 : i32
      %gather3A_1481 = arith.constant 0 : i32
      %gather3A_1482 = tpu.memref_slice %arg6[%gather3A_1478, %gather3A_1479, %gather3A_1480, %gather3A_1481] : memref<2x8x32x128xf32, #tpu.memory_space<vmem>> -> memref<1x1x32x128xf32, #tpu.memory_space<vmem>>
      %gather3A_1483 = tpu.memref_squeeze %gather3A_1482 : memref<1x1x32x128xf32, #tpu.memory_space<vmem>> -> memref<32x128xf32, #tpu.memory_space<vmem>>
      %gather3A_1484 = tpu.vector_load_idx %gather3A_1483[%add3A_1477, %broadcast_in_dim3A_1469] : memref<32x128xf32, #tpu.memory_space<vmem>>[vector<16xi32>, vector<16xi32>], vector<16xf32>,
      tpu.vector_store_idx %arg7[%add3A_1477, %broadcast_in_dim3A_1474], %gather3A_1484 : memref<32x512xf32, #tpu.memory_space<vmem>>[vector<16xi32>, vector<16xi32>], vector<16xf32>,
      %add3A_1485 = arith.constant 16 : i32
      %add3A_1486 = vector.broadcast %add3A_1485 : i32 to vector<16xi32>
      %add3A_1487 = arith.addi %iota3A_1331, %add3A_1486 : vector<16xi32>
      %gather3A_1488 = arith.constant 1 : i32
      %gather3A_1489 = arith.constant 0 : i32
      %gather3A_1490 = arith.constant 0 : i32
      %gather3A_1491 = arith.constant 0 : i32
      %gather3A_1492 = tpu.memref_slice %arg6[%gather3A_1488, %gather3A_1489, %gather3A_1490, %gather3A_1491] : memref<2x8x32x128xf32, #tpu.memory_space<vmem>> -> memref<1x1x32x128xf32, #tpu.memory_space<vmem>>
      %gather3A_1493 = tpu.memref_squeeze %gather3A_1492 : memref<1x1x32x128xf32, #tpu.memory_space<vmem>> -> memref<32x128xf32, #tpu.memory_space<vmem>>
      %gather3A_1494 = tpu.vector_load_idx %gather3A_1493[%add3A_1487, %broadcast_in_dim3A_1469] : memref<32x128xf32, #tpu.memory_space<vmem>>[vector<16xi32>, vector<16xi32>], vector<16xf32>,
      tpu.vector_store_idx %arg7[%add3A_1487, %broadcast_in_dim3A_1474], %gather3A_1494 : memref<32x512xf32, #tpu.memory_space<vmem>>[vector<16xi32>, vector<16xi32>], vector<16xf32>,
      %slice3A_1495 = vector.extract_strided_slice %and3A_1338 {offsets = [1], sizes = [1], strides = [1]} : vector<16xi32> to vector<1xi32>
      %squeeze3A_1496 = vector.extract %slice3A_1495[0] : i32 from vector<1xi32>
      %broadcast_in_dim3A_1497 = vector.broadcast %squeeze3A_1496 : i32 to vector<16xi32>
      %mul3A_1498 = arith.constant 8 : i32
      %mul3A_1499 = arith.muli %add3A_1330, %mul3A_1498 : i32
      %add3A_1500 = arith.constant 1 : i32
      %add3A_1501 = arith.addi %mul3A_1499, %add3A_1500 : i32
      %broadcast_in_dim3A_1502 = vector.broadcast %add3A_1501 : i32 to vector<16xi32>
      %add3A_1503 = arith.constant 0 : i32
      %add3A_1504 = vector.broadcast %add3A_1503 : i32 to vector<16xi32>
      %add3A_1505 = arith.addi %iota3A_1331, %add3A_1504 : vector<16xi32>
      %gather3A_1506 = arith.constant 1 : i32
      %gather3A_1507 = arith.constant 1 : i32
      %gather3A_1508 = arith.constant 0 : i32
      %gather3A_1509 = arith.constant 0 : i32
      %gather3A_1510 = tpu.memref_slice %arg6[%gather3A_1506, %gather3A_1507, %gather3A_1508, %gather3A_1509] : memref<2x8x32x128xf32, #tpu.memory_space<vmem>> -> memref<1x1x32x128xf32, #tpu.memory_space<vmem>>
      %gather3A_1511 = tpu.memref_squeeze %gather3A_1510 : memref<1x1x32x128xf32, #tpu.memory_space<vmem>> -> memref<32x128xf32, #tpu.memory_space<vmem>>
      %gather3A_1512 = tpu.vector_load_idx %gather3A_1511[%add3A_1505, %broadcast_in_dim3A_1497] : memref<32x128xf32, #tpu.memory_space<vmem>>[vector<16xi32>, vector<16xi32>], vector<16xf32>,
      tpu.vector_store_idx %arg7[%add3A_1505, %broadcast_in_dim3A_1502], %gather3A_1512 : memref<32x512xf32, #tpu.memory_space<vmem>>[vector<16xi32>, vector<16xi32>], vector<16xf32>,
      %add3A_1513 = arith.constant 16 : i32
      %add3A_1514 = vector.broadcast %add3A_1513 : i32 to vector<16xi32>
      %add3A_1515 = arith.addi %iota3A_1331, %add3A_1514 : vector<16xi32>
      %gather3A_1516 = arith.constant 1 : i32
      %gather3A_1517 = arith.constant 1 : i32
      %gather3A_1518 = arith.constant 0 : i32
      %gather3A_1519 = arith.constant 0 : i32
      %gather3A_1520 = tpu.memref_slice %arg6[%gather3A_1516, %gather3A_1517, %gather3A_1518, %gather3A_1519] : memref<2x8x32x128xf32, #tpu.memory_space<vmem>> -> memref<1x1x32x128xf32, #tpu.memory_space<vmem>>
      %gather3A_1521 = tpu.memref_squeeze %gather3A_1520 : memref<1x1x32x128xf32, #tpu.memory_space<vmem>> -> memref<32x128xf32, #tpu.memory_space<vmem>>
      %gather3A_1522 = tpu.vector_load_idx %gather3A_1521[%add3A_1515, %broadcast_in_dim3A_1497] : memref<32x128xf32, #tpu.memory_space<vmem>>[vector<16xi32>, vector<16xi32>], vector<16xf32>,
      tpu.vector_store_idx %arg7[%add3A_1515, %broadcast_in_dim3A_1502], %gather3A_1522 : memref<32x512xf32, #tpu.memory_space<vmem>>[vector<16xi32>, vector<16xi32>], vector<16xf32>,
      %slice3A_1523 = vector.extract_strided_slice %and3A_1338 {offsets = [2], sizes = [1], strides = [1]} : vector<16xi32> to vector<1xi32>
      %squeeze3A_1524 = vector.extract %slice3A_1523[0] : i32 from vector<1xi32>
      %broadcast_in_dim3A_1525 = vector.broadcast %squeeze3A_1524 : i32 to vector<16xi32>
      %mul3A_1526 = arith.constant 8 : i32
      %mul3A_1527 = arith.muli %add3A_1330, %mul3A_1526 : i32
      %add3A_1528 = arith.constant 2 : i32
      %add3A_1529 = arith.addi %mul3A_1527, %add3A_1528 : i32
      %broadcast_in_dim3A_1530 = vector.broadcast %add3A_1529 : i32 to vector<16xi32>
      %add3A_1531 = arith.constant 0 : i32
      %add3A_1532 = vector.broadcast %add3A_1531 : i32 to vector<16xi32>
      %add3A_1533 = arith.addi %iota3A_1331, %add3A_1532 : vector<16xi32>
      %gather3A_1534 = arith.constant 1 : i32
      %gather3A_1535 = arith.constant 2 : i32
      %gather3A_1536 = arith.constant 0 : i32
      %gather3A_1537 = arith.constant 0 : i32
      %gather3A_1538 = tpu.memref_slice %arg6[%gather3A_1534, %gather3A_1535, %gather3A_1536, %gather3A_1537] : memref<2x8x32x128xf32, #tpu.memory_space<vmem>> -> memref<1x1x32x128xf32, #tpu.memory_space<vmem>>
      %gather3A_1539 = tpu.memref_squeeze %gather3A_1538 : memref<1x1x32x128xf32, #tpu.memory_space<vmem>> -> memref<32x128xf32, #tpu.memory_space<vmem>>
      %gather3A_1540 = tpu.vector_load_idx %gather3A_1539[%add3A_1533, %broadcast_in_dim3A_1525] : memref<32x128xf32, #tpu.memory_space<vmem>>[vector<16xi32>, vector<16xi32>], vector<16xf32>,
      tpu.vector_store_idx %arg7[%add3A_1533, %broadcast_in_dim3A_1530], %gather3A_1540 : memref<32x512xf32, #tpu.memory_space<vmem>>[vector<16xi32>, vector<16xi32>], vector<16xf32>,
      %add3A_1541 = arith.constant 16 : i32
      %add3A_1542 = vector.broadcast %add3A_1541 : i32 to vector<16xi32>
      %add3A_1543 = arith.addi %iota3A_1331, %add3A_1542 : vector<16xi32>
      %gather3A_1544 = arith.constant 1 : i32
      %gather3A_1545 = arith.constant 2 : i32
      %gather3A_1546 = arith.constant 0 : i32
      %gather3A_1547 = arith.constant 0 : i32
      %gather3A_1548 = tpu.memref_slice %arg6[%gather3A_1544, %gather3A_1545, %gather3A_1546, %gather3A_1547] : memref<2x8x32x128xf32, #tpu.memory_space<vmem>> -> memref<1x1x32x128xf32, #tpu.memory_space<vmem>>
      %gather3A_1549 = tpu.memref_squeeze %gather3A_1548 : memref<1x1x32x128xf32, #tpu.memory_space<vmem>> -> memref<32x128xf32, #tpu.memory_space<vmem>>
      %gather3A_1550 = tpu.vector_load_idx %gather3A_1549[%add3A_1543, %broadcast_in_dim3A_1525] : memref<32x128xf32, #tpu.memory_space<vmem>>[vector<16xi32>, vector<16xi32>], vector<16xf32>,
      tpu.vector_store_idx %arg7[%add3A_1543, %broadcast_in_dim3A_1530], %gather3A_1550 : memref<32x512xf32, #tpu.memory_space<vmem>>[vector<16xi32>, vector<16xi32>], vector<16xf32>,
      %slice3A_1551 = vector.extract_strided_slice %and3A_1338 {offsets = [3], sizes = [1], strides = [1]} : vector<16xi32> to vector<1xi32>
      %squeeze3A_1552 = vector.extract %slice3A_1551[0] : i32 from vector<1xi32>
      %broadcast_in_dim3A_1553 = vector.broadcast %squeeze3A_1552 : i32 to vector<16xi32>
      %mul3A_1554 = arith.constant 8 : i32
      %mul3A_1555 = arith.muli %add3A_1330, %mul3A_1554 : i32
      %add3A_1556 = arith.constant 3 : i32
      %add3A_1557 = arith.addi %mul3A_1555, %add3A_1556 : i32
      %broadcast_in_dim3A_1558 = vector.broadcast %add3A_1557 : i32 to vector<16xi32>
      %add3A_1559 = arith.constant 0 : i32
      %add3A_1560 = vector.broadcast %add3A_1559 : i32 to vector<16xi32>
      %add3A_1561 = arith.addi %iota3A_1331, %add3A_1560 : vector<16xi32>
      %gather3A_1562 = arith.constant 1 : i32
      %gather3A_1563 = arith.constant 3 : i32
      %gather3A_1564 = arith.constant 0 : i32
      %gather3A_1565 = arith.constant 0 : i32
      %gather3A_1566 = tpu.memref_slice %arg6[%gather3A_1562, %gather3A_1563, %gather3A_1564, %gather3A_1565] : memref<2x8x32x128xf32, #tpu.memory_space<vmem>> -> memref<1x1x32x128xf32, #tpu.memory_space<vmem>>
      %gather3A_1567 = tpu.memref_squeeze %gather3A_1566 : memref<1x1x32x128xf32, #tpu.memory_space<vmem>> -> memref<32x128xf32, #tpu.memory_space<vmem>>
      %gather3A_1568 = tpu.vector_load_idx %gather3A_1567[%add3A_1561, %broadcast_in_dim3A_1553] : memref<32x128xf32, #tpu.memory_space<vmem>>[vector<16xi32>, vector<16xi32>], vector<16xf32>,
      tpu.vector_store_idx %arg7[%add3A_1561, %broadcast_in_dim3A_1558], %gather3A_1568 : memref<32x512xf32, #tpu.memory_space<vmem>>[vector<16xi32>, vector<16xi32>], vector<16xf32>,
      %add3A_1569 = arith.constant 16 : i32
      %add3A_1570 = vector.broadcast %add3A_1569 : i32 to vector<16xi32>
      %add3A_1571 = arith.addi %iota3A_1331, %add3A_1570 : vector<16xi32>
      %gather3A_1572 = arith.constant 1 : i32
      %gather3A_1573 = arith.constant 3 : i32
      %gather3A_1574 = arith.constant 0 : i32
      %gather3A_1575 = arith.constant 0 : i32
      %gather3A_1576 = tpu.memref_slice %arg6[%gather3A_1572, %gather3A_1573, %gather3A_1574, %gather3A_1575] : memref<2x8x32x128xf32, #tpu.memory_space<vmem>> -> memref<1x1x32x128xf32, #tpu.memory_space<vmem>>
      %gather3A_1577 = tpu.memref_squeeze %gather3A_1576 : memref<1x1x32x128xf32, #tpu.memory_space<vmem>> -> memref<32x128xf32, #tpu.memory_space<vmem>>
      %gather3A_1578 = tpu.vector_load_idx %gather3A_1577[%add3A_1571, %broadcast_in_dim3A_1553] : memref<32x128xf32, #tpu.memory_space<vmem>>[vector<16xi32>, vector<16xi32>], vector<16xf32>,
      tpu.vector_store_idx %arg7[%add3A_1571, %broadcast_in_dim3A_1558], %gather3A_1578 : memref<32x512xf32, #tpu.memory_space<vmem>>[vector<16xi32>, vector<16xi32>], vector<16xf32>,
      %slice3A_1579 = vector.extract_strided_slice %and3A_1338 {offsets = [4], sizes = [1], strides = [1]} : vector<16xi32> to vector<1xi32>
      %squeeze3A_1580 = vector.extract %slice3A_1579[0] : i32 from vector<1xi32>
      %broadcast_in_dim3A_1581 = vector.broadcast %squeeze3A_1580 : i32 to vector<16xi32>
      %mul3A_1582 = arith.constant 8 : i32
      %mul3A_1583 = arith.muli %add3A_1330, %mul3A_1582 : i32
      %add3A_1584 = arith.constant 4 : i32
      %add3A_1585 = arith.addi %mul3A_1583, %add3A_1584 : i32
      %broadcast_in_dim3A_1586 = vector.broadcast %add3A_1585 : i32 to vector<16xi32>
      %add3A_1587 = arith.constant 0 : i32
      %add3A_1588 = vector.broadcast %add3A_1587 : i32 to vector<16xi32>
      %add3A_1589 = arith.addi %iota3A_1331, %add3A_1588 : vector<16xi32>
      %gather3A_1590 = arith.constant 1 : i32
      %gather3A_1591 = arith.constant 4 : i32
      %gather3A_1592 = arith.constant 0 : i32
      %gather3A_1593 = arith.constant 0 : i32
      %gather3A_1594 = tpu.memref_slice %arg6[%gather3A_1590, %gather3A_1591, %gather3A_1592, %gather3A_1593] : memref<2x8x32x128xf32, #tpu.memory_space<vmem>> -> memref<1x1x32x128xf32, #tpu.memory_space<vmem>>
      %gather3A_1595 = tpu.memref_squeeze %gather3A_1594 : memref<1x1x32x128xf32, #tpu.memory_space<vmem>> -> memref<32x128xf32, #tpu.memory_space<vmem>>
      %gather3A_1596 = tpu.vector_load_idx %gather3A_1595[%add3A_1589, %broadcast_in_dim3A_1581] : memref<32x128xf32, #tpu.memory_space<vmem>>[vector<16xi32>, vector<16xi32>], vector<16xf32>,
      tpu.vector_store_idx %arg7[%add3A_1589, %broadcast_in_dim3A_1586], %gather3A_1596 : memref<32x512xf32, #tpu.memory_space<vmem>>[vector<16xi32>, vector<16xi32>], vector<16xf32>,
      %add3A_1597 = arith.constant 16 : i32
      %add3A_1598 = vector.broadcast %add3A_1597 : i32 to vector<16xi32>
      %add3A_1599 = arith.addi %iota3A_1331, %add3A_1598 : vector<16xi32>
      %gather3A_1600 = arith.constant 1 : i32
      %gather3A_1601 = arith.constant 4 : i32
      %gather3A_1602 = arith.constant 0 : i32
      %gather3A_1603 = arith.constant 0 : i32
      %gather3A_1604 = tpu.memref_slice %arg6[%gather3A_1600, %gather3A_1601, %gather3A_1602, %gather3A_1603] : memref<2x8x32x128xf32, #tpu.memory_space<vmem>> -> memref<1x1x32x128xf32, #tpu.memory_space<vmem>>
      %gather3A_1605 = tpu.memref_squeeze %gather3A_1604 : memref<1x1x32x128xf32, #tpu.memory_space<vmem>> -> memref<32x128xf32, #tpu.memory_space<vmem>>
      %gather3A_1606 = tpu.vector_load_idx %gather3A_1605[%add3A_1599, %broadcast_in_dim3A_1581] : memref<32x128xf32, #tpu.memory_space<vmem>>[vector<16xi32>, vector<16xi32>], vector<16xf32>,
      tpu.vector_store_idx %arg7[%add3A_1599, %broadcast_in_dim3A_1586], %gather3A_1606 : memref<32x512xf32, #tpu.memory_space<vmem>>[vector<16xi32>, vector<16xi32>], vector<16xf32>,
      %slice3A_1607 = vector.extract_strided_slice %and3A_1338 {offsets = [5], sizes = [1], strides = [1]} : vector<16xi32> to vector<1xi32>
      %squeeze3A_1608 = vector.extract %slice3A_1607[0] : i32 from vector<1xi32>
      %broadcast_in_dim3A_1609 = vector.broadcast %squeeze3A_1608 : i32 to vector<16xi32>
      %mul3A_1610 = arith.constant 8 : i32
      %mul3A_1611 = arith.muli %add3A_1330, %mul3A_1610 : i32
      %add3A_1612 = arith.constant 5 : i32
      %add3A_1613 = arith.addi %mul3A_1611, %add3A_1612 : i32
      %broadcast_in_dim3A_1614 = vector.broadcast %add3A_1613 : i32 to vector<16xi32>
      %add3A_1615 = arith.constant 0 : i32
      %add3A_1616 = vector.broadcast %add3A_1615 : i32 to vector<16xi32>
      %add3A_1617 = arith.addi %iota3A_1331, %add3A_1616 : vector<16xi32>
      %gather3A_1618 = arith.constant 1 : i32
      %gather3A_1619 = arith.constant 5 : i32
      %gather3A_1620 = arith.constant 0 : i32
      %gather3A_1621 = arith.constant 0 : i32
      %gather3A_1622 = tpu.memref_slice %arg6[%gather3A_1618, %gather3A_1619, %gather3A_1620, %gather3A_1621] : memref<2x8x32x128xf32, #tpu.memory_space<vmem>> -> memref<1x1x32x128xf32, #tpu.memory_space<vmem>>
      %gather3A_1623 = tpu.memref_squeeze %gather3A_1622 : memref<1x1x32x128xf32, #tpu.memory_space<vmem>> -> memref<32x128xf32, #tpu.memory_space<vmem>>
      %gather3A_1624 = tpu.vector_load_idx %gather3A_1623[%add3A_1617, %broadcast_in_dim3A_1609] : memref<32x128xf32, #tpu.memory_space<vmem>>[vector<16xi32>, vector<16xi32>], vector<16xf32>,
      tpu.vector_store_idx %arg7[%add3A_1617, %broadcast_in_dim3A_1614], %gather3A_1624 : memref<32x512xf32, #tpu.memory_space<vmem>>[vector<16xi32>, vector<16xi32>], vector<16xf32>,
      %add3A_1625 = arith.constant 16 : i32
      %add3A_1626 = vector.broadcast %add3A_1625 : i32 to vector<16xi32>
      %add3A_1627 = arith.addi %iota3A_1331, %add3A_1626 : vector<16xi32>
      %gather3A_1628 = arith.constant 1 : i32
      %gather3A_1629 = arith.constant 5 : i32
      %gather3A_1630 = arith.constant 0 : i32
      %gather3A_1631 = arith.constant 0 : i32
      %gather3A_1632 = tpu.memref_slice %arg6[%gather3A_1628, %gather3A_1629, %gather3A_1630, %gather3A_1631] : memref<2x8x32x128xf32, #tpu.memory_space<vmem>> -> memref<1x1x32x128xf32, #tpu.memory_space<vmem>>
      %gather3A_1633 = tpu.memref_squeeze %gather3A_1632 : memref<1x1x32x128xf32, #tpu.memory_space<vmem>> -> memref<32x128xf32, #tpu.memory_space<vmem>>
      %gather3A_1634 = tpu.vector_load_idx %gather3A_1633[%add3A_1627, %broadcast_in_dim3A_1609] : memref<32x128xf32, #tpu.memory_space<vmem>>[vector<16xi32>, vector<16xi32>], vector<16xf32>,
      tpu.vector_store_idx %arg7[%add3A_1627, %broadcast_in_dim3A_1614], %gather3A_1634 : memref<32x512xf32, #tpu.memory_space<vmem>>[vector<16xi32>, vector<16xi32>], vector<16xf32>,
      %slice3A_1635 = vector.extract_strided_slice %and3A_1338 {offsets = [6], sizes = [1], strides = [1]} : vector<16xi32> to vector<1xi32>
      %squeeze3A_1636 = vector.extract %slice3A_1635[0] : i32 from vector<1xi32>
      %broadcast_in_dim3A_1637 = vector.broadcast %squeeze3A_1636 : i32 to vector<16xi32>
      %mul3A_1638 = arith.constant 8 : i32
      %mul3A_1639 = arith.muli %add3A_1330, %mul3A_1638 : i32
      %add3A_1640 = arith.constant 6 : i32
      %add3A_1641 = arith.addi %mul3A_1639, %add3A_1640 : i32
      %broadcast_in_dim3A_1642 = vector.broadcast %add3A_1641 : i32 to vector<16xi32>
      %add3A_1643 = arith.constant 0 : i32
      %add3A_1644 = vector.broadcast %add3A_1643 : i32 to vector<16xi32>
      %add3A_1645 = arith.addi %iota3A_1331, %add3A_1644 : vector<16xi32>
      %gather3A_1646 = arith.constant 1 : i32
      %gather3A_1647 = arith.constant 6 : i32
      %gather3A_1648 = arith.constant 0 : i32
      %gather3A_1649 = arith.constant 0 : i32
      %gather3A_1650 = tpu.memref_slice %arg6[%gather3A_1646, %gather3A_1647, %gather3A_1648, %gather3A_1649] : memref<2x8x32x128xf32, #tpu.memory_space<vmem>> -> memref<1x1x32x128xf32, #tpu.memory_space<vmem>>
      %gather3A_1651 = tpu.memref_squeeze %gather3A_1650 : memref<1x1x32x128xf32, #tpu.memory_space<vmem>> -> memref<32x128xf32, #tpu.memory_space<vmem>>
      %gather3A_1652 = tpu.vector_load_idx %gather3A_1651[%add3A_1645, %broadcast_in_dim3A_1637] : memref<32x128xf32, #tpu.memory_space<vmem>>[vector<16xi32>, vector<16xi32>], vector<16xf32>,
      tpu.vector_store_idx %arg7[%add3A_1645, %broadcast_in_dim3A_1642], %gather3A_1652 : memref<32x512xf32, #tpu.memory_space<vmem>>[vector<16xi32>, vector<16xi32>], vector<16xf32>,
      %add3A_1653 = arith.constant 16 : i32
      %add3A_1654 = vector.broadcast %add3A_1653 : i32 to vector<16xi32>
      %add3A_1655 = arith.addi %iota3A_1331, %add3A_1654 : vector<16xi32>
      %gather3A_1656 = arith.constant 1 : i32
      %gather3A_1657 = arith.constant 6 : i32
      %gather3A_1658 = arith.constant 0 : i32
      %gather3A_1659 = arith.constant 0 : i32
      %gather3A_1660 = tpu.memref_slice %arg6[%gather3A_1656, %gather3A_1657, %gather3A_1658, %gather3A_1659] : memref<2x8x32x128xf32, #tpu.memory_space<vmem>> -> memref<1x1x32x128xf32, #tpu.memory_space<vmem>>
      %gather3A_1661 = tpu.memref_squeeze %gather3A_1660 : memref<1x1x32x128xf32, #tpu.memory_space<vmem>> -> memref<32x128xf32, #tpu.memory_space<vmem>>
      %gather3A_1662 = tpu.vector_load_idx %gather3A_1661[%add3A_1655, %broadcast_in_dim3A_1637] : memref<32x128xf32, #tpu.memory_space<vmem>>[vector<16xi32>, vector<16xi32>], vector<16xf32>,
      tpu.vector_store_idx %arg7[%add3A_1655, %broadcast_in_dim3A_1642], %gather3A_1662 : memref<32x512xf32, #tpu.memory_space<vmem>>[vector<16xi32>, vector<16xi32>], vector<16xf32>,
      %slice3A_1663 = vector.extract_strided_slice %and3A_1338 {offsets = [7], sizes = [1], strides = [1]} : vector<16xi32> to vector<1xi32>
      %squeeze3A_1664 = vector.extract %slice3A_1663[0] : i32 from vector<1xi32>
      %broadcast_in_dim3A_1665 = vector.broadcast %squeeze3A_1664 : i32 to vector<16xi32>
      %mul3A_1666 = arith.constant 8 : i32
      %mul3A_1667 = arith.muli %add3A_1330, %mul3A_1666 : i32
      %add3A_1668 = arith.constant 7 : i32
      %add3A_1669 = arith.addi %mul3A_1667, %add3A_1668 : i32
      %broadcast_in_dim3A_1670 = vector.broadcast %add3A_1669 : i32 to vector<16xi32>
      %add3A_1671 = arith.constant 0 : i32
      %add3A_1672 = vector.broadcast %add3A_1671 : i32 to vector<16xi32>
      %add3A_1673 = arith.addi %iota3A_1331, %add3A_1672 : vector<16xi32>
      %gather3A_1674 = arith.constant 1 : i32
      %gather3A_1675 = arith.constant 7 : i32
      %gather3A_1676 = arith.constant 0 : i32
      %gather3A_1677 = arith.constant 0 : i32
      %gather3A_1678 = tpu.memref_slice %arg6[%gather3A_1674, %gather3A_1675, %gather3A_1676, %gather3A_1677] : memref<2x8x32x128xf32, #tpu.memory_space<vmem>> -> memref<1x1x32x128xf32, #tpu.memory_space<vmem>>
      %gather3A_1679 = tpu.memref_squeeze %gather3A_1678 : memref<1x1x32x128xf32, #tpu.memory_space<vmem>> -> memref<32x128xf32, #tpu.memory_space<vmem>>
      %gather3A_1680 = tpu.vector_load_idx %gather3A_1679[%add3A_1673, %broadcast_in_dim3A_1665] : memref<32x128xf32, #tpu.memory_space<vmem>>[vector<16xi32>, vector<16xi32>], vector<16xf32>,
      tpu.vector_store_idx %arg7[%add3A_1673, %broadcast_in_dim3A_1670], %gather3A_1680 : memref<32x512xf32, #tpu.memory_space<vmem>>[vector<16xi32>, vector<16xi32>], vector<16xf32>,
      %add3A_1681 = arith.constant 16 : i32
      %add3A_1682 = vector.broadcast %add3A_1681 : i32 to vector<16xi32>
      %add3A_1683 = arith.addi %iota3A_1331, %add3A_1682 : vector<16xi32>
      %gather3A_1684 = arith.constant 1 : i32
      %gather3A_1685 = arith.constant 7 : i32
      %gather3A_1686 = arith.constant 0 : i32
      %gather3A_1687 = arith.constant 0 : i32
      %gather3A_1688 = tpu.memref_slice %arg6[%gather3A_1684, %gather3A_1685, %gather3A_1686, %gather3A_1687] : memref<2x8x32x128xf32, #tpu.memory_space<vmem>> -> memref<1x1x32x128xf32, #tpu.memory_space<vmem>>
      %gather3A_1689 = tpu.memref_squeeze %gather3A_1688 : memref<1x1x32x128xf32, #tpu.memory_space<vmem>> -> memref<32x128xf32, #tpu.memory_space<vmem>>
      %gather3A_1690 = tpu.vector_load_idx %gather3A_1689[%add3A_1683, %broadcast_in_dim3A_1665] : memref<32x128xf32, #tpu.memory_space<vmem>>[vector<16xi32>, vector<16xi32>], vector<16xf32>,
      tpu.vector_store_idx %arg7[%add3A_1683, %broadcast_in_dim3A_1670], %gather3A_1690 : memref<32x512xf32, #tpu.memory_space<vmem>>[vector<16xi32>, vector<16xi32>], vector<16xf32>,
      %scan3A_1691 = arith.constant 0 : i32
      scf.yield %scan3A_1691 : i32
    }
    %scan3A_481 = arith.constant 32 : i32
    "tpu.region"() ({
      %run_scoped3A = tpu.sem_alloc : memref<!tpu.dma_semaphore, #tpu.memory_space<semaphore_mem>>
      %dma_start3A_482 = arith.constant 0 : i32
      %dma_start3A_483 = tpu.memref_slice %arg4[%dma_start3A_482, %mul3A_2] : memref<32x16384xf32, #tpu.memory_space<hbm>> -> memref<32x512xf32, #tpu.memory_space<hbm>>
      %dma_start3A_484 = arith.constant 0 : i32
      %dma_start3A_485 = tpu.memref_slice %arg4[%dma_start3A_484, %mul3A_2] : memref<32x16384xf32, #tpu.memory_space<hbm>> -> memref<32x512xf32, #tpu.memory_space<hbm>>
      tpu.enqueue_dma source(%arg7 : memref<32x512xf32, #tpu.memory_space<vmem>>) target(%dma_start3A_485 : memref<32x512xf32, #tpu.memory_space<hbm>>) target_semaphore(%run_scoped3A : memref<!tpu.dma_semaphore, #tpu.memory_space<semaphore_mem>>)
      %dma_wait3A = arith.constant 0 : i32
      %dma_wait3A_486 = tpu.memref_slice %arg4[%dma_wait3A, %mul3A_2] : memref<32x16384xf32, #tpu.memory_space<hbm>> -> memref<32x512xf32, #tpu.memory_space<hbm>>
      %dma_wait3A_487 = arith.constant 0 : i32
      %dma_wait3A_488 = tpu.memref_slice %arg4[%dma_wait3A_487, %mul3A_2] : memref<32x16384xf32, #tpu.memory_space<hbm>> -> memref<32x512xf32, #tpu.memory_space<hbm>>
      tpu.wait_dma2 semaphore(%run_scoped3A : memref<!tpu.dma_semaphore, #tpu.memory_space<semaphore_mem>>) src(%arg7 : memref<32x512xf32, #tpu.memory_space<vmem>>) dst(%dma_wait3A_488 : memref<32x512xf32, #tpu.memory_space<hbm>>)
      tpu.yield
    }) : () -> ()
    return
  }
}

</mosaic_0001>

<sc_bundles>
// kernel: kernel.3.cloned.1.call-start
scs
__scs_entry_jumppad:
0x0: {  	(pc) =	sbr.rel $0x88, $3  }
0x1: {  	(tag) =	ssettag $0x0;
	lr =	simm.s32 $0x1  }
0x2: {  	[smem:$0x3F9F] =	sst lr;
	_ =	strace $0xD0000000  }
0x3: {  	_ = 	snop  }
0x4: {  	_ = 	snop  }
0x5: {  	_ = 	snop  }
0x6: {  	_ = 	snop  }
0x7: {  	_ = 	snop  }
__scs_overlays_trampoline_lowered:
0x8: {  	[smem:$0x3FAE] =	sst s0  }
0x9: {  	[smem:$0x3FAF] =	sst s1  }
0xa: {  	[smem:$0x3FB0] =	sst s2  }
0xb: {  	[smem:$0x3FB1] =	sst s3  }
0xc: {  	[smem:$0x3FB2] =	sst s4  }
0xd: {  	[smem:$0x3FB3] =	sst s5  }
0xe: {  	[smem:$0x3FB4] =	sst s6  }
0xf: {  	[smem:$0x3FB5] =	sst s7  }
0x10: {  	[smem:$0x3FB6] =	sst s8  }
0x11: {  	[smem:$0x3FB7] =	sst s9;
	s0 =	simm.s32 @!p0 $0x0  }
0x12: {  	s1 =	sld [smem:$0x3F9D];
	s0 =	simm.s32 @p0 $0x1  }
0x13: {  	[smem:$0x3FB8] =	sst s0;
	s0 =	simm.s32 @!p1 $0x0  }
0x14: {  	s2 =	sld [smem:$0x3F9C];
	s0 =	simm.s32 @p1 $0x1  }
0x15: {  	[smem:$0x3FB9] =	sst s0;
	s0 =	simm.s32 @!p2 $0x0  }
0x16: {  	s3 =	sld [smem:$0x3FDB];
	s0 =	simm.s32 @p2 $0x1  }
0x17: {  	s4 =	simm.s32 $0x1BF5;
	[smem:$0x3FBB] =	sst s0  }
0x18: {  	s0 =	sld [smem:$0x3F9E];
	_ =	swait.ge [sflag:s4], $0x0  }
0x19: {  	s7 =	sld [smem:$0x3F9F]  }
0x1a: {  	s8 =	sadd.s32 $0xFFFFE003, lr  }
0x1b: {  	s9 =	sadd.s32 $0xFFFFFEF7, lr;
	s5 =	simm.s32 $0xFFFFFFFF;
	p2 =	slt.u32 s8, $0xFFFFF086  }
0x1c: {  	p1 =	slt.u32 s9, $0xF7A;
	s5 =	simm.s32 @!p2 $0x0  }
0x1d: {  	s5 =	simm.s32 @p1 $0x1;
	p0 =	seq.s32 s7, s2  }
0x1e: {  	s7 =	smul.u32 @!p0 $0xF7A, s2;
	p2 =	seq.s32 @!p0 s5, $0x0  }
0x1f: {  	s9 =	smul.u32 $0xF7A, s1;
	s8 =	simm.s32 @!p0 $0x1BF5;
	p2 =	por !p2, p0  }
0x20: {  	[sflag:s8] =	ssyncset.s32 @!p0 $0xFFFFF086;
	s6 =	sadd.s32 @!p0 s3, s7;
	s7 =	simm.s32 @!p0 $0x108  }
0x21: {  	s3 =	sadd.s32 s3, s9;
	s6 =	sadd.s32 @!p0 $0x88, s6;
	s7 =	simm.s32 @p2 $0x1082  }
0x22: {  	[simem:s7], [sflag:s8] =	dma.local @!p0 [hbm:s6], $0xF7A  }
0x23: {  	s9 =	sor.u32 $0xD0000000, s2;
	s6 =	simm.s32 $0x108;
	_ =	swait.ge @!p0 [sflag:s8], $0x0  }
0x24: {  	s3 =	sadd.s32 $0x88, s3;
	s6 =	simm.s32 @!p1 $0x1082;
	[sflag:s4] =	ssyncset.s32 $0xFFFFF086  }
0x25: {  	[simem:s6], [sflag:s4] =	dma.local [hbm:s3], $0xF7A  }
0x26: {  	[smem:$0x3F9F] =	sst s1;
	(tag) =	ssettag s2;
	_ =	strace s9  }
0x27: {  	s1 =	sld [smem:$0x3FAF]  }
0x28: {  	s2 =	sld [smem:$0x3FB0]  }
0x29: {  	s4 =	sld [smem:$0x3FB2]  }
0x2a: {  	p0 =	seq.s32 s5, $0x0;
	s5 =	sld [smem:$0x3FB3]  }
0x2b: {  	s6 =	sld [smem:$0x3FB4]  }
0x2c: {  	s7 =	sld [smem:$0x3FB5]  }
0x2d: {  	s3 =	simm.s32 $0x108;
	s8 =	sld [smem:$0x3FB6]  }
0x2e: {  	s3 =	simm.s32 @!p0 $0x1082;
	s9 =	sld [smem:$0x3FB7]  }
0x2f: {  	lr =	sadd.s32 s0, s3;
	s0 =	sld [smem:$0x3FAE]  }
0x30: {  	s3 =	sld [smem:$0x3FB1]  }
0x31: {  	[smem:$0x3FBA] =	sst s10  }
0x32: {  	s10 =	sld [smem:$0x3FB8];
	_ =	sdelay $0x3  }
0x33: {  	p0 =	seq.s32 s10, $0x1;
	s10 =	sld [smem:$0x3FBA];
	_ =	sdelay $0x3  }
0x34: {  	[smem:$0x3FBA] =	sst s10  }
0x35: {  	s10 =	sld [smem:$0x3FB9];
	_ =	sdelay $0x3  }
0x36: {  	p1 =	seq.s32 s10, $0x1;
	s10 =	sld [smem:$0x3FBA];
	_ =	sdelay $0x3  }
0x37: {  	[smem:$0x3FBA] =	sst s10  }
0x38: {  	s10 =	sld [smem:$0x3FBB]  }
0x39: {  	_ = 	snop;
	(pc) =	sbr.ind lr, $3  }
0x3a: {  	_ = 	snop  }
0x3b: {  	_ = 	snop  }
0x3c: {  	p2 =	seq.s32 s10, $0x1;
	s10 =	sld [smem:$0x3FBA]  }
0x3d: {  	_ =	shalt  }
0x3e: {  	_ =	shalt  }
0x3f: {  	_ =	shalt  }
0x40: {  	_ =	shalt  }
0x41: {  	_ =	shalt  }
0x42: {  	_ =	shalt  }
0x43: {  	_ =	shalt  }
0x44: {  	_ =	shalt  }
0x45: {  	_ =	shalt  }
0x46: {  	_ =	shalt  }
0x47: {  	_ =	shalt  }
0x48: {  	_ =	shalt  }
0x49: {  	_ =	shalt  }
0x4a: {  	_ =	shalt  }
0x4b: {  	_ =	shalt  }
0x4c: {  	_ =	shalt  }
0x4d: {  	_ =	shalt  }
0x4e: {  	_ =	shalt  }
0x4f: {  	_ =	shalt  }
0x50: {  	_ =	shalt  }
0x51: {  	_ =	shalt  }
0x52: {  	_ =	shalt  }
0x53: {  	_ =	shalt  }
0x54: {  	_ =	shalt  }
0x55: {  	_ =	shalt  }
0x56: {  	_ =	shalt  }
0x57: {  	_ =	shalt  }
0x58: {  	_ =	shalt  }
0x59: {  	_ =	shalt  }
0x5a: {  	_ =	shalt  }
0x5b: {  	_ =	shalt  }
0x5c: {  	_ =	shalt  }
0x5d: {  	_ =	shalt  }
0x5e: {  	_ =	shalt  }
0x5f: {  	_ =	shalt  }
0x60: {  	_ =	shalt  }
0x61: {  	_ =	shalt  }
0x62: {  	_ =	shalt  }
0x63: {  	_ =	shalt  }
0x64: {  	_ =	shalt  }
0x65: {  	_ =	shalt  }
0x66: {  	_ =	shalt  }
0x67: {  	_ =	shalt  }
0x68: {  	_ =	shalt  }
0x69: {  	_ =	shalt  }
0x6a: {  	_ =	shalt  }
0x6b: {  	_ =	shalt  }
0x6c: {  	_ =	shalt  }
0x6d: {  	_ =	shalt  }
0x6e: {  	_ =	shalt  }
0x6f: {  	_ =	shalt  }
0x70: {  	_ =	shalt  }
0x71: {  	_ =	shalt  }
0x72: {  	_ =	shalt  }
0x73: {  	_ =	shalt  }
0x74: {  	_ =	shalt  }
0x75: {  	_ =	shalt  }
0x76: {  	_ =	shalt  }
0x77: {  	_ =	shalt  }
0x78: {  	_ =	shalt  }
0x79: {  	_ =	shalt  }
0x7a: {  	_ =	shalt  }
0x7b: {  	_ =	shalt  }
0x7c: {  	_ =	shalt  }
0x7d: {  	_ =	shalt  }
0x7e: {  	_ =	shalt  }
0x7f: {  	_ =	shalt  }
0x80: {  	_ =	shalt  }
0x81: {  	_ =	shalt  }
0x82: {  	_ =	shalt  }
0x83: {  	_ =	shalt  }
0x84: {  	_ =	shalt  }
0x85: {  	_ =	shalt  }
0x86: {  	_ =	shalt  }
0x87: {  	_ =	shalt  }
.Lfunc_end0:
.L_simem_size_0:
called_computation_lowered:
.L_overlay_start_0:
0x88: {  	s2 =	sld [smem:$0x3FD9]  }
0x89: {  	s3 =	sld [smem:$0x3FFE];
	_ =	sdelay $0x1  }
0x8a: {  	s1 =	srdreg.scid  }
0x8b: {  	s0 =	sand.u32 $0x1, s1  }
0x8c: {  	s18 =	sshll.u32 s0, $0xA;
	s2 =	sadd.s32 s3, s2  }
0x8d: {  	s2 =	sadd.s32 s2, s18  }
0x8e: {  	[smem:$0x3FC6] =	sst s2  }
0x8f: {  	_ = 	snop  }
0x90: {  	s2 =	sld [smem:$0x3FC9]  }
0x91: {  	s19 =	sld [smem:$0x3FC8]  }
0x92: {  	s4 =	sld [smem:$0x3FD0];
	(tm) =	ssettm $0x1  }
0x93: {  	s5 =	sld [smem:$0x3FFB];
	_ =	sdelay $0x3  }
0x94: {  	_ =	strace s5  }
0x95: {  	s5 =	sld [smem:$0x3FFC];
	_ =	sdelay $0x3  }
0x96: {  	_ =	strace s5  }
0x97: {  	s5 =	sld [smem:$0x3FFD];
	_ =	sdelay $0x3  }
0x98: {  	_ =	strace s5  }
0x99: {  	_ =	strace $0x8FFFFFFF  }
0x9a: {  	s20 =	sld [smem:$0x3FDB];
	_ =	sdelay $0x1  }
0x9b: {  	s6 =	simm.s32 $_scs_section_size  }
0x9c: {  	s7 =	simm.s32 $_size__tile_overlayer_lowered;
	s8 =	simm.s32 $_tile_overlayer_lowered  }
0x9d: {  	s23 =	simm.s32 $0x1BFF;
	s22 =	sshll.u32 s8, $0x1;
	s5 =	sadd.s32 s6, s20  }
0x9e: {  	s9 =	simm.s32 $0x0;
	s21 =	sshll.u32 s7, $0x1;
	s7 =	sadd.s32 s22, s5  }
0x9f: {  	[timem:s9], [sflag:s23] =	dma.local [hbm:s7], s21  }
0xa0: {  	_ =	swait.ge [sflag:s23], s21  }
0xa1: {  	s6 =	ssub.s32 $0x0, s21;
	[sflag:s23] =	ssyncset.done $0x0  }
0xa2: {  	[sflag:s23] =	ssyncadd.s32 s6;
	_ =	sdelay $0x1  }
0xa3: {  	s24 =	simm.s32 $0x1B8B  }
0xa4: {  	_ =	swait.ge [sflag:s24], $0x1  }
0xa5: {  	[sflag:s24] =	ssyncset.done $0x0  }
0xa6: {  	s25 =	simm.s32 $0x1B8E;
	[sflag:s24] =	ssyncadd.s32 $0xFFFFFFFF  }
0xa7: {  	s26 =	simm.s32 $execute0_lowered;
	[smem:$0x3FD2] =	sst s25  }
0xa8: {  	s6 =	sshll.u32 s26, $0x1;
	_ =	strace $0x80000046;
	[dreg:$0x1] =	wrdreg $0xFFFFFFFF  }
0xa9: {  	s28 =	simm.s32 $_size_execute0_lowered;
	s5 =	sadd.s32 s5, s6;
	[dreg:$0x0] =	wrdreg $0x0  }
0xaa: {  	s6 =	sshll.u32 s28, $0x1;
	[dreg:$0x2] =	wrdreg s5  }
0xab: {  	[dreg:$0x3] =	wrdreg s6  }
0xac: {  	[dreg:$0x4] =	wrdreg $0xC0  }
0xad: {  	_ =	task [dreg:s9], $0x5FFFF  }
0xae: {  	[dreg:$0x1] =	wrdreg $0xFFFFFFFF  }
0xaf: {  	[dreg:$0x0] =	wrdreg $0x60  }
0xb0: {  	[dreg:$0x2] =	wrdreg s19  }
0xb1: {  	[dreg:$0x3] =	wrdreg s2  }
0xb2: {  	[dreg:$0x4] =	wrdreg s4  }
0xb3: {  	[dreg:$0x5] =	wrdreg $0x9  }
0xb4: {  	_ =	task.clear_ibuf [dreg:s9], $0x6FFFF;
	_ =	strace $0x90000046  }
0xb5: {  	s29 =	simm.s32 $0x9;
	_ =	strace $0x80000048  }
0xb6: {  	_ =	swait.ge [sflag:s29], $0x1  }
0xb7: {  	[sflag:s29] =	ssyncadd.s32 $0xFFFFFFFF  }
0xb8: {  	_ =	strace $0x90000048  }
0xb9: {  	_ =	sfence  }
0xba: {  	s30 =	sld [smem:$0x0];
	_ =	sdelay $0x2  }
0xbb: {  	s31 =	sshll.u32 s1, $0xD;
	s1 =	sshrl.u32 s1, $0x2  }
0xbc: {  	s3 =	sand.u32 $0x4000, s31;
	s1 =	sadd.s32 s1, s30  }
0xbd: {  	s0 =	sor.u32 s3, s0;
	s1 =	sshll.u32 s1, $0x11  }
0xbe: {  	s0 =	sor.u32 s1, s0  }
0xbf: {  	s0 =	sadd.s32 $0x8F2B, s0  }
0xc0: {  	[sflag:s0] =	ssyncadd.remote.s32 $0x1  }
0xc1: {  	_ =	sfence.sel $0xFFFF  }
0xc2: {  	[dreg:$0x0] =	wrdreg $0xFFFFFFFF;
	(pc) =	sbr.abs _section_cstart, $3  }
0xc3: {  	[dreg:$0x1] =	wrdreg $0xFFFFFFFF  }
0xc4: {  	_ =	task.clear_ibuf [dreg:s9], $0x2FFFF;
	_ =	strace $0x9FFFFFFF  }
0xc5: {  	(tm) =	ssettm $0x7FFFFFFF  }
tec
execute0_lowered:
.L_overlay_start_1:
0x0: {  	(tag) =	ssettag $0x1  }
0x1: {  	s1 =	rddreg [dreg:$0x0]  }
0x2: {  	s0 =	rddreg [dreg:$0x1];
	v0 =	vlaneseq.u32;
	v1 =	vimm.s32 $0x1380  }
0x3: {  	s2 =	rddreg [dreg:$0x2];
	s3 =	simm.s32 $0x0;
	vm0 =	vcmask $0x300;
	v2 =	vimm.s32 $0x3380;
	vm1 =	vcmask $0x704  }
0x4: {  	s4 =	srdreg.scid;
	s6 =	stileid.u32;
	s11 =	simm.s32 $0x280;
	vm15 =	vcmask $0xB08;
	v1 =	vsel vm0, $0x0, v1;
	v2 =	vsel vm0, $0x2000, v2  }
0x5: {  	s15 =	simm.s32 $0x1280;
	s19 =	simm.s32 $0x2280;
	s23 =	simm.s32 $0x3280;
	vm4 =	vcmask $0xF0C;
	v1 =	vsel vm1, $0x80, v1;
	v2 =	vsel vm1, $0x2080, v2  }
0x6: {  	s28 =	simm.s32 $0x4280;
	s9 =	simm.s32 $0x6280;
	s14 =	simm.s32 $0x7280;
	vm5 =	vcmask $0x1310;
	v1 =	vsel vm15, $0x100, v1;
	v2 =	vsel vm15, $0x2100, v2  }
0x7: {  	s20 =	simm.s32 $0x8280;
	s12 =	simm.s32 $0x8680;
	vm6 =	vcmask $0x1714;
	s25 =	simm.s32 $0x9280;
	v1 =	vsel vm4, $0x180, v1;
	v2 =	vsel vm4, $0x2180, v2  }
0x8: {  	vm7 =	vcmask $0x1B18;
	s31 =	simm.s32 $0xA280;
	s10 =	simm.s32 $0xB280;
	s17 =	simm.s32 $0xC280;
	v1 =	vsel vm5, $0x200, v1;
	v2 =	vsel vm5, $0x2200, v2  }
0x9: {  	vm8 =	vcmask $0x1F1C;
	s24 =	simm.s32 $0xD280;
	s13 =	simm.s32 $0xF280;
	s18 =	simm.s32 $0xFA80;
	v1 =	vsel vm6, $0x280, v1;
	v2 =	vsel vm6, $0x2280, v2  }
0xa: {  	vm9 =	vcmask $0x2320;
	s21 =	simm.s32 $0xFE80;
	s22 =	simm.s32 $0x1;
	s26 =	simm.s32 $0x10280;
	v1 =	vsel vm7, $0x300, v1;
	v2 =	vsel vm7, $0x2300, v2  }
0xb: {  	vm10 =	vcmask $0x2724;
	s16 =	simm.s32 $0x0;
	[smem:$0x7FF] =	sst s3;
	s4 =	sand.u32 $0x1, s4;
	v1 =	vsel vm8, $0x380, v1;
	v2 =	vsel vm8, $0x2380, v2  }
0xc: {  	vm11 =	vcmask $0x2B28;
	s6 =	sshll.u32 s6, $0xA;
	s5 =	ssub.s32 $0x2, s4;
	s4 =	sshll.u32 s4, $0x9;
	v1 =	vsel vm9, $0x1000, v1;
	v2 =	vsel vm9, $0x3000, v2  }
0xd: {  	vm12 =	vcmask $0x2F2C;
	_ =	strace $0x80000047;
	s7 =	sshrl.u32 s5, $0x1;
	s8 =	sor.u32 s4, s6;
	v1 =	vsel vm10, $0x1080, v1;
	v2 =	vsel vm10, $0x3080, v2  }
.Ltmp0:
0xe: {  	vm13 =	vcmask $0x3330;
	s4 =	sadd.s32 $0xF4280, s1;
	s5 =	ssub.s32 s5, s7;
	v1 =	vsel vm11, $0x1100, v1;
	v2 =	vsel vm11, $0x3100, v2;
	(pc) =	sbr.rel .LBB2_1-.Ltmp0, $4  }
0xf: {  	vm14 =	vcmask $0x3734;
	s6 =	sshrl.u32 s8, $0x3;
	s7 =	sadd.s32 $0x2DC780, s1;
	s29 =	sadd.s32 s2, s8;
	v1 =	vsel vm12, $0x1180, v1;
	v2 =	vsel vm12, $0x3180, v2  }
0x10: {  	v0 =	vmul.u32 $0x80, v0;
	s8 =	simm.s32 $0x2;
	s0 =	sadd.s32 s0, s6;
	[dreg:$0x5] =	wrdreg s29;
	v1 =	vsel vm13, $0x1200, v1;
	v2 =	vsel vm13, $0x3200, v2  }
0x11: {  	vm15 =	vcmask $0x3B38;
	s2 =	simm.s32 $0xE280;
	s30 =	smax.u32 s5, $0x1;
	[dreg:$0x4] =	wrdreg s0;
	v1 =	vsel vm14, $0x1280, v1;
	v3 =	vsel vm14, $0x3280, v2  }
0x12: {  	s6 =	sadd.s32 $0x1E8500, s1;
	[dreg:$0x6] =	wrdreg s30;
	s0 =	simm.s32 $0x5280;
	v2 =	vor.u32 $0x800, v0;
	v1 =	vsel vm15, $0x1300, v1;
	v3 =	vsel vm15, $0x3300, v3  }
.LBB2_5:
0x13: {  	s5 =	rddreg [dreg:$0x5];
	s8 =	simm.s32 $0x1000;
	s16 =	simm.s32 $0x20000  }
0x14: {  	[hbm4b:s5+s8] =	stream.strided.scatter [tilespmem:s26], [sflag:$0x2], $0x4000, s16, s8, $0x38;
	[tilespmem:$0x14280] =	vst v63  }
0x15: {  	s8 =	simm.s32 $0x2  }
0x16: {  	_ =	swait.ge [sflag:s8], $0x4000  }
0x17: {  	s29 =	rddreg [dreg:$0x7]  }
0x18: {  	s30 =	rddreg [dreg:$0x6];
	s16 =	sadd.s32 $0x1, s29  }
0x19: {  	p0 =	sne.s32 s16, s30  }
.Ltmp1:
0x1a: {  	_ = 	snop;
	(pc) =	sbr.rel @!p0 .LBB2_6-.Ltmp1, $3  }
0x1b: {  	_ =	sdelay $0x1  }
0x1c: {  	[sflag:s8] =	ssyncset.done $0x0  }
0x1d: {  	[sflag:s8] =	ssyncadd.s32 $0xFFFFC000  }
.LBB2_1:
0x1e: {  	[dreg:$0x7] =	wrdreg s16  }
0x1f: {  	s5 =	rddreg [dreg:$0x4]  }
0x20: {  	[tilespmem:s3], [sflag:$0x2] =	stream.linear.gather [hbm4b:s5+s3], $0x200, $0x38;
	[tilespmem:$0x14280] =	vst v63  }
0x21: {  	_ =	swait.ge [sflag:s8], $0x200  }
0x22: {  	[sflag:s8] =	ssyncset.done $0x0  }
0x23: {  	[sflag:s8] =	ssyncadd.s32 $0xFFFFFE00  }
0x24: {  	v4 =	vld [tilespmem:$0x0];
	_ =	sdelay $0x4  }
0x25: {  	v4 =	vand.u32 $0xFFFFFF80, v4  }
0x26: {  	(v2sf) =	vpush v4, $0x0;
	_ =	sdelay $0x8  }
0x27: {  	(v2sf) =	vpush v4, $0x1;
	_ =	sdelay $0x5  }
0x28: {  	s29 =	spop (v2sf)  }
0x29: {  	s30 =	sadd.s32 s1, s29  }
0x2a: {  	[tilespmem:s11], [sflag:$0x1] =	stream.linear.gather [hbm4b:s30+s3], $0x400, $0x38;
	[tilespmem:$0x14280] =	vst v63  }
0x2b: {  	s8 =	simm.s32 $0x680;
	(v2sf) =	vpush v4, $0x2;
	s30 =	sadd.s32 s29, s4  }
0x2c: {  	[tilespmem:s8], [sflag:$0x1] =	stream.linear.gather [hbm4b:s30+s3], $0x400, $0x38;
	[tilespmem:$0x14280] =	vst v63  }
0x2d: {  	s16 =	simm.s32 $0xA80;
	s30 =	sadd.s32 s29, s6  }
0x2e: {  	[tilespmem:s16], [sflag:$0x1] =	stream.linear.gather [hbm4b:s30+s3], $0x400, $0x38;
	[tilespmem:$0x14280] =	vst v63  }
0x2f: {  	s29 =	sadd.s32 s29, s7;
	s8 =	simm.s32 $0xE80  }
0x30: {  	[tilespmem:s8], [sflag:$0x1] =	stream.linear.gather [hbm4b:s29+s3], $0x400, $0x38;
	[tilespmem:$0x14280] =	vst v63  }
0x31: {  	s29 =	spop (v2sf)  }
0x32: {  	s30 =	sadd.s32 s1, s29  }
0x33: {  	[tilespmem:s15], [sflag:$0x1] =	stream.linear.gather [hbm4b:s30+s3], $0x400, $0x38;
	[tilespmem:$0x14280] =	vst v63  }
0x34: {  	s16 =	simm.s32 $0x1680;
	(v2sf) =	vpush v4, $0x3;
	s30 =	sadd.s32 s29, s4  }
0x35: {  	[tilespmem:s16], [sflag:$0x1] =	stream.linear.gather [hbm4b:s30+s3], $0x400, $0x38;
	[tilespmem:$0x14280] =	vst v63  }
0x36: {  	s8 =	simm.s32 $0x1A80;
	s30 =	sadd.s32 s29, s6  }
0x37: {  	[tilespmem:s8], [sflag:$0x1] =	stream.linear.gather [hbm4b:s30+s3], $0x400, $0x38;
	[tilespmem:$0x14280] =	vst v63  }
0x38: {  	s29 =	sadd.s32 s29, s7;
	s16 =	simm.s32 $0x1E80  }
0x39: {  	[tilespmem:s16], [sflag:$0x1] =	stream.linear.gather [hbm4b:s29+s3], $0x400, $0x38;
	[tilespmem:$0x14280] =	vst v63  }
0x3a: {  	s29 =	spop (v2sf)  }
0x3b: {  	s30 =	sadd.s32 s1, s29  }
0x3c: {  	[tilespmem:s19], [sflag:$0x1] =	stream.linear.gather [hbm4b:s30+s3], $0x400, $0x38;
	[tilespmem:$0x14280] =	vst v63  }
0x3d: {  	s8 =	simm.s32 $0x2680;
	(v2sf) =	vpush v4, $0x4;
	s30 =	sadd.s32 s29, s4  }
0x3e: {  	[tilespmem:s8], [sflag:$0x1] =	stream.linear.gather [hbm4b:s30+s3], $0x400, $0x38;
	[tilespmem:$0x14280] =	vst v63  }
0x3f: {  	s16 =	simm.s32 $0x2A80;
	s30 =	sadd.s32 s29, s6  }
0x40: {  	[tilespmem:s16], [sflag:$0x1] =	stream.linear.gather [hbm4b:s30+s3], $0x400, $0x38;
	[tilespmem:$0x14280] =	vst v63  }
0x41: {  	s29 =	sadd.s32 s29, s7;
	s8 =	simm.s32 $0x2E80  }
0x42: {  	[tilespmem:s8], [sflag:$0x1] =	stream.linear.gather [hbm4b:s29+s3], $0x400, $0x38;
	[tilespmem:$0x14280] =	vst v63  }
0x43: {  	s29 =	spop (v2sf)  }
0x44: {  	s30 =	sadd.s32 s1, s29  }
0x45: {  	[tilespmem:s23], [sflag:$0x1] =	stream.linear.gather [hbm4b:s30+s3], $0x400, $0x38;
	[tilespmem:$0x14280] =	vst v63  }
0x46: {  	s16 =	simm.s32 $0x3680;
	(v2sf) =	vpush v4, $0x5;
	s30 =	sadd.s32 s29, s4  }
0x47: {  	[tilespmem:s16], [sflag:$0x1] =	stream.linear.gather [hbm4b:s30+s3], $0x400, $0x38;
	[tilespmem:$0x14280] =	vst v63  }
0x48: {  	s8 =	simm.s32 $0x3A80;
	s30 =	sadd.s32 s29, s6  }
0x49: {  	[tilespmem:s8], [sflag:$0x1] =	stream.linear.gather [hbm4b:s30+s3], $0x400, $0x38;
	[tilespmem:$0x14280] =	vst v63  }
0x4a: {  	s29 =	sadd.s32 s29, s7;
	s16 =	simm.s32 $0x3E80  }
0x4b: {  	[tilespmem:s16], [sflag:$0x1] =	stream.linear.gather [hbm4b:s29+s3], $0x400, $0x38;
	[tilespmem:$0x14280] =	vst v63  }
0x4c: {  	s29 =	spop (v2sf)  }
0x4d: {  	(v2sf) =	vpush v4, $0x6;
	s30 =	sadd.s32 s1, s29  }
0x4e: {  	[tilespmem:s28], [sflag:$0x1] =	stream.linear.gather [hbm4b:s30+s3], $0x400, $0x38;
	[tilespmem:$0x14280] =	vst v63  }
0x4f: {  	s8 =	simm.s32 $0x4680;
	s30 =	sadd.s32 s29, s4  }
0x50: {  	[tilespmem:s8], [sflag:$0x1] =	stream.linear.gather [hbm4b:s30+s3], $0x400, $0x38;
	[tilespmem:$0x14280] =	vst v63  }
0x51: {  	s16 =	simm.s32 $0x4A80;
	s30 =	sadd.s32 s29, s6  }
0x52: {  	[tilespmem:s16], [sflag:$0x1] =	stream.linear.gather [hbm4b:s30+s3], $0x400, $0x38;
	[tilespmem:$0x14280] =	vst v63  }
0x53: {  	s29 =	sadd.s32 s29, s7;
	s8 =	simm.s32 $0x4E80  }
0x54: {  	[tilespmem:s8], [sflag:$0x1] =	stream.linear.gather [hbm4b:s29+s3], $0x400, $0x38;
	[tilespmem:$0x14280] =	vst v63  }
0x55: {  	s29 =	spop (v2sf)  }
0x56: {  	s30 =	sadd.s32 s1, s29  }
0x57: {  	(v2sf) =	vpush v4, $0x7;
	[tilespmem:s0], [sflag:$0x1] =	stream.linear.gather [hbm4b:s30+s3], $0x400, $0x38;
	[tilespmem:$0x14280] =	vst v63  }
0x58: {  	s16 =	simm.s32 $0x5680;
	s30 =	sadd.s32 s29, s4  }
0x59: {  	[tilespmem:s16], [sflag:$0x1] =	stream.linear.gather [hbm4b:s30+s3], $0x400, $0x38;
	[tilespmem:$0x14280] =	vst v63  }
0x5a: {  	s8 =	simm.s32 $0x5A80;
	s30 =	sadd.s32 s29, s6  }
0x5b: {  	[tilespmem:s8], [sflag:$0x1] =	stream.linear.gather [hbm4b:s30+s3], $0x400, $0x38;
	[tilespmem:$0x14280] =	vst v63  }
0x5c: {  	s29 =	sadd.s32 s29, s7;
	s16 =	simm.s32 $0x5E80;
	s30 =	spop (v2sf)  }
0x5d: {  	[tilespmem:s16], [sflag:$0x1] =	stream.linear.gather [hbm4b:s29+s3], $0x400, $0x38;
	[tilespmem:$0x14280] =	vst v63  }
0x5e: {  	s29 =	sadd.s32 s1, s30  }
0x5f: {  	[tilespmem:s9], [sflag:$0x1] =	stream.linear.gather [hbm4b:s29+s3], $0x400, $0x38;
	[tilespmem:$0x14280] =	vst v63  }
0x60: {  	s8 =	simm.s32 $0x6680;
	s29 =	sadd.s32 s30, s4  }
0x61: {  	[tilespmem:s8], [sflag:$0x1] =	stream.linear.gather [hbm4b:s29+s3], $0x400, $0x38;
	[tilespmem:$0x14280] =	vst v63  }
0x62: {  	s16 =	simm.s32 $0x6A80;
	s29 =	sadd.s32 s30, s6  }
0x63: {  	[tilespmem:s16], [sflag:$0x1] =	stream.linear.gather [hbm4b:s29+s3], $0x400, $0x38;
	[tilespmem:$0x14280] =	vst v63  }
0x64: {  	s8 =	simm.s32 $0x6E80;
	s29 =	sadd.s32 s30, s7  }
0x65: {  	[tilespmem:s8], [sflag:$0x1] =	stream.linear.gather [hbm4b:s29+s3], $0x400, $0x38;
	[tilespmem:$0x14280] =	vst v63  }
0x66: {  	s29 =	spop (v2sf)  }
0x67: {  	s30 =	sadd.s32 s1, s29  }
0x68: {  	[tilespmem:s14], [sflag:$0x1] =	stream.linear.gather [hbm4b:s30+s3], $0x400, $0x38;
	[tilespmem:$0x14280] =	vst v63  }
0x69: {  	s16 =	simm.s32 $0x7680;
	s30 =	sadd.s32 s29, s4  }
0x6a: {  	[tilespmem:s16], [sflag:$0x1] =	stream.linear.gather [hbm4b:s30+s3], $0x400, $0x38;
	[tilespmem:$0x14280] =	vst v63  }
.Ltmp2:
0x6b: {  	s8 =	simm.s32 $0x7A80;
	s30 =	sadd.s32 s29, s6;
	(pc) =	sbr.rel .LBB2_2-.Ltmp2, $4  }
0x6c: {  	[tilespmem:s8], [sflag:$0x1] =	stream.linear.gather [hbm4b:s30+s3], $0x400, $0x38;
	[tilespmem:$0x14280] =	vst v63  }
0x6d: {  	s29 =	sadd.s32 s29, s7;
	s16 =	simm.s32 $0x7E80  }
0x6e: {  	[tilespmem:s16], [sflag:$0x1] =	stream.linear.gather [hbm4b:s29+s3], $0x400, $0x38;
	[tilespmem:$0x14280] =	vst v63  }
0x6f: {  	s30 =	simm.s32 $0x0;
	s29 =	simm.s32 $0x8  }
.LBB2_4:
0x70: {  	v4 =	vld [tilespmem:s29+$0x0];
	_ =	swait.ge [sflag:s22], $0x1000  }
0x71: {  	[sflag:s22] =	ssyncset.done $0x0  }
0x72: {  	[sflag:s22] =	ssyncadd.s32 $0xFFFFF000  }
0x73: {  	_ =	swait.ge [sflag:s22], $0x1000  }
0x74: {  	[sflag:s22] =	ssyncset.done $0x0  }
0x75: {  	[sflag:s22] =	ssyncadd.s32 $0xFFFFF000  }
0x76: {  	_ =	swait.ge [sflag:s22], $0x1000  }
0x77: {  	[sflag:s22] =	ssyncset.done $0x0  }
0x78: {  	[sflag:s22] =	ssyncadd.s32 $0xFFFFF000  }
0x79: {  	_ =	swait.ge [sflag:s22], $0x1000  }
0x7a: {  	[sflag:s22] =	ssyncset.done $0x0  }
0x7b: {  	[sflag:s22] =	ssyncadd.s32 $0xFFFFF000  }
0x7c: {  	_ =	swait.ge [sflag:s22], $0x1000  }
0x7d: {  	[sflag:s22] =	ssyncset.done $0x0  }
0x7e: {  	[sflag:s22] =	ssyncadd.s32 $0xFFFFF000  }
0x7f: {  	_ =	swait.ge [sflag:s22], $0x1000  }
0x80: {  	v4 =	vand.u32 $0x7F, v4;
	[sflag:s22] =	ssyncset.done $0x0  }
0x81: {  	v5 =	vbroadcast v4, $0x0;
	[sflag:s22] =	ssyncadd.s32 $0xFFFFF000  }
0x82: {  	_ =	swait.ge [sflag:s22], $0x1000  }
0x83: {  	s5 =	sadd.s32 $0x8, s30;
	v6 =	vor.u32 v0, v5;
	[sflag:s22] =	ssyncset.done $0x0  }
0x84: {  	v7 =	vmov s5;
	[sflag:s22] =	ssyncadd.s32 $0xFFFFF000  }
0x85: {  	v8 =	vshll.u32 v7, $0x3;
	_ =	swait.ge [sflag:s22], $0x1000  }
0x86: {  	v7 =	vand.u32 $0x78, v7;
	v8 =	vand.u32 $0xC00, v8;
	[sflag:s22] =	ssyncset.done $0x0  }
0x87: {  	v7 =	vor.u32 v7, v8;
	[sflag:s22] =	ssyncadd.s32 $0xFFFFF000  }
0x88: {  	v8 =	vor.u32 v1, v7;
	v6 =	vld.idx.msk [tilespmem:v6+s20+$0x0], $0xffff  }
0x89: {  	v5 =	vor.u32 v2, v5;
	_ =	sdelay $0x3  }
0x8a: {  	v32 =	vbroadcast v4, $0x1;
	[tilespmem:v8+s26+$0x0] =	vst.idx.msk $0xffff, v6  }
0x8b: {  	v7 =	vor.u32 v3, v7;
	v5 =	vld.idx.msk [tilespmem:v5+s20+$0x0], $0xffff  }
0x8c: {  	s16 =	sadd.s32 $0x9, s30;
	v33 =	vor.u32 v0, v32  }
0x8d: {  	v9 =	vmov s16  }
0x8e: {  	v10 =	vshll.u32 v9, $0x3  }
0x8f: {  	v9 =	vand.u32 $0x79, v9;
	v10 =	vand.u32 $0xC00, v10  }
0x90: {  	[tilespmem:v7+s26+$0x0] =	vst.idx.msk $0xffff, v5;
	v5 =	vor.u32 v9, v10  }
0x91: {  	v7 =	vld.idx.msk [tilespmem:v33+s25+$0x0], $0xffff;
	v34 =	vor.u32 v1, v5  }
0x92: {  	v6 =	vor.u32 v2, v32;
	_ =	sdelay $0x3  }
0x93: {  	v35 =	vbroadcast v4, $0x2;
	[tilespmem:v34+s26+$0x0] =	vst.idx.msk $0xffff, v7  }
0x94: {  	v5 =	vor.u32 v3, v5;
	v6 =	vld.idx.msk [tilespmem:v6+s25+$0x0], $0xffff  }
0x95: {  	s8 =	sadd.s32 $0xA, s30;
	v36 =	vor.u32 v0, v35  }
0x96: {  	v37 =	vmov s8  }
0x97: {  	v38 =	vshll.u32 v37, $0x3  }
0x98: {  	v9 =	vand.u32 $0x7A, v37;
	v10 =	vand.u32 $0xC00, v38  }
0x99: {  	[tilespmem:v5+s26+$0x0] =	vst.idx.msk $0xffff, v6;
	v5 =	vor.u32 v9, v10  }
0x9a: {  	v6 =	vld.idx.msk [tilespmem:v36+s31+$0x0], $0xffff;
	v39 =	vor.u32 v1, v5  }
0x9b: {  	v7 =	vor.u32 v2, v35;
	_ =	sdelay $0x3  }
0x9c: {  	v40 =	vbroadcast v4, $0x3;
	[tilespmem:v39+s26+$0x0] =	vst.idx.msk $0xffff, v6  }
0x9d: {  	v5 =	vor.u32 v3, v5;
	v7 =	vld.idx.msk [tilespmem:v7+s31+$0x0], $0xffff  }
0x9e: {  	s16 =	sadd.s32 $0xB, s30;
	v41 =	vor.u32 v0, v40  }
0x9f: {  	v42 =	vmov s16  }
0xa0: {  	v43 =	vshll.u32 v42, $0x3  }
0xa1: {  	v9 =	vand.u32 $0x7B, v42;
	v10 =	vand.u32 $0xC00, v43  }
0xa2: {  	[tilespmem:v5+s26+$0x0] =	vst.idx.msk $0xffff, v7;
	v5 =	vor.u32 v9, v10  }
0xa3: {  	v7 =	vld.idx.msk [tilespmem:v41+s10+$0x0], $0xffff;
	v44 =	vor.u32 v1, v5  }
0xa4: {  	v6 =	vor.u32 v2, v40;
	_ =	sdelay $0x3  }
0xa5: {  	v45 =	vbroadcast v4, $0x4;
	[tilespmem:v44+s26+$0x0] =	vst.idx.msk $0xffff, v7  }
0xa6: {  	v5 =	vor.u32 v3, v5;
	v6 =	vld.idx.msk [tilespmem:v6+s10+$0x0], $0xffff  }
0xa7: {  	s8 =	sadd.s32 $0xC, s30;
	v46 =	vor.u32 v0, v45  }
0xa8: {  	v47 =	vmov s8  }
0xa9: {  	v48 =	vshll.u32 v47, $0x3  }
0xaa: {  	v9 =	vand.u32 $0x7C, v47;
	v10 =	vand.u32 $0xC00, v48  }
0xab: {  	[tilespmem:v5+s26+$0x0] =	vst.idx.msk $0xffff, v6;
	v5 =	vor.u32 v9, v10  }
0xac: {  	v6 =	vld.idx.msk [tilespmem:v46+s17+$0x0], $0xffff;
	v49 =	vor.u32 v1, v5  }
0xad: {  	v7 =	vor.u32 v2, v45;
	_ =	sdelay $0x3  }
0xae: {  	v50 =	vbroadcast v4, $0x5;
	[tilespmem:v49+s26+$0x0] =	vst.idx.msk $0xffff, v6  }
0xaf: {  	v5 =	vor.u32 v3, v5;
	v7 =	vld.idx.msk [tilespmem:v7+s17+$0x0], $0xffff  }
0xb0: {  	s16 =	sadd.s32 $0xD, s30;
	v51 =	vor.u32 v0, v50  }
0xb1: {  	v52 =	vmov s16  }
0xb2: {  	v53 =	vshll.u32 v52, $0x3  }
0xb3: {  	v9 =	vand.u32 $0x7D, v52;
	v10 =	vand.u32 $0xC00, v53  }
0xb4: {  	[tilespmem:v5+s26+$0x0] =	vst.idx.msk $0xffff, v7;
	v5 =	vor.u32 v9, v10  }
0xb5: {  	v7 =	vld.idx.msk [tilespmem:v51+s24+$0x0], $0xffff;
	v54 =	vor.u32 v1, v5  }
0xb6: {  	v6 =	vor.u32 v2, v50;
	_ =	sdelay $0x3  }
0xb7: {  	v55 =	vbroadcast v4, $0x6;
	[tilespmem:v54+s26+$0x0] =	vst.idx.msk $0xffff, v7  }
0xb8: {  	v5 =	vor.u32 v3, v5;
	v6 =	vld.idx.msk [tilespmem:v6+s24+$0x0], $0xffff  }
0xb9: {  	s8 =	sadd.s32 $0xE, s30;
	v56 =	vor.u32 v0, v55  }
0xba: {  	v57 =	vmov s8  }
0xbb: {  	v58 =	vshll.u32 v57, $0x3  }
0xbc: {  	v9 =	vand.u32 $0x7E, v57;
	v10 =	vand.u32 $0xC00, v58  }
0xbd: {  	[tilespmem:v5+s26+$0x0] =	vst.idx.msk $0xffff, v6;
	v5 =	vor.u32 v9, v10  }
0xbe: {  	v6 =	vld.idx.msk [tilespmem:v56+s2+$0x0], $0xffff;
	v59 =	vor.u32 v1, v5  }
0xbf: {  	v7 =	vor.u32 v2, v55;
	_ =	sdelay $0x3  }
0xc0: {  	v4 =	vbroadcast v4, $0x7;
	[tilespmem:v59+s26+$0x0] =	vst.idx.msk $0xffff, v6  }
0xc1: {  	v5 =	vor.u32 v3, v5;
	v6 =	vld.idx.msk [tilespmem:v7+s2+$0x0], $0xffff  }
0xc2: {  	s16 =	sadd.s32 $0xF, s30;
	v60 =	vor.u32 v0, v4  }
0xc3: {  	v61 =	vmov s16  }
0xc4: {  	v62 =	vshll.u32 v61, $0x3  }
0xc5: {  	v8 =	vand.u32 $0x7F, v61;
	v9 =	vand.u32 $0xC00, v62  }
0xc6: {  	[tilespmem:v5+s26+$0x0] =	vst.idx.msk $0xffff, v6;
	v5 =	vor.u32 v8, v9  }
0xc7: {  	v6 =	vld.idx.msk [tilespmem:v60+s13+$0x0], $0xffff;
	v63 =	vor.u32 v1, v5  }
0xc8: {  	v4 =	vor.u32 v2, v4;
	_ =	sdelay $0x3  }
0xc9: {  	s30 =	sadd.s32 $0x10, s30;
	[tilespmem:v63+s26+$0x0] =	vst.idx.msk $0xffff, v6  }
0xca: {  	p0 =	sne.s32 s30, $0x200;
	v5 =	vor.u32 v3, v5;
	v4 =	vld.idx.msk [tilespmem:v4+s13+$0x0], $0xffff  }
.Ltmp3:
0xcb: {  	_ = 	snop;
	(pc) =	sbr.rel @!p0 .LBB2_5-.Ltmp3, $2  }
0xcc: {  	_ =	sdelay $0x2  }
0xcd: {  	s29 =	sadd.s32 $0x10, s29;
	[tilespmem:v5+s26+$0x0] =	vst.idx.msk $0xffff, v4  }
.LBB2_2:
0xce: {  	v4 =	vld [tilespmem:s29+$0x0];
	_ =	sdelay $0x4  }
0xcf: {  	v4 =	vand.u32 $0xFFFFFF80, v4  }
0xd0: {  	(v2sf) =	vpush v4, $0x0;
	_ =	sdelay $0x8  }
0xd1: {  	(v2sf) =	vpush v4, $0x1;
	_ =	sdelay $0x5  }
0xd2: {  	s5 =	spop (v2sf)  }
0xd3: {  	s8 =	sadd.s32 s1, s5  }
0xd4: {  	[tilespmem:s20], [sflag:$0x1] =	stream.linear.gather [hbm4b:s8+s3], $0x400, $0x38;
	[tilespmem:$0x14280] =	vst v63  }
0xd5: {  	(v2sf) =	vpush v4, $0x2;
	s16 =	sadd.s32 s5, s4  }
0xd6: {  	[tilespmem:s12], [sflag:$0x1] =	stream.linear.gather [hbm4b:s16+s3], $0x400, $0x38;
	[tilespmem:$0x14280] =	vst v63  }
0xd7: {  	s8 =	sadd.s32 s5, s6;
	s16 =	simm.s32 $0x8A80  }
0xd8: {  	[tilespmem:s16], [sflag:$0x1] =	stream.linear.gather [hbm4b:s8+s3], $0x400, $0x38;
	[tilespmem:$0x14280] =	vst v63  }
0xd9: {  	s5 =	sadd.s32 s5, s7;
	s16 =	simm.s32 $0x8E80  }
0xda: {  	[tilespmem:s16], [sflag:$0x1] =	stream.linear.gather [hbm4b:s5+s3], $0x400, $0x38;
	[tilespmem:$0x14280] =	vst v63  }
0xdb: {  	s5 =	spop (v2sf)  }
0xdc: {  	s16 =	sadd.s32 s1, s5  }
0xdd: {  	[tilespmem:s25], [sflag:$0x1] =	stream.linear.gather [hbm4b:s16+s3], $0x400, $0x38;
	[tilespmem:$0x14280] =	vst v63  }
0xde: {  	(v2sf) =	vpush v4, $0x3;
	s8 =	sadd.s32 s5, s4;
	s16 =	simm.s32 $0x9680  }
0xdf: {  	[tilespmem:s16], [sflag:$0x1] =	stream.linear.gather [hbm4b:s8+s3], $0x400, $0x38;
	[tilespmem:$0x14280] =	vst v63  }
0xe0: {  	s8 =	sadd.s32 s5, s6;
	s16 =	simm.s32 $0x9A80  }
0xe1: {  	[tilespmem:s16], [sflag:$0x1] =	stream.linear.gather [hbm4b:s8+s3], $0x400, $0x38;
	[tilespmem:$0x14280] =	vst v63  }
0xe2: {  	s5 =	sadd.s32 s5, s7;
	s16 =	simm.s32 $0x9E80  }
0xe3: {  	[tilespmem:s16], [sflag:$0x1] =	stream.linear.gather [hbm4b:s5+s3], $0x400, $0x38;
	[tilespmem:$0x14280] =	vst v63  }
0xe4: {  	s5 =	spop (v2sf)  }
0xe5: {  	s16 =	sadd.s32 s1, s5  }
0xe6: {  	[tilespmem:s31], [sflag:$0x1] =	stream.linear.gather [hbm4b:s16+s3], $0x400, $0x38;
	[tilespmem:$0x14280] =	vst v63  }
0xe7: {  	(v2sf) =	vpush v4, $0x4;
	s8 =	sadd.s32 s5, s4;
	s16 =	simm.s32 $0xA680  }
0xe8: {  	[tilespmem:s16], [sflag:$0x1] =	stream.linear.gather [hbm4b:s8+s3], $0x400, $0x38;
	[tilespmem:$0x14280] =	vst v63  }
0xe9: {  	s8 =	sadd.s32 s5, s6;
	s16 =	simm.s32 $0xAA80  }
0xea: {  	[tilespmem:s16], [sflag:$0x1] =	stream.linear.gather [hbm4b:s8+s3], $0x400, $0x38;
	[tilespmem:$0x14280] =	vst v63  }
0xeb: {  	s5 =	sadd.s32 s5, s7;
	s16 =	simm.s32 $0xAE80  }
0xec: {  	[tilespmem:s16], [sflag:$0x1] =	stream.linear.gather [hbm4b:s5+s3], $0x400, $0x38;
	[tilespmem:$0x14280] =	vst v63  }
0xed: {  	s5 =	spop (v2sf)  }
0xee: {  	s16 =	sadd.s32 s1, s5  }
0xef: {  	[tilespmem:s10], [sflag:$0x1] =	stream.linear.gather [hbm4b:s16+s3], $0x400, $0x38;
	[tilespmem:$0x14280] =	vst v63  }
0xf0: {  	(v2sf) =	vpush v4, $0x5;
	s8 =	sadd.s32 s5, s4;
	s16 =	simm.s32 $0xB680  }
0xf1: {  	[tilespmem:s16], [sflag:$0x1] =	stream.linear.gather [hbm4b:s8+s3], $0x400, $0x38;
	[tilespmem:$0x14280] =	vst v63  }
0xf2: {  	s8 =	sadd.s32 s5, s6;
	s16 =	simm.s32 $0xBA80  }
0xf3: {  	[tilespmem:s16], [sflag:$0x1] =	stream.linear.gather [hbm4b:s8+s3], $0x400, $0x38;
	[tilespmem:$0x14280] =	vst v63  }
0xf4: {  	s5 =	sadd.s32 s5, s7;
	s16 =	simm.s32 $0xBE80  }
0xf5: {  	[tilespmem:s16], [sflag:$0x1] =	stream.linear.gather [hbm4b:s5+s3], $0x400, $0x38;
	[tilespmem:$0x14280] =	vst v63  }
0xf6: {  	s5 =	spop (v2sf)  }
0xf7: {  	(v2sf) =	vpush v4, $0x6;
	s16 =	sadd.s32 s1, s5  }
0xf8: {  	[tilespmem:s17], [sflag:$0x1] =	stream.linear.gather [hbm4b:s16+s3], $0x400, $0x38;
	[tilespmem:$0x14280] =	vst v63  }
0xf9: {  	s8 =	sadd.s32 s5, s4;
	s16 =	simm.s32 $0xC680  }
0xfa: {  	[tilespmem:s16], [sflag:$0x1] =	stream.linear.gather [hbm4b:s8+s3], $0x400, $0x38;
	[tilespmem:$0x14280] =	vst v63  }
0xfb: {  	s8 =	sadd.s32 s5, s6;
	s16 =	simm.s32 $0xCA80  }
0xfc: {  	[tilespmem:s16], [sflag:$0x1] =	stream.linear.gather [hbm4b:s8+s3], $0x400, $0x38;
	[tilespmem:$0x14280] =	vst v63  }
0xfd: {  	s5 =	sadd.s32 s5, s7;
	s16 =	simm.s32 $0xCE80  }
0xfe: {  	[tilespmem:s16], [sflag:$0x1] =	stream.linear.gather [hbm4b:s5+s3], $0x400, $0x38;
	[tilespmem:$0x14280] =	vst v63  }
0xff: {  	s5 =	spop (v2sf);
	(v2sf) =	vpush v4, $0x7  }
0x100: {  	s16 =	sadd.s32 s1, s5  }
0x101: {  	[tilespmem:s24], [sflag:$0x1] =	stream.linear.gather [hbm4b:s16+s3], $0x400, $0x38;
	[tilespmem:$0x14280] =	vst v63  }
0x102: {  	s8 =	sadd.s32 s5, s4;
	s16 =	simm.s32 $0xD680  }
0x103: {  	[tilespmem:s16], [sflag:$0x1] =	stream.linear.gather [hbm4b:s8+s3], $0x400, $0x38;
	[tilespmem:$0x14280] =	vst v63  }
0x104: {  	s8 =	sadd.s32 s5, s6;
	s16 =	simm.s32 $0xDA80  }
0x105: {  	[tilespmem:s16], [sflag:$0x1] =	stream.linear.gather [hbm4b:s8+s3], $0x400, $0x38;
	[tilespmem:$0x14280] =	vst v63  }
0x106: {  	s5 =	sadd.s32 s5, s7;
	s16 =	simm.s32 $0xDE80;
	s8 =	spop (v2sf)  }
0x107: {  	[tilespmem:s16], [sflag:$0x1] =	stream.linear.gather [hbm4b:s5+s3], $0x400, $0x38;
	[tilespmem:$0x14280] =	vst v63  }
0x108: {  	s16 =	sadd.s32 s1, s8  }
0x109: {  	[tilespmem:s2], [sflag:$0x1] =	stream.linear.gather [hbm4b:s16+s3], $0x400, $0x38;
	[tilespmem:$0x14280] =	vst v63  }
0x10a: {  	s5 =	sadd.s32 s8, s4;
	s16 =	simm.s32 $0xE680  }
0x10b: {  	[tilespmem:s16], [sflag:$0x1] =	stream.linear.gather [hbm4b:s5+s3], $0x400, $0x38;
	[tilespmem:$0x14280] =	vst v63  }
0x10c: {  	s5 =	sadd.s32 s8, s6;
	s16 =	simm.s32 $0xEA80  }
0x10d: {  	[tilespmem:s16], [sflag:$0x1] =	stream.linear.gather [hbm4b:s5+s3], $0x400, $0x38;
	[tilespmem:$0x14280] =	vst v63  }
0x10e: {  	s8 =	sadd.s32 s8, s7;
	s16 =	simm.s32 $0xEE80;
	s5 =	spop (v2sf)  }
0x10f: {  	[tilespmem:s16], [sflag:$0x1] =	stream.linear.gather [hbm4b:s8+s3], $0x400, $0x38;
	[tilespmem:$0x14280] =	vst v63  }
0x110: {  	s16 =	sadd.s32 s1, s5  }
0x111: {  	[tilespmem:s13], [sflag:$0x1] =	stream.linear.gather [hbm4b:s16+s3], $0x400, $0x38;
	[tilespmem:$0x14280] =	vst v63  }
0x112: {  	s8 =	sadd.s32 s5, s4;
	s16 =	simm.s32 $0xF680  }
0x113: {  	[tilespmem:s16], [sflag:$0x1] =	stream.linear.gather [hbm4b:s8+s3], $0x400, $0x38;
	[tilespmem:$0x14280] =	vst v63  }
0x114: {  	s16 =	sadd.s32 s5, s6  }
0x115: {  	[tilespmem:s18], [sflag:$0x1] =	stream.linear.gather [hbm4b:s16+s3], $0x400, $0x38;
	[tilespmem:$0x14280] =	vst v63  }
0x116: {  	s5 =	sadd.s32 s5, s7  }
0x117: {  	[tilespmem:s21], [sflag:$0x1] =	stream.linear.gather [hbm4b:s5+s3], $0x400, $0x38;
	[tilespmem:$0x14280] =	vst v63  }
0x118: {  	v4 =	vld [tilespmem:s29+$0xFFFFFFF8];
	_ =	swait.ge [sflag:s22], $0x1000  }
0x119: {  	[sflag:s22] =	ssyncset.done $0x0  }
0x11a: {  	[sflag:s22] =	ssyncadd.s32 $0xFFFFF000  }
0x11b: {  	_ =	swait.ge [sflag:s22], $0x1000  }
0x11c: {  	[sflag:s22] =	ssyncset.done $0x0  }
0x11d: {  	[sflag:s22] =	ssyncadd.s32 $0xFFFFF000  }
0x11e: {  	_ =	swait.ge [sflag:s22], $0x1000  }
0x11f: {  	[sflag:s22] =	ssyncset.done $0x0  }
0x120: {  	[sflag:s22] =	ssyncadd.s32 $0xFFFFF000  }
0x121: {  	_ =	swait.ge [sflag:s22], $0x1000  }
0x122: {  	[sflag:s22] =	ssyncset.done $0x0  }
0x123: {  	[sflag:s22] =	ssyncadd.s32 $0xFFFFF000  }
0x124: {  	_ =	swait.ge [sflag:s22], $0x1000  }
0x125: {  	[sflag:s22] =	ssyncset.done $0x0  }
0x126: {  	[sflag:s22] =	ssyncadd.s32 $0xFFFFF000  }
0x127: {  	_ =	swait.ge [sflag:s22], $0x1000  }
0x128: {  	v4 =	vand.u32 $0x7F, v4;
	[sflag:s22] =	ssyncset.done $0x0  }
0x129: {  	v5 =	vbroadcast v4, $0x0;
	[sflag:s22] =	ssyncadd.s32 $0xFFFFF000  }
0x12a: {  	_ =	swait.ge [sflag:s22], $0x1000  }
0x12b: {  	v6 =	vor.u32 v0, v5;
	[sflag:s22] =	ssyncset.done $0x0  }
0x12c: {  	v7 =	vmov s30;
	[sflag:s22] =	ssyncadd.s32 $0xFFFFF000  }
0x12d: {  	v8 =	vshll.u32 v7, $0x3;
	_ =	swait.ge [sflag:s22], $0x1000  }
0x12e: {  	v7 =	vand.u32 $0x70, v7;
	v8 =	vand.u32 $0xC00, v8;
	[sflag:s22] =	ssyncset.done $0x0  }
0x12f: {  	v7 =	vor.u32 v7, v8;
	[sflag:s22] =	ssyncadd.s32 $0xFFFFF000  }
0x130: {  	v8 =	vor.u32 v1, v7;
	v6 =	vld.idx.msk [tilespmem:v6+s11+$0x0], $0xffff  }
0x131: {  	v5 =	vor.u32 v2, v5;
	_ =	sdelay $0x3  }
0x132: {  	v32 =	vbroadcast v4, $0x1;
	[tilespmem:v8+s26+$0x0] =	vst.idx.msk $0xffff, v6  }
0x133: {  	v7 =	vor.u32 v3, v7;
	v5 =	vld.idx.msk [tilespmem:v5+s11+$0x0], $0xffff  }
0x134: {  	s16 =	sadd.s32 $0x1, s30;
	v33 =	vor.u32 v0, v32  }
0x135: {  	v9 =	vmov s16  }
0x136: {  	v10 =	vshll.u32 v9, $0x3  }
0x137: {  	v9 =	vand.u32 $0x71, v9;
	v10 =	vand.u32 $0xC00, v10  }
0x138: {  	[tilespmem:v7+s26+$0x0] =	vst.idx.msk $0xffff, v5;
	v5 =	vor.u32 v9, v10  }
0x139: {  	v7 =	vld.idx.msk [tilespmem:v33+s15+$0x0], $0xffff;
	v34 =	vor.u32 v1, v5  }
0x13a: {  	v6 =	vor.u32 v2, v32;
	_ =	sdelay $0x3  }
0x13b: {  	v35 =	vbroadcast v4, $0x2;
	[tilespmem:v34+s26+$0x0] =	vst.idx.msk $0xffff, v7  }
0x13c: {  	v5 =	vor.u32 v3, v5;
	v6 =	vld.idx.msk [tilespmem:v6+s15+$0x0], $0xffff  }
0x13d: {  	s8 =	sadd.s32 $0x2, s30;
	v36 =	vor.u32 v0, v35  }
0x13e: {  	v37 =	vmov s8  }
0x13f: {  	v38 =	vshll.u32 v37, $0x3  }
0x140: {  	v9 =	vand.u32 $0x72, v37;
	v10 =	vand.u32 $0xC00, v38  }
0x141: {  	[tilespmem:v5+s26+$0x0] =	vst.idx.msk $0xffff, v6;
	v5 =	vor.u32 v9, v10  }
0x142: {  	v6 =	vld.idx.msk [tilespmem:v36+s19+$0x0], $0xffff;
	v39 =	vor.u32 v1, v5  }
0x143: {  	v7 =	vor.u32 v2, v35;
	_ =	sdelay $0x3  }
0x144: {  	v40 =	vbroadcast v4, $0x3;
	[tilespmem:v39+s26+$0x0] =	vst.idx.msk $0xffff, v6  }
0x145: {  	v5 =	vor.u32 v3, v5;
	v7 =	vld.idx.msk [tilespmem:v7+s19+$0x0], $0xffff  }
0x146: {  	s16 =	sadd.s32 $0x3, s30;
	v41 =	vor.u32 v0, v40  }
0x147: {  	v42 =	vmov s16  }
0x148: {  	v43 =	vshll.u32 v42, $0x3  }
0x149: {  	v9 =	vand.u32 $0x73, v42;
	v10 =	vand.u32 $0xC00, v43  }
0x14a: {  	[tilespmem:v5+s26+$0x0] =	vst.idx.msk $0xffff, v7;
	v5 =	vor.u32 v9, v10  }
0x14b: {  	v7 =	vld.idx.msk [tilespmem:v41+s23+$0x0], $0xffff;
	v44 =	vor.u32 v1, v5  }
0x14c: {  	v6 =	vor.u32 v2, v40;
	_ =	sdelay $0x3  }
0x14d: {  	v45 =	vbroadcast v4, $0x4;
	[tilespmem:v44+s26+$0x0] =	vst.idx.msk $0xffff, v7  }
0x14e: {  	v5 =	vor.u32 v3, v5;
	v6 =	vld.idx.msk [tilespmem:v6+s23+$0x0], $0xffff  }
0x14f: {  	s8 =	sadd.s32 $0x4, s30;
	v46 =	vor.u32 v0, v45  }
0x150: {  	v47 =	vmov s8  }
0x151: {  	v48 =	vshll.u32 v47, $0x3  }
0x152: {  	v9 =	vand.u32 $0x74, v47;
	v10 =	vand.u32 $0xC00, v48  }
0x153: {  	[tilespmem:v5+s26+$0x0] =	vst.idx.msk $0xffff, v6;
	v5 =	vor.u32 v9, v10  }
0x154: {  	v6 =	vld.idx.msk [tilespmem:v46+s28+$0x0], $0xffff;
	v49 =	vor.u32 v1, v5  }
0x155: {  	v7 =	vor.u32 v2, v45;
	_ =	sdelay $0x3  }
0x156: {  	v50 =	vbroadcast v4, $0x5;
	[tilespmem:v49+s26+$0x0] =	vst.idx.msk $0xffff, v6  }
0x157: {  	v5 =	vor.u32 v3, v5;
	v7 =	vld.idx.msk [tilespmem:v7+s28+$0x0], $0xffff  }
0x158: {  	s16 =	sadd.s32 $0x5, s30;
	v51 =	vor.u32 v0, v50  }
0x159: {  	v52 =	vmov s16  }
0x15a: {  	v53 =	vshll.u32 v52, $0x3  }
0x15b: {  	v9 =	vand.u32 $0x75, v52;
	v10 =	vand.u32 $0xC00, v53  }
0x15c: {  	[tilespmem:v5+s26+$0x0] =	vst.idx.msk $0xffff, v7;
	v5 =	vor.u32 v9, v10  }
0x15d: {  	v7 =	vld.idx.msk [tilespmem:v51+s0+$0x0], $0xffff;
	v54 =	vor.u32 v1, v5  }
0x15e: {  	v6 =	vor.u32 v2, v50;
	_ =	sdelay $0x3  }
0x15f: {  	v55 =	vbroadcast v4, $0x6;
	[tilespmem:v54+s26+$0x0] =	vst.idx.msk $0xffff, v7  }
0x160: {  	v5 =	vor.u32 v3, v5;
	v6 =	vld.idx.msk [tilespmem:v6+s0+$0x0], $0xffff  }
0x161: {  	s8 =	sadd.s32 $0x6, s30;
	v56 =	vor.u32 v0, v55  }
0x162: {  	v57 =	vmov s8  }
0x163: {  	v58 =	vshll.u32 v57, $0x3  }
0x164: {  	v9 =	vand.u32 $0x76, v57;
	v10 =	vand.u32 $0xC00, v58  }
0x165: {  	[tilespmem:v5+s26+$0x0] =	vst.idx.msk $0xffff, v6;
	v5 =	vor.u32 v9, v10  }
0x166: {  	v6 =	vld.idx.msk [tilespmem:v56+s9+$0x0], $0xffff;
	v59 =	vor.u32 v1, v5  }
0x167: {  	v7 =	vor.u32 v2, v55;
	_ =	sdelay $0x3  }
0x168: {  	v4 =	vbroadcast v4, $0x7;
	[tilespmem:v59+s26+$0x0] =	vst.idx.msk $0xffff, v6  }
0x169: {  	v5 =	vor.u32 v3, v5;
	v6 =	vld.idx.msk [tilespmem:v7+s9+$0x0], $0xffff  }
0x16a: {  	s16 =	sadd.s32 $0x7, s30;
	v60 =	vor.u32 v0, v4  }
0x16b: {  	v61 =	vmov s16  }
0x16c: {  	v62 =	vshll.u32 v61, $0x3  }
0x16d: {  	v8 =	vand.u32 $0x77, v61;
	v9 =	vand.u32 $0xC00, v62  }
0x16e: {  	[tilespmem:v5+s26+$0x0] =	vst.idx.msk $0xffff, v6;
	v5 =	vor.u32 v8, v9  }
0x16f: {  	v6 =	vld.idx.msk [tilespmem:v60+s14+$0x0], $0xffff;
	v63 =	vor.u32 v1, v5  }
0x170: {  	v4 =	vor.u32 v2, v4;
	_ =	sdelay $0x3  }
0x171: {  	[tilespmem:v63+s26+$0x0] =	vst.idx.msk $0xffff, v6  }
0x172: {  	p0 =	seq.s32 s30, $0x1F0;
	v5 =	vor.u32 v3, v5;
	v4 =	vld.idx.msk [tilespmem:v4+s14+$0x0], $0xffff  }
.Ltmp4:
0x173: {  	_ = 	snop;
	(pc) =	sbr.rel @p0 .LBB2_4-.Ltmp4, $2  }
0x174: {  	_ =	sdelay $0x2  }
0x175: {  	[tilespmem:v5+s26+$0x0] =	vst.idx.msk $0xffff, v4  }
0x176: {  	v4 =	vld [tilespmem:s29+$0x8];
	_ =	sdelay $0x4  }
0x177: {  	v4 =	vand.u32 $0xFFFFFF80, v4  }
0x178: {  	(v2sf) =	vpush v4, $0x0;
	_ =	sdelay $0x8  }
0x179: {  	(v2sf) =	vpush v4, $0x1;
	_ =	sdelay $0x5  }
0x17a: {  	s5 =	spop (v2sf)  }
0x17b: {  	s8 =	sadd.s32 s1, s5  }
0x17c: {  	[tilespmem:s11], [sflag:$0x1] =	stream.linear.gather [hbm4b:s8+s3], $0x400, $0x38;
	[tilespmem:$0x14280] =	vst v63  }
0x17d: {  	s12 =	simm.s32 $0x680;
	(v2sf) =	vpush v4, $0x2;
	s16 =	sadd.s32 s5, s4  }
0x17e: {  	[tilespmem:s12], [sflag:$0x1] =	stream.linear.gather [hbm4b:s16+s3], $0x400, $0x38;
	[tilespmem:$0x14280] =	vst v63  }
0x17f: {  	s12 =	sadd.s32 s5, s6;
	s16 =	simm.s32 $0xA80  }
0x180: {  	[tilespmem:s16], [sflag:$0x1] =	stream.linear.gather [hbm4b:s12+s3], $0x400, $0x38;
	[tilespmem:$0x14280] =	vst v63  }
0x181: {  	s5 =	sadd.s32 s5, s7;
	s12 =	simm.s32 $0xE80  }
0x182: {  	[tilespmem:s12], [sflag:$0x1] =	stream.linear.gather [hbm4b:s5+s3], $0x400, $0x38;
	[tilespmem:$0x14280] =	vst v63  }
0x183: {  	s5 =	spop (v2sf)  }
0x184: {  	s16 =	sadd.s32 s1, s5  }
0x185: {  	[tilespmem:s15], [sflag:$0x1] =	stream.linear.gather [hbm4b:s16+s3], $0x400, $0x38;
	[tilespmem:$0x14280] =	vst v63  }
0x186: {  	(v2sf) =	vpush v4, $0x3;
	s12 =	sadd.s32 s5, s4;
	s16 =	simm.s32 $0x1680  }
0x187: {  	[tilespmem:s16], [sflag:$0x1] =	stream.linear.gather [hbm4b:s12+s3], $0x400, $0x38;
	[tilespmem:$0x14280] =	vst v63  }
0x188: {  	s12 =	sadd.s32 s5, s6;
	s16 =	simm.s32 $0x1A80  }
0x189: {  	[tilespmem:s16], [sflag:$0x1] =	stream.linear.gather [hbm4b:s12+s3], $0x400, $0x38;
	[tilespmem:$0x14280] =	vst v63  }
0x18a: {  	s5 =	sadd.s32 s5, s7;
	s12 =	simm.s32 $0x1E80  }
0x18b: {  	[tilespmem:s12], [sflag:$0x1] =	stream.linear.gather [hbm4b:s5+s3], $0x400, $0x38;
	[tilespmem:$0x14280] =	vst v63  }
0x18c: {  	s5 =	spop (v2sf)  }
0x18d: {  	s16 =	sadd.s32 s1, s5  }
0x18e: {  	[tilespmem:s19], [sflag:$0x1] =	stream.linear.gather [hbm4b:s16+s3], $0x400, $0x38;
	[tilespmem:$0x14280] =	vst v63  }
0x18f: {  	(v2sf) =	vpush v4, $0x4;
	s12 =	sadd.s32 s5, s4;
	s16 =	simm.s32 $0x2680  }
0x190: {  	[tilespmem:s16], [sflag:$0x1] =	stream.linear.gather [hbm4b:s12+s3], $0x400, $0x38;
	[tilespmem:$0x14280] =	vst v63  }
0x191: {  	s12 =	sadd.s32 s5, s6;
	s16 =	simm.s32 $0x2A80  }
0x192: {  	[tilespmem:s16], [sflag:$0x1] =	stream.linear.gather [hbm4b:s12+s3], $0x400, $0x38;
	[tilespmem:$0x14280] =	vst v63  }
0x193: {  	s5 =	sadd.s32 s5, s7;
	s12 =	simm.s32 $0x2E80  }
0x194: {  	[tilespmem:s12], [sflag:$0x1] =	stream.linear.gather [hbm4b:s5+s3], $0x400, $0x38;
	[tilespmem:$0x14280] =	vst v63  }
0x195: {  	s5 =	spop (v2sf)  }
0x196: {  	s16 =	sadd.s32 s1, s5  }
0x197: {  	[tilespmem:s23], [sflag:$0x1] =	stream.linear.gather [hbm4b:s16+s3], $0x400, $0x38;
	[tilespmem:$0x14280] =	vst v63  }
0x198: {  	(v2sf) =	vpush v4, $0x5;
	s12 =	sadd.s32 s5, s4;
	s16 =	simm.s32 $0x3680  }
0x199: {  	[tilespmem:s16], [sflag:$0x1] =	stream.linear.gather [hbm4b:s12+s3], $0x400, $0x38;
	[tilespmem:$0x14280] =	vst v63  }
0x19a: {  	s12 =	sadd.s32 s5, s6;
	s16 =	simm.s32 $0x3A80  }
0x19b: {  	[tilespmem:s16], [sflag:$0x1] =	stream.linear.gather [hbm4b:s12+s3], $0x400, $0x38;
	[tilespmem:$0x14280] =	vst v63  }
0x19c: {  	s5 =	sadd.s32 s5, s7;
	s12 =	simm.s32 $0x3E80  }
0x19d: {  	[tilespmem:s12], [sflag:$0x1] =	stream.linear.gather [hbm4b:s5+s3], $0x400, $0x38;
	[tilespmem:$0x14280] =	vst v63  }
0x19e: {  	s5 =	spop (v2sf)  }
0x19f: {  	(v2sf) =	vpush v4, $0x6;
	s16 =	sadd.s32 s1, s5  }
0x1a0: {  	[tilespmem:s28], [sflag:$0x1] =	stream.linear.gather [hbm4b:s16+s3], $0x400, $0x38;
	[tilespmem:$0x14280] =	vst v63  }
0x1a1: {  	s12 =	sadd.s32 s5, s4;
	s16 =	simm.s32 $0x4680  }
0x1a2: {  	[tilespmem:s16], [sflag:$0x1] =	stream.linear.gather [hbm4b:s12+s3], $0x400, $0x38;
	[tilespmem:$0x14280] =	vst v63  }
0x1a3: {  	s12 =	sadd.s32 s5, s6;
	s16 =	simm.s32 $0x4A80  }
0x1a4: {  	[tilespmem:s16], [sflag:$0x1] =	stream.linear.gather [hbm4b:s12+s3], $0x400, $0x38;
	[tilespmem:$0x14280] =	vst v63  }
0x1a5: {  	s5 =	sadd.s32 s5, s7;
	s12 =	simm.s32 $0x4E80  }
0x1a6: {  	[tilespmem:s12], [sflag:$0x1] =	stream.linear.gather [hbm4b:s5+s3], $0x400, $0x38;
	[tilespmem:$0x14280] =	vst v63  }
0x1a7: {  	s5 =	spop (v2sf);
	(v2sf) =	vpush v4, $0x7  }
0x1a8: {  	s16 =	sadd.s32 s1, s5  }
0x1a9: {  	[tilespmem:s0], [sflag:$0x1] =	stream.linear.gather [hbm4b:s16+s3], $0x400, $0x38;
	[tilespmem:$0x14280] =	vst v63  }
0x1aa: {  	s12 =	sadd.s32 s5, s4;
	s16 =	simm.s32 $0x5680  }
0x1ab: {  	[tilespmem:s16], [sflag:$0x1] =	stream.linear.gather [hbm4b:s12+s3], $0x400, $0x38;
	[tilespmem:$0x14280] =	vst v63  }
0x1ac: {  	s12 =	sadd.s32 s5, s6;
	s16 =	simm.s32 $0x5A80  }
0x1ad: {  	[tilespmem:s16], [sflag:$0x1] =	stream.linear.gather [hbm4b:s12+s3], $0x400, $0x38;
	[tilespmem:$0x14280] =	vst v63  }
0x1ae: {  	s5 =	sadd.s32 s5, s7;
	s16 =	simm.s32 $0x5E80;
	s8 =	spop (v2sf)  }
0x1af: {  	[tilespmem:s16], [sflag:$0x1] =	stream.linear.gather [hbm4b:s5+s3], $0x400, $0x38;
	[tilespmem:$0x14280] =	vst v63  }
0x1b0: {  	s16 =	sadd.s32 s1, s8  }
0x1b1: {  	[tilespmem:s9], [sflag:$0x1] =	stream.linear.gather [hbm4b:s16+s3], $0x400, $0x38;
	[tilespmem:$0x14280] =	vst v63  }
0x1b2: {  	s12 =	sadd.s32 s8, s4;
	s16 =	simm.s32 $0x6680  }
0x1b3: {  	[tilespmem:s16], [sflag:$0x1] =	stream.linear.gather [hbm4b:s12+s3], $0x400, $0x38;
	[tilespmem:$0x14280] =	vst v63  }
0x1b4: {  	s12 =	sadd.s32 s8, s6;
	s16 =	simm.s32 $0x6A80  }
0x1b5: {  	[tilespmem:s16], [sflag:$0x1] =	stream.linear.gather [hbm4b:s12+s3], $0x400, $0x38;
	[tilespmem:$0x14280] =	vst v63  }
0x1b6: {  	s8 =	sadd.s32 s8, s7;
	s12 =	simm.s32 $0x6E80;
	s5 =	spop (v2sf)  }
0x1b7: {  	[tilespmem:s12], [sflag:$0x1] =	stream.linear.gather [hbm4b:s8+s3], $0x400, $0x38;
	[tilespmem:$0x14280] =	vst v63  }
0x1b8: {  	s16 =	sadd.s32 s1, s5  }
0x1b9: {  	[tilespmem:s14], [sflag:$0x1] =	stream.linear.gather [hbm4b:s16+s3], $0x400, $0x38;
	[tilespmem:$0x14280] =	vst v63  }
0x1ba: {  	s12 =	sadd.s32 s5, s4;
	s16 =	simm.s32 $0x7680  }
0x1bb: {  	[tilespmem:s16], [sflag:$0x1] =	stream.linear.gather [hbm4b:s12+s3], $0x400, $0x38;
	[tilespmem:$0x14280] =	vst v63  }
.Ltmp5:
0x1bc: {  	_ = 	snop;
	(pc) =	sbr.rel .LBB2_4-.Ltmp5, $4  }
0x1bd: {  	s12 =	sadd.s32 s5, s6;
	s16 =	simm.s32 $0x7A80  }
0x1be: {  	[tilespmem:s16], [sflag:$0x1] =	stream.linear.gather [hbm4b:s12+s3], $0x400, $0x38;
	[tilespmem:$0x14280] =	vst v63  }
0x1bf: {  	s5 =	sadd.s32 s5, s7;
	s12 =	simm.s32 $0x8680;
	s16 =	simm.s32 $0x7E80  }
0x1c0: {  	[tilespmem:s16], [sflag:$0x1] =	stream.linear.gather [hbm4b:s5+s3], $0x400, $0x38;
	[tilespmem:$0x14280] =	vst v63  }
.LBB2_6:
0x1c1: {  	_ =	sfence.sel $0x180000  }
0x1c2: {  	[bflag:$0x0] =	sbarrier.arrive $0xFFFF  }
0x1c3: {  	_ =	strace $0x90000047  }
0x1c4: {  	s0 =	stileid.u32;
	[bflag:$0x2] =	sbarrier.arrive $0xFFFF  }
0x1c5: {  	p0 =	sne.s32 s0, $0x0;
	s0 =	rddreg [dreg:$0x3]  }
0x1c6: {  	s0 =	sadd.s32 @!p0 $0x100000, s0  }
0x1c7: {  	[sflag:s0] =	ssyncadd.tile.s32 @!p0 $0x1;
	_ =	shalt  }
.Lfunc_end2:
_tile_overlayer_lowered:
.L_overlay_start_2:
0x1c8: {  	(tag) =	ssettag $0x2  }
0x1c9: {  	s0 =	rddreg [dreg:$0x0];
	s2 =	stileid.u32  }
0x1ca: {  	s1 =	rddreg [dreg:$0x1];
	p0 =	sne.s32 s2, $0x0  }
0x1cb: {  	s3 =	rddreg [dreg:$0x2];
	[bflag:$0x3] =	sbarrier.arrive $0xFFFF;
	s2 =	simm.s32 @!p0 $0x1C02  }
0x1cc: {  	[timem:s3], [sflag:s2] =	dma.local @!p0 [hbm:s0], s1  }
0x1cd: {  	s0 =	simm.s32 @!p0 $0x2  }
0x1ce: {  	_ =	swait.ge @!p0 [sflag:s0], s1  }
0x1cf: {  	s1 =	ssub.s32 @!p0 $0x0, s1;
	[sflag:s0] =	ssyncset.done @!p0 $0x0  }
0x1d0: {  	[sflag:s0] =	ssyncadd.s32 @!p0 s1  }
0x1d1: {  	[bflag:$0x3] =	sbarrier.arrive $0xFFFF  }
0x1d2: {  	_ =	shalt  }

</sc_bundles>
